<compile_context>
chip_gen: v7x
topology: tpu7x:2x2x1
jax: 0.10.2.dev20260603
libtpu: 0.0.44.dev20260713+nightly
codegen_flags: <defaults>
</compile_context>

<pallas_src>
import functools

import jax
import jax.numpy as jnp
from jax import lax
from jax.experimental import pallas as pl
from jax.experimental.pallas import tpu as pltpu
from jax.experimental.pallas import tpu_sc as plsc

N = 10000
E = 320000
D = 128
W = 10

NC = 2
NS = 16
NW = NC * NS
C = 64
CW = 160
GRP = 40
NGRP = CW // GRP
QPG = GRP // 4
EW = C * CW
EPAD = NW * EW
NROW = EPAD // C
RW = NROW // NW
A = 10240
RPS = A // NS


def _sc_prop_kernel(pk_hbm, xs_hbm, out_hbm,
                    pk_v, comb_v, dst_v, b0, b1, b2, b3, prop_sh,
                    sg0, sg1, sg2, sg3, ss0, ss1, ss2, ss3, spk):
    bufs = (b0, b1, b2, b3)
    sgs = (sg0, sg1, sg2, sg3)
    sss = (ss0, ss1, ss2, ss3)
    c = lax.axis_index("c")
    s = lax.axis_index("s")
    wid = s * NC + c

    zero = jnp.zeros((16,), jnp.float32)

    def zrow(r, carry):
        for k in range(8):
            b0[r, pl.ds(k * 16, 16)] = zero
        return carry

    lax.fori_loop(0, C, zrow, 0)
    rbase = s * RPS
    for j in range(RPS // C):
        pltpu.async_copy(b0, prop_sh.at[pl.ds(rbase + j * C, C)], ss0)

    row0 = wid * RW

    def gather(g, buf, sem):
        return pltpu.async_copy(xs_hbm.at[comb_v.at[g]], buf, sem)

    def scatter(g, buf, sem):
        return pltpu.async_copy(buf, prop_sh.at[dst_v.at[g]], sem, add=True)

    def wait_gather(buf, sem):
        pltpu.make_async_copy(xs_hbm.at[comb_v.at[0]], buf, sem).wait()

    def wait_scatter(buf, sem):
        pltpu.make_async_copy(buf, prop_sh.at[dst_v.at[0]], sem).wait()

    for grp in range(NGRP):
        if grp == 0:
            pltpu.async_copy(pk_hbm.at[pl.ds(row0, GRP)], pk_v, spk)
        pltpu.make_async_copy(pk_hbm.at[pl.ds(row0, GRP)], pk_v, spk).wait()

        def urow(r, carry):
            for k in range(C // 16):
                sl = pl.ds(k * 16, 16)
                pk = pk_v[r, sl]
                comb_v[r, sl] = lax.bitwise_and(pk, jnp.int32(0x1FFFF))
            for k in range(C // 16):
                sl = pl.ds(k * 16, 16)
                pk = pk_v[r, sl]
                dst_v[r, sl] = lax.shift_right_logical(pk, jnp.int32(17))
            return carry

        lax.fori_loop(0, GRP, urow, 0)

        if grp == 0:
            gather(1, b1, sg1)
            gather(2, b2, sg2)
            for j in range(RPS // C):
                pltpu.make_async_copy(b0, prop_sh.at[pl.ds(rbase, C)],
                                      ss0).wait()
            plsc.subcore_barrier()
            gather(0, b0, sg0)
        else:
            gather(0, b0, sg0)
            gather(1, b1, sg1)
            gather(2, b2, sg2)

        def quad(q, carry):
            for i in range(4):
                g = 4 * q + i
                j = (i + 3) % 4
                wait_gather(bufs[i], sgs[i])
                scatter(g, bufs[i], sss[i])
                if i == 0:
                    @pl.when(q > 0)
                    def _():
                        wait_scatter(bufs[3], sss[3])

                    gather(g + 3, bufs[3], sgs[3])
                else:
                    @pl.when(q < QPG - 1)
                    def _():
                        wait_scatter(bufs[j], sss[j])
                        gather(g + 3, bufs[j], sgs[j])

            return carry

        lax.fori_loop(0, QPG, quad, 0)
        if grp < NGRP - 1:
            pltpu.async_copy(pk_hbm.at[pl.ds(row0 + (grp + 1) * GRP, GRP)],
                             pk_v, spk)
        for i in range(4):
            wait_scatter(bufs[i], sss[i])

    plsc.subcore_barrier()

    pltpu.sync_copy(prop_sh.at[pl.ds(rbase, RPS)],
                    out_hbm.at[c, pl.ds(rbase, RPS)])


def _tc_scale_kernel(x_ref, e_ref, wl_ref, b_ref, o_ref, y_ref):
    v = pl.program_id(1)
    o_ref[...] = x_ref[...] * e_ref[pl.ds(v, 1), :]
    y_ref[...] = lax.dot_general(x_ref[...], wl_ref[...],
                                 (((1,), (1,)), ((), ())),
                                 preferred_element_type=jnp.float32) + b_ref[...]


def _tc_out_kernel(y_ref, p0_ref, p1_ref, wr_ref, o_ref):
    o_ref[...] = y_ref[...] + lax.dot_general(
        p0_ref[...] + p1_ref[...], wr_ref[...],
        (((1,), (1,)), ((), ())), preferred_element_type=jnp.float32)


def kernel(x, edge_index, edge_weight, cat_list, Wl, bl, Wr, br, edge_emb):
    del cat_list
    x = x.astype(jnp.float32)
    pad = EPAD - E
    src = edge_index[0].astype(jnp.int32)
    w = edge_weight.astype(jnp.int32)
    dst = edge_index[1].astype(jnp.int32)
    pad_idx = jnp.arange(pad, dtype=jnp.int32)
    pad_packed = (pad_idx % N) | ((N + pad_idx % (A - N)) << 17)
    packed = jnp.concatenate(
        [(w * N + src) | (dst << 17), pad_packed]).reshape(NROW, C)

    bias = (bl + br).astype(jnp.float32)[None, :]
    BLK = 2000
    nblk = N // BLK
    xs, y = pl.pallas_call(
        _tc_scale_kernel,
        grid=(nblk, W),
        in_specs=[
            pl.BlockSpec((BLK, D), lambda i, v: (i, 0)),
            pl.BlockSpec((W, D), lambda i, v: (0, 0)),
            pl.BlockSpec((D, D), lambda i, v: (0, 0)),
            pl.BlockSpec((1, D), lambda i, v: (0, 0)),
        ],
        out_specs=[
            pl.BlockSpec((BLK, D), lambda i, v: (v * nblk + i, 0)),
            pl.BlockSpec((BLK, D), lambda i, v: (i, 0)),
        ],
        out_shape=[
            jax.ShapeDtypeStruct((W * N, D), jnp.float32),
            jax.ShapeDtypeStruct((N, D), jnp.float32),
        ],
    )(x, edge_emb, Wl, bias)

    sc = functools.partial(
        pl.kernel,
        out_type=jax.ShapeDtypeStruct((2, A, D), jnp.float32),
        mesh=plsc.VectorSubcoreMesh(core_axis_name="c", subcore_axis_name="s"),
        scratch_types=[
            pltpu.VMEM((GRP, C), jnp.int32),
            pltpu.VMEM((GRP, C), jnp.int32),
            pltpu.VMEM((GRP, C), jnp.int32),
            pltpu.VMEM((C, D), jnp.float32),
            pltpu.VMEM((C, D), jnp.float32),
            pltpu.VMEM((C, D), jnp.float32),
            pltpu.VMEM((C, D), jnp.float32),
            pltpu.VMEM_SHARED((A, D), jnp.float32),
            pltpu.SemaphoreType.DMA,
            pltpu.SemaphoreType.DMA,
            pltpu.SemaphoreType.DMA,
            pltpu.SemaphoreType.DMA,
            pltpu.SemaphoreType.DMA,
            pltpu.SemaphoreType.DMA,
            pltpu.SemaphoreType.DMA,
            pltpu.SemaphoreType.DMA,
            pltpu.SemaphoreType.DMA,
        ],
    )(_sc_prop_kernel)
    prop2 = sc(packed, xs)

    out = pl.pallas_call(
        _tc_out_kernel,
        grid=(nblk,),
        in_specs=[
            pl.BlockSpec((BLK, D), lambda i: (i, 0)),
            pl.BlockSpec((None, BLK, D), lambda i: (0, i, 0)),
            pl.BlockSpec((None, BLK, D), lambda i: (1, i, 0)),
            pl.BlockSpec((D, D), lambda i: (0, 0)),
        ],
        out_specs=pl.BlockSpec((BLK, D), lambda i: (i, 0)),
        out_shape=jax.ShapeDtypeStruct((N, D), jnp.float32),
    )(y, prop2, prop2, Wr)
    return out

# --- scband reference (transcript-rebuilt; emitter-appended) ---
"""Pipeline reference for scband-h-gat-79431125172510 (READ-ONLY COPY).

The authoritative reference and input builder live on the scoring server;
editing this copy changes nothing except your own understanding.
"""

import jax, jax.numpy as jnp
import numpy as np

N = 10000
E = 320000
D = 128

def setup_inputs(seed: int = 0) -> dict:
    key = jax.random.key(seed)
    ks = jax.random.split(key, 10)
    x = jax.random.normal(ks[0], (N, D), dtype=jnp.float32)
    edge_index = jax.random.randint(ks[1], (2, E), 0, N, dtype=jnp.int64 if jax.config.read('jax_enable_x64') else jnp.int32)
    edge_weight = jax.random.randint(ks[2], (E,), 0, 10, dtype=jnp.int32)
    cat_list = jax.random.randint(ks[3], (N,), 0, 4, dtype=jnp.int32)
    # learned parameters of real_GNN (the only branch actually executed)
    scale = 1.0 / np.sqrt(D)
    Wl = jax.random.uniform(ks[4], (D, D), dtype=jnp.float32, minval=-scale, maxval=scale)
    bl = jax.random.uniform(ks[5], (D,), dtype=jnp.float32, minval=-scale, maxval=scale)
    Wr = jax.random.uniform(ks[6], (D, D), dtype=jnp.float32, minval=-scale, maxval=scale)
    br = jax.random.uniform(ks[7], (D,), dtype=jnp.float32, minval=-scale, maxval=scale)
    edge_emb = jax.random.uniform(ks[8], (10, D), dtype=jnp.float32, minval=0.0, maxval=1.0)
    return {"x": x, "edge_index": edge_index, "edge_weight": edge_weight,
            "cat_list": cat_list, "Wl": Wl, "bl": bl, "Wr": Wr, "br": br,
            "edge_emb": edge_emb}

def reference(x, edge_index, edge_weight, cat_list, Wl, bl, Wr, br, edge_emb):
    # H_GAT.forward returns self.real_GNN(x, edge_index, edge_weight) immediately;
    # cat_list and everything after the return statement is dead code.
    src = edge_index[0]
    dst = edge_index[1]
    # message: edge_EMB(edge_weight) * x_j   (x_j = x[src] under source_to_target flow)
    msg = jnp.take(edge_emb, edge_weight, axis=0) * jnp.take(x, src, axis=0)
    # aggregate: scatter-sum over destination nodes
    prop = jax.ops.segment_sum(msg, dst, num_segments=x.shape[0])
    # out = lin_l(x) + lin_r(prop)
    out = x @ Wl.T + bl + prop @ Wr.T + br
    return out

if __name__ == "__main__":
    import jax
    _d = setup_inputs()
    print(jax.jit(kernel)(*tuple(_d.values())))

</pallas_src>

<mosaic_0001>
#map = affine_map<(d0, d1) -> (0, 0)>
#map1 = affine_map<(d0, d1) -> (0, 0, 0)>
module attributes {stable_mosaic.version = 14 : i64} {
  func.func @_sc_prop_kernel(%arg0: i32, %arg1: i32, %arg2: memref<5120x64xi32, #tpu.memory_space<hbm>>, %arg3: memref<100000x128xf32, #tpu.memory_space<hbm>>, %arg4: memref<2x10240x128xf32, #tpu.memory_space<hbm>>, %arg5: memref<40x64xi32, #tpu.memory_space<vmem>>, %arg6: memref<40x64xi32, #tpu.memory_space<vmem>>, %arg7: memref<40x64xi32, #tpu.memory_space<vmem>>, %arg8: memref<64x128xf32, #tpu.memory_space<vmem>>, %arg9: memref<64x128xf32, #tpu.memory_space<vmem>>, %arg10: memref<64x128xf32, #tpu.memory_space<vmem>>, %arg11: memref<64x128xf32, #tpu.memory_space<vmem>>, %arg12: memref<10240x128xf32, #tpu.memory_space<vmem_shared>>, %arg13: memref<!tpu.dma_semaphore, #tpu.memory_space<semaphore_mem>>, %arg14: memref<!tpu.dma_semaphore, #tpu.memory_space<semaphore_mem>>, %arg15: memref<!tpu.dma_semaphore, #tpu.memory_space<semaphore_mem>>, %arg16: memref<!tpu.dma_semaphore, #tpu.memory_space<semaphore_mem>>, %arg17: memref<!tpu.dma_semaphore, #tpu.memory_space<semaphore_mem>>, %arg18: memref<!tpu.dma_semaphore, #tpu.memory_space<semaphore_mem>>, %arg19: memref<!tpu.dma_semaphore, #tpu.memory_space<semaphore_mem>>, %arg20: memref<!tpu.dma_semaphore, #tpu.memory_space<semaphore_mem>>, %arg21: memref<!tpu.dma_semaphore, #tpu.memory_space<semaphore_mem>>) attributes {dimension_semantics = [#tpu.dimension_semantics<core_parallel>, #tpu.dimension_semantics<subcore_parallel>], iteration_bounds = array<i64: 2, 16>, scalar_prefetch = 0 : i64, scratch_operands = 17 : i64, tpu.core_type = #tpu.core_type<sc_vector_subcore>, window_params = [{transform_indices = #map}, {transform_indices = #map}, {transform_indices = #map1}]} {
    %mul3A = arith.constant 2 : i32
    %mul3A_0 = arith.muli %arg1, %mul3A : i32
    %add3A = arith.addi %mul3A_0, %arg0 : i32
    %broadcast_in_dim3A = arith.constant 0.000000e+00 : f32
    %broadcast_in_dim3A_1 = vector.broadcast %broadcast_in_dim3A : f32 to vector<16xf32>
    %scan3A = arith.constant 0 : i32
    %scan3A_2 = arith.constant 0 : i32
    %scan3A_3 = arith.constant 64 : i32
    %scan3A_4 = arith.addi %scan3A_2, %scan3A_3 : i32
    %scan3A_5 = arith.constant 1 : i32
    scf.for %scan3A_392 = %scan3A_2 to %scan3A_4 step %scan3A_5  : i32 {
      %swap3A = arith.index_cast %scan3A_392 : i32 to index
      %swap3A_393 = arith.constant 0 : index
      %swap3A_394 = tpu.vector_load %arg8[%swap3A, %swap3A_393] {strides = array<i32>} : memref<64x128xf32, #tpu.memory_space<vmem>>, vector<1x16xf32>,
      %swap3A_395 = vector.shape_cast %swap3A_394 : vector<1x16xf32> to vector<16xf32>
      %swap3A_396 = vector.shape_cast %broadcast_in_dim3A_1 : vector<16xf32> to vector<1x16xf32>
      tpu.vector_store %arg8[%swap3A, %swap3A_393], %swap3A_396 {strides = array<i32>} : memref<64x128xf32, #tpu.memory_space<vmem>>, vector<1x16xf32>,
      %swap3A_397 = arith.index_cast %scan3A_392 : i32 to index
      %swap3A_398 = arith.constant 16 : index
      %swap3A_399 = tpu.vector_load %arg8[%swap3A_397, %swap3A_398] {strides = array<i32>} : memref<64x128xf32, #tpu.memory_space<vmem>>, vector<1x16xf32>,
      %swap3A_400 = vector.shape_cast %swap3A_399 : vector<1x16xf32> to vector<16xf32>
      %swap3A_401 = vector.shape_cast %broadcast_in_dim3A_1 : vector<16xf32> to vector<1x16xf32>
      tpu.vector_store %arg8[%swap3A_397, %swap3A_398], %swap3A_401 {strides = array<i32>} : memref<64x128xf32, #tpu.memory_space<vmem>>, vector<1x16xf32>,
      %swap3A_402 = arith.index_cast %scan3A_392 : i32 to index
      %swap3A_403 = arith.constant 32 : index
      %swap3A_404 = tpu.vector_load %arg8[%swap3A_402, %swap3A_403] {strides = array<i32>} : memref<64x128xf32, #tpu.memory_space<vmem>>, vector<1x16xf32>,
      %swap3A_405 = vector.shape_cast %swap3A_404 : vector<1x16xf32> to vector<16xf32>
      %swap3A_406 = vector.shape_cast %broadcast_in_dim3A_1 : vector<16xf32> to vector<1x16xf32>
      tpu.vector_store %arg8[%swap3A_402, %swap3A_403], %swap3A_406 {strides = array<i32>} : memref<64x128xf32, #tpu.memory_space<vmem>>, vector<1x16xf32>,
      %swap3A_407 = arith.index_cast %scan3A_392 : i32 to index
      %swap3A_408 = arith.constant 48 : index
      %swap3A_409 = tpu.vector_load %arg8[%swap3A_407, %swap3A_408] {strides = array<i32>} : memref<64x128xf32, #tpu.memory_space<vmem>>, vector<1x16xf32>,
      %swap3A_410 = vector.shape_cast %swap3A_409 : vector<1x16xf32> to vector<16xf32>
      %swap3A_411 = vector.shape_cast %broadcast_in_dim3A_1 : vector<16xf32> to vector<1x16xf32>
      tpu.vector_store %arg8[%swap3A_407, %swap3A_408], %swap3A_411 {strides = array<i32>} : memref<64x128xf32, #tpu.memory_space<vmem>>, vector<1x16xf32>,
      %swap3A_412 = arith.index_cast %scan3A_392 : i32 to index
      %swap3A_413 = arith.constant 64 : index
      %swap3A_414 = tpu.vector_load %arg8[%swap3A_412, %swap3A_413] {strides = array<i32>} : memref<64x128xf32, #tpu.memory_space<vmem>>, vector<1x16xf32>,
      %swap3A_415 = vector.shape_cast %swap3A_414 : vector<1x16xf32> to vector<16xf32>
      %swap3A_416 = vector.shape_cast %broadcast_in_dim3A_1 : vector<16xf32> to vector<1x16xf32>
      tpu.vector_store %arg8[%swap3A_412, %swap3A_413], %swap3A_416 {strides = array<i32>} : memref<64x128xf32, #tpu.memory_space<vmem>>, vector<1x16xf32>,
      %swap3A_417 = arith.index_cast %scan3A_392 : i32 to index
      %swap3A_418 = arith.constant 80 : index
      %swap3A_419 = tpu.vector_load %arg8[%swap3A_417, %swap3A_418] {strides = array<i32>} : memref<64x128xf32, #tpu.memory_space<vmem>>, vector<1x16xf32>,
      %swap3A_420 = vector.shape_cast %swap3A_419 : vector<1x16xf32> to vector<16xf32>
      %swap3A_421 = vector.shape_cast %broadcast_in_dim3A_1 : vector<16xf32> to vector<1x16xf32>
      tpu.vector_store %arg8[%swap3A_417, %swap3A_418], %swap3A_421 {strides = array<i32>} : memref<64x128xf32, #tpu.memory_space<vmem>>, vector<1x16xf32>,
      %swap3A_422 = arith.index_cast %scan3A_392 : i32 to index
      %swap3A_423 = arith.constant 96 : index
      %swap3A_424 = tpu.vector_load %arg8[%swap3A_422, %swap3A_423] {strides = array<i32>} : memref<64x128xf32, #tpu.memory_space<vmem>>, vector<1x16xf32>,
      %swap3A_425 = vector.shape_cast %swap3A_424 : vector<1x16xf32> to vector<16xf32>
      %swap3A_426 = vector.shape_cast %broadcast_in_dim3A_1 : vector<16xf32> to vector<1x16xf32>
      tpu.vector_store %arg8[%swap3A_422, %swap3A_423], %swap3A_426 {strides = array<i32>} : memref<64x128xf32, #tpu.memory_space<vmem>>, vector<1x16xf32>,
      %swap3A_427 = arith.index_cast %scan3A_392 : i32 to index
      %swap3A_428 = arith.constant 112 : index
      %swap3A_429 = tpu.vector_load %arg8[%swap3A_427, %swap3A_428] {strides = array<i32>} : memref<64x128xf32, #tpu.memory_space<vmem>>, vector<1x16xf32>,
      %swap3A_430 = vector.shape_cast %swap3A_429 : vector<1x16xf32> to vector<16xf32>
      %swap3A_431 = vector.shape_cast %broadcast_in_dim3A_1 : vector<16xf32> to vector<1x16xf32>
      tpu.vector_store %arg8[%swap3A_427, %swap3A_428], %swap3A_431 {strides = array<i32>} : memref<64x128xf32, #tpu.memory_space<vmem>>, vector<1x16xf32>,
    }
    %scan3A_6 = arith.constant 64 : i32
    %mul3A_7 = arith.constant 640 : i32
    %mul3A_8 = arith.muli %arg1, %mul3A_7 : i32
    %add3A_9 = arith.constant 0 : i32
    %add3A_10 = arith.addi %mul3A_8, %add3A_9 : i32
    %dma_start3A = arith.constant 0 : i32
    %dma_start3A_11 = tpu.memref_slice %arg12[%add3A_10, %dma_start3A] : memref<10240x128xf32, #tpu.memory_space<vmem_shared>> -> memref<64x128xf32, #tpu.memory_space<vmem_shared>>
    %dma_start3A_12 = arith.constant 0 : i32
    %dma_start3A_13 = tpu.memref_slice %arg12[%add3A_10, %dma_start3A_12] : memref<10240x128xf32, #tpu.memory_space<vmem_shared>> -> memref<64x128xf32, #tpu.memory_space<vmem_shared>>
    tpu.enqueue_dma source(%arg8 : memref<64x128xf32, #tpu.memory_space<vmem>>) target(%dma_start3A_13 : memref<64x128xf32, #tpu.memory_space<vmem_shared>>) target_semaphore(%arg17 : memref<!tpu.dma_semaphore, #tpu.memory_space<semaphore_mem>>)
    %add3A_14 = arith.constant 64 : i32
    %add3A_15 = arith.addi %mul3A_8, %add3A_14 : i32
    %dma_start3A_16 = arith.constant 0 : i32
    %dma_start3A_17 = tpu.memref_slice %arg12[%add3A_15, %dma_start3A_16] : memref<10240x128xf32, #tpu.memory_space<vmem_shared>> -> memref<64x128xf32, #tpu.memory_space<vmem_shared>>
    %dma_start3A_18 = arith.constant 0 : i32
    %dma_start3A_19 = tpu.memref_slice %arg12[%add3A_15, %dma_start3A_18] : memref<10240x128xf32, #tpu.memory_space<vmem_shared>> -> memref<64x128xf32, #tpu.memory_space<vmem_shared>>
    tpu.enqueue_dma source(%arg8 : memref<64x128xf32, #tpu.memory_space<vmem>>) target(%dma_start3A_19 : memref<64x128xf32, #tpu.memory_space<vmem_shared>>) target_semaphore(%arg17 : memref<!tpu.dma_semaphore, #tpu.memory_space<semaphore_mem>>)
    %add3A_20 = arith.constant 128 : i32
    %add3A_21 = arith.addi %mul3A_8, %add3A_20 : i32
    %dma_start3A_22 = arith.constant 0 : i32
    %dma_start3A_23 = tpu.memref_slice %arg12[%add3A_21, %dma_start3A_22] : memref<10240x128xf32, #tpu.memory_space<vmem_shared>> -> memref<64x128xf32, #tpu.memory_space<vmem_shared>>
    %dma_start3A_24 = arith.constant 0 : i32
    %dma_start3A_25 = tpu.memref_slice %arg12[%add3A_21, %dma_start3A_24] : memref<10240x128xf32, #tpu.memory_space<vmem_shared>> -> memref<64x128xf32, #tpu.memory_space<vmem_shared>>
    tpu.enqueue_dma source(%arg8 : memref<64x128xf32, #tpu.memory_space<vmem>>) target(%dma_start3A_25 : memref<64x128xf32, #tpu.memory_space<vmem_shared>>) target_semaphore(%arg17 : memref<!tpu.dma_semaphore, #tpu.memory_space<semaphore_mem>>)
    %add3A_26 = arith.constant 192 : i32
    %add3A_27 = arith.addi %mul3A_8, %add3A_26 : i32
    %dma_start3A_28 = arith.constant 0 : i32
    %dma_start3A_29 = tpu.memref_slice %arg12[%add3A_27, %dma_start3A_28] : memref<10240x128xf32, #tpu.memory_space<vmem_shared>> -> memref<64x128xf32, #tpu.memory_space<vmem_shared>>
    %dma_start3A_30 = arith.constant 0 : i32
    %dma_start3A_31 = tpu.memref_slice %arg12[%add3A_27, %dma_start3A_30] : memref<10240x128xf32, #tpu.memory_space<vmem_shared>> -> memref<64x128xf32, #tpu.memory_space<vmem_shared>>
    tpu.enqueue_dma source(%arg8 : memref<64x128xf32, #tpu.memory_space<vmem>>) target(%dma_start3A_31 : memref<64x128xf32, #tpu.memory_space<vmem_shared>>) target_semaphore(%arg17 : memref<!tpu.dma_semaphore, #tpu.memory_space<semaphore_mem>>)
    %add3A_32 = arith.constant 256 : i32
    %add3A_33 = arith.addi %mul3A_8, %add3A_32 : i32
    %dma_start3A_34 = arith.constant 0 : i32
    %dma_start3A_35 = tpu.memref_slice %arg12[%add3A_33, %dma_start3A_34] : memref<10240x128xf32, #tpu.memory_space<vmem_shared>> -> memref<64x128xf32, #tpu.memory_space<vmem_shared>>
    %dma_start3A_36 = arith.constant 0 : i32
    %dma_start3A_37 = tpu.memref_slice %arg12[%add3A_33, %dma_start3A_36] : memref<10240x128xf32, #tpu.memory_space<vmem_shared>> -> memref<64x128xf32, #tpu.memory_space<vmem_shared>>
    tpu.enqueue_dma source(%arg8 : memref<64x128xf32, #tpu.memory_space<vmem>>) target(%dma_start3A_37 : memref<64x128xf32, #tpu.memory_space<vmem_shared>>) target_semaphore(%arg17 : memref<!tpu.dma_semaphore, #tpu.memory_space<semaphore_mem>>)
    %add3A_38 = arith.constant 320 : i32
    %add3A_39 = arith.addi %mul3A_8, %add3A_38 : i32
    %dma_start3A_40 = arith.constant 0 : i32
    %dma_start3A_41 = tpu.memref_slice %arg12[%add3A_39, %dma_start3A_40] : memref<10240x128xf32, #tpu.memory_space<vmem_shared>> -> memref<64x128xf32, #tpu.memory_space<vmem_shared>>
    %dma_start3A_42 = arith.constant 0 : i32
    %dma_start3A_43 = tpu.memref_slice %arg12[%add3A_39, %dma_start3A_42] : memref<10240x128xf32, #tpu.memory_space<vmem_shared>> -> memref<64x128xf32, #tpu.memory_space<vmem_shared>>
    tpu.enqueue_dma source(%arg8 : memref<64x128xf32, #tpu.memory_space<vmem>>) target(%dma_start3A_43 : memref<64x128xf32, #tpu.memory_space<vmem_shared>>) target_semaphore(%arg17 : memref<!tpu.dma_semaphore, #tpu.memory_space<semaphore_mem>>)
    %add3A_44 = arith.constant 384 : i32
    %add3A_45 = arith.addi %mul3A_8, %add3A_44 : i32
    %dma_start3A_46 = arith.constant 0 : i32
    %dma_start3A_47 = tpu.memref_slice %arg12[%add3A_45, %dma_start3A_46] : memref<10240x128xf32, #tpu.memory_space<vmem_shared>> -> memref<64x128xf32, #tpu.memory_space<vmem_shared>>
    %dma_start3A_48 = arith.constant 0 : i32
    %dma_start3A_49 = tpu.memref_slice %arg12[%add3A_45, %dma_start3A_48] : memref<10240x128xf32, #tpu.memory_space<vmem_shared>> -> memref<64x128xf32, #tpu.memory_space<vmem_shared>>
    tpu.enqueue_dma source(%arg8 : memref<64x128xf32, #tpu.memory_space<vmem>>) target(%dma_start3A_49 : memref<64x128xf32, #tpu.memory_space<vmem_shared>>) target_semaphore(%arg17 : memref<!tpu.dma_semaphore, #tpu.memory_space<semaphore_mem>>)
    %add3A_50 = arith.constant 448 : i32
    %add3A_51 = arith.addi %mul3A_8, %add3A_50 : i32
    %dma_start3A_52 = arith.constant 0 : i32
    %dma_start3A_53 = tpu.memref_slice %arg12[%add3A_51, %dma_start3A_52] : memref<10240x128xf32, #tpu.memory_space<vmem_shared>> -> memref<64x128xf32, #tpu.memory_space<vmem_shared>>
    %dma_start3A_54 = arith.constant 0 : i32
    %dma_start3A_55 = tpu.memref_slice %arg12[%add3A_51, %dma_start3A_54] : memref<10240x128xf32, #tpu.memory_space<vmem_shared>> -> memref<64x128xf32, #tpu.memory_space<vmem_shared>>
    tpu.enqueue_dma source(%arg8 : memref<64x128xf32, #tpu.memory_space<vmem>>) target(%dma_start3A_55 : memref<64x128xf32, #tpu.memory_space<vmem_shared>>) target_semaphore(%arg17 : memref<!tpu.dma_semaphore, #tpu.memory_space<semaphore_mem>>)
    %add3A_56 = arith.constant 512 : i32
    %add3A_57 = arith.addi %mul3A_8, %add3A_56 : i32
    %dma_start3A_58 = arith.constant 0 : i32
    %dma_start3A_59 = tpu.memref_slice %arg12[%add3A_57, %dma_start3A_58] : memref<10240x128xf32, #tpu.memory_space<vmem_shared>> -> memref<64x128xf32, #tpu.memory_space<vmem_shared>>
    %dma_start3A_60 = arith.constant 0 : i32
    %dma_start3A_61 = tpu.memref_slice %arg12[%add3A_57, %dma_start3A_60] : memref<10240x128xf32, #tpu.memory_space<vmem_shared>> -> memref<64x128xf32, #tpu.memory_space<vmem_shared>>
    tpu.enqueue_dma source(%arg8 : memref<64x128xf32, #tpu.memory_space<vmem>>) target(%dma_start3A_61 : memref<64x128xf32, #tpu.memory_space<vmem_shared>>) target_semaphore(%arg17 : memref<!tpu.dma_semaphore, #tpu.memory_space<semaphore_mem>>)
    %add3A_62 = arith.constant 576 : i32
    %add3A_63 = arith.addi %mul3A_8, %add3A_62 : i32
    %dma_start3A_64 = arith.constant 0 : i32
    %dma_start3A_65 = tpu.memref_slice %arg12[%add3A_63, %dma_start3A_64] : memref<10240x128xf32, #tpu.memory_space<vmem_shared>> -> memref<64x128xf32, #tpu.memory_space<vmem_shared>>
    %dma_start3A_66 = arith.constant 0 : i32
    %dma_start3A_67 = tpu.memref_slice %arg12[%add3A_63, %dma_start3A_66] : memref<10240x128xf32, #tpu.memory_space<vmem_shared>> -> memref<64x128xf32, #tpu.memory_space<vmem_shared>>
    tpu.enqueue_dma source(%arg8 : memref<64x128xf32, #tpu.memory_space<vmem>>) target(%dma_start3A_67 : memref<64x128xf32, #tpu.memory_space<vmem_shared>>) target_semaphore(%arg17 : memref<!tpu.dma_semaphore, #tpu.memory_space<semaphore_mem>>)
    %mul3A_68 = arith.constant 160 : i32
    %mul3A_69 = arith.muli %add3A, %mul3A_68 : i32
    %dma_start3A_70 = arith.constant 0 : i32
    %dma_start3A_71 = tpu.memref_slice %arg2[%mul3A_69, %dma_start3A_70] : memref<5120x64xi32, #tpu.memory_space<hbm>> -> memref<40x64xi32, #tpu.memory_space<hbm>>
    %dma_start3A_72 = arith.constant 0 : i32
    %dma_start3A_73 = tpu.memref_slice %arg2[%mul3A_69, %dma_start3A_72] : memref<5120x64xi32, #tpu.memory_space<hbm>> -> memref<40x64xi32, #tpu.memory_space<hbm>>
    tpu.enqueue_dma source(%dma_start3A_73 : memref<40x64xi32, #tpu.memory_space<hbm>>) target(%arg5 : memref<40x64xi32, #tpu.memory_space<vmem>>) target_semaphore(%arg21 : memref<!tpu.dma_semaphore, #tpu.memory_space<semaphore_mem>>)
    %dma_wait3A = arith.constant 0 : i32
    %dma_wait3A_74 = tpu.memref_slice %arg2[%mul3A_69, %dma_wait3A] : memref<5120x64xi32, #tpu.memory_space<hbm>> -> memref<40x64xi32, #tpu.memory_space<hbm>>
    %dma_wait3A_75 = arith.constant 0 : i32
    %dma_wait3A_76 = tpu.memref_slice %arg2[%mul3A_69, %dma_wait3A_75] : memref<5120x64xi32, #tpu.memory_space<hbm>> -> memref<40x64xi32, #tpu.memory_space<hbm>>
    tpu.wait_dma2 semaphore(%arg21 : memref<!tpu.dma_semaphore, #tpu.memory_space<semaphore_mem>>) src(%dma_wait3A_76 : memref<40x64xi32, #tpu.memory_space<hbm>>) dst(%arg5 : memref<40x64xi32, #tpu.memory_space<vmem>>)
    %scan3A_77 = arith.constant 0 : i32
    %scan3A_78 = arith.constant 0 : i32
    %scan3A_79 = arith.constant 40 : i32
    %scan3A_80 = arith.addi %scan3A_78, %scan3A_79 : i32
    %scan3A_81 = arith.constant 1 : i32
    scf.for %scan3A_392 = %scan3A_78 to %scan3A_80 step %scan3A_81  : i32 {
      %get3A = arith.index_cast %scan3A_392 : i32 to index
      %get3A_393 = arith.constant 0 : index
      %get3A_394 = tpu.vector_load %arg5[%get3A, %get3A_393] {strides = array<i32>} : memref<40x64xi32, #tpu.memory_space<vmem>>, vector<1x16xi32>,
      %get3A_395 = vector.shape_cast %get3A_394 : vector<1x16xi32> to vector<16xi32>
      %and3A = arith.constant 131071 : i32
      %and3A_396 = vector.broadcast %and3A : i32 to vector<16xi32>
      %and3A_397 = arith.andi %get3A_395, %and3A_396 : vector<16xi32>
      %swap3A = arith.index_cast %scan3A_392 : i32 to index
      %swap3A_398 = arith.constant 0 : index
      %swap3A_399 = tpu.vector_load %arg6[%swap3A, %swap3A_398] {strides = array<i32>} : memref<40x64xi32, #tpu.memory_space<vmem>>, vector<1x16xi32>,
      %swap3A_400 = vector.shape_cast %swap3A_399 : vector<1x16xi32> to vector<16xi32>
      %swap3A_401 = vector.shape_cast %and3A_397 : vector<16xi32> to vector<1x16xi32>
      tpu.vector_store %arg6[%swap3A, %swap3A_398], %swap3A_401 {strides = array<i32>} : memref<40x64xi32, #tpu.memory_space<vmem>>, vector<1x16xi32>,
      %get3A_402 = arith.index_cast %scan3A_392 : i32 to index
      %get3A_403 = arith.constant 16 : index
      %get3A_404 = tpu.vector_load %arg5[%get3A_402, %get3A_403] {strides = array<i32>} : memref<40x64xi32, #tpu.memory_space<vmem>>, vector<1x16xi32>,
      %get3A_405 = vector.shape_cast %get3A_404 : vector<1x16xi32> to vector<16xi32>
      %and3A_406 = arith.constant 131071 : i32
      %and3A_407 = vector.broadcast %and3A_406 : i32 to vector<16xi32>
      %and3A_408 = arith.andi %get3A_405, %and3A_407 : vector<16xi32>
      %swap3A_409 = arith.index_cast %scan3A_392 : i32 to index
      %swap3A_410 = arith.constant 16 : index
      %swap3A_411 = tpu.vector_load %arg6[%swap3A_409, %swap3A_410] {strides = array<i32>} : memref<40x64xi32, #tpu.memory_space<vmem>>, vector<1x16xi32>,
      %swap3A_412 = vector.shape_cast %swap3A_411 : vector<1x16xi32> to vector<16xi32>
      %swap3A_413 = vector.shape_cast %and3A_408 : vector<16xi32> to vector<1x16xi32>
      tpu.vector_store %arg6[%swap3A_409, %swap3A_410], %swap3A_413 {strides = array<i32>} : memref<40x64xi32, #tpu.memory_space<vmem>>, vector<1x16xi32>,
      %get3A_414 = arith.index_cast %scan3A_392 : i32 to index
      %get3A_415 = arith.constant 32 : index
      %get3A_416 = tpu.vector_load %arg5[%get3A_414, %get3A_415] {strides = array<i32>} : memref<40x64xi32, #tpu.memory_space<vmem>>, vector<1x16xi32>,
      %get3A_417 = vector.shape_cast %get3A_416 : vector<1x16xi32> to vector<16xi32>
      %and3A_418 = arith.constant 131071 : i32
      %and3A_419 = vector.broadcast %and3A_418 : i32 to vector<16xi32>
      %and3A_420 = arith.andi %get3A_417, %and3A_419 : vector<16xi32>
      %swap3A_421 = arith.index_cast %scan3A_392 : i32 to index
      %swap3A_422 = arith.constant 32 : index
      %swap3A_423 = tpu.vector_load %arg6[%swap3A_421, %swap3A_422] {strides = array<i32>} : memref<40x64xi32, #tpu.memory_space<vmem>>, vector<1x16xi32>,
      %swap3A_424 = vector.shape_cast %swap3A_423 : vector<1x16xi32> to vector<16xi32>
      %swap3A_425 = vector.shape_cast %and3A_420 : vector<16xi32> to vector<1x16xi32>
      tpu.vector_store %arg6[%swap3A_421, %swap3A_422], %swap3A_425 {strides = array<i32>} : memref<40x64xi32, #tpu.memory_space<vmem>>, vector<1x16xi32>,
      %get3A_426 = arith.index_cast %scan3A_392 : i32 to index
      %get3A_427 = arith.constant 48 : index
      %get3A_428 = tpu.vector_load %arg5[%get3A_426, %get3A_427] {strides = array<i32>} : memref<40x64xi32, #tpu.memory_space<vmem>>, vector<1x16xi32>,
      %get3A_429 = vector.shape_cast %get3A_428 : vector<1x16xi32> to vector<16xi32>
      %and3A_430 = arith.constant 131071 : i32
      %and3A_431 = vector.broadcast %and3A_430 : i32 to vector<16xi32>
      %and3A_432 = arith.andi %get3A_429, %and3A_431 : vector<16xi32>
      %swap3A_433 = arith.index_cast %scan3A_392 : i32 to index
      %swap3A_434 = arith.constant 48 : index
      %swap3A_435 = tpu.vector_load %arg6[%swap3A_433, %swap3A_434] {strides = array<i32>} : memref<40x64xi32, #tpu.memory_space<vmem>>, vector<1x16xi32>,
      %swap3A_436 = vector.shape_cast %swap3A_435 : vector<1x16xi32> to vector<16xi32>
      %swap3A_437 = vector.shape_cast %and3A_432 : vector<16xi32> to vector<1x16xi32>
      tpu.vector_store %arg6[%swap3A_433, %swap3A_434], %swap3A_437 {strides = array<i32>} : memref<40x64xi32, #tpu.memory_space<vmem>>, vector<1x16xi32>,
      %get3A_438 = arith.index_cast %scan3A_392 : i32 to index
      %get3A_439 = arith.constant 0 : index
      %get3A_440 = tpu.vector_load %arg5[%get3A_438, %get3A_439] {strides = array<i32>} : memref<40x64xi32, #tpu.memory_space<vmem>>, vector<1x16xi32>,
      %get3A_441 = vector.shape_cast %get3A_440 : vector<1x16xi32> to vector<16xi32>
      %shift_right_logical3A = arith.constant 17 : i32
      %shift_right_logical3A_442 = vector.broadcast %shift_right_logical3A : i32 to vector<16xi32>
      %shift_right_logical3A_443 = arith.shrui %get3A_441, %shift_right_logical3A_442 : vector<16xi32>
      %swap3A_444 = arith.index_cast %scan3A_392 : i32 to index
      %swap3A_445 = arith.constant 0 : index
      %swap3A_446 = tpu.vector_load %arg7[%swap3A_444, %swap3A_445] {strides = array<i32>} : memref<40x64xi32, #tpu.memory_space<vmem>>, vector<1x16xi32>,
      %swap3A_447 = vector.shape_cast %swap3A_446 : vector<1x16xi32> to vector<16xi32>
      %swap3A_448 = vector.shape_cast %shift_right_logical3A_443 : vector<16xi32> to vector<1x16xi32>
      tpu.vector_store %arg7[%swap3A_444, %swap3A_445], %swap3A_448 {strides = array<i32>} : memref<40x64xi32, #tpu.memory_space<vmem>>, vector<1x16xi32>,
      %get3A_449 = arith.index_cast %scan3A_392 : i32 to index
      %get3A_450 = arith.constant 16 : index
      %get3A_451 = tpu.vector_load %arg5[%get3A_449, %get3A_450] {strides = array<i32>} : memref<40x64xi32, #tpu.memory_space<vmem>>, vector<1x16xi32>,
      %get3A_452 = vector.shape_cast %get3A_451 : vector<1x16xi32> to vector<16xi32>
      %shift_right_logical3A_453 = arith.constant 17 : i32
      %shift_right_logical3A_454 = vector.broadcast %shift_right_logical3A_453 : i32 to vector<16xi32>
      %shift_right_logical3A_455 = arith.shrui %get3A_452, %shift_right_logical3A_454 : vector<16xi32>
      %swap3A_456 = arith.index_cast %scan3A_392 : i32 to index
      %swap3A_457 = arith.constant 16 : index
      %swap3A_458 = tpu.vector_load %arg7[%swap3A_456, %swap3A_457] {strides = array<i32>} : memref<40x64xi32, #tpu.memory_space<vmem>>, vector<1x16xi32>,
      %swap3A_459 = vector.shape_cast %swap3A_458 : vector<1x16xi32> to vector<16xi32>
      %swap3A_460 = vector.shape_cast %shift_right_logical3A_455 : vector<16xi32> to vector<1x16xi32>
      tpu.vector_store %arg7[%swap3A_456, %swap3A_457], %swap3A_460 {strides = array<i32>} : memref<40x64xi32, #tpu.memory_space<vmem>>, vector<1x16xi32>,
      %get3A_461 = arith.index_cast %scan3A_392 : i32 to index
      %get3A_462 = arith.constant 32 : index
      %get3A_463 = tpu.vector_load %arg5[%get3A_461, %get3A_462] {strides = array<i32>} : memref<40x64xi32, #tpu.memory_space<vmem>>, vector<1x16xi32>,
      %get3A_464 = vector.shape_cast %get3A_463 : vector<1x16xi32> to vector<16xi32>
      %shift_right_logical3A_465 = arith.constant 17 : i32
      %shift_right_logical3A_466 = vector.broadcast %shift_right_logical3A_465 : i32 to vector<16xi32>
      %shift_right_logical3A_467 = arith.shrui %get3A_464, %shift_right_logical3A_466 : vector<16xi32>
      %swap3A_468 = arith.index_cast %scan3A_392 : i32 to index
      %swap3A_469 = arith.constant 32 : index
      %swap3A_470 = tpu.vector_load %arg7[%swap3A_468, %swap3A_469] {strides = array<i32>} : memref<40x64xi32, #tpu.memory_space<vmem>>, vector<1x16xi32>,
      %swap3A_471 = vector.shape_cast %swap3A_470 : vector<1x16xi32> to vector<16xi32>
      %swap3A_472 = vector.shape_cast %shift_right_logical3A_467 : vector<16xi32> to vector<1x16xi32>
      tpu.vector_store %arg7[%swap3A_468, %swap3A_469], %swap3A_472 {strides = array<i32>} : memref<40x64xi32, #tpu.memory_space<vmem>>, vector<1x16xi32>,
      %get3A_473 = arith.index_cast %scan3A_392 : i32 to index
      %get3A_474 = arith.constant 48 : index
      %get3A_475 = tpu.vector_load %arg5[%get3A_473, %get3A_474] {strides = array<i32>} : memref<40x64xi32, #tpu.memory_space<vmem>>, vector<1x16xi32>,
      %get3A_476 = vector.shape_cast %get3A_475 : vector<1x16xi32> to vector<16xi32>
      %shift_right_logical3A_477 = arith.constant 17 : i32
      %shift_right_logical3A_478 = vector.broadcast %shift_right_logical3A_477 : i32 to vector<16xi32>
      %shift_right_logical3A_479 = arith.shrui %get3A_476, %shift_right_logical3A_478 : vector<16xi32>
      %swap3A_480 = arith.index_cast %scan3A_392 : i32 to index
      %swap3A_481 = arith.constant 48 : index
      %swap3A_482 = tpu.vector_load %arg7[%swap3A_480, %swap3A_481] {strides = array<i32>} : memref<40x64xi32, #tpu.memory_space<vmem>>, vector<1x16xi32>,
      %swap3A_483 = vector.shape_cast %swap3A_482 : vector<1x16xi32> to vector<16xi32>
      %swap3A_484 = vector.shape_cast %shift_right_logical3A_479 : vector<16xi32> to vector<1x16xi32>
      tpu.vector_store %arg7[%swap3A_480, %swap3A_481], %swap3A_484 {strides = array<i32>} : memref<40x64xi32, #tpu.memory_space<vmem>>, vector<1x16xi32>,
    }
    %scan3A_82 = arith.constant 40 : i32
    %dma_start3A_83 = arith.constant 1 : i32
    %dma_start3A_84 = arith.constant 0 : i32
    %dma_start3A_85 = tpu.memref_slice %arg6[%dma_start3A_83, %dma_start3A_84] : memref<40x64xi32, #tpu.memory_space<vmem>> -> memref<1x64xi32, #tpu.memory_space<vmem>>
    %dma_start3A_86 = tpu.memref_squeeze %dma_start3A_85 : memref<1x64xi32, #tpu.memory_space<vmem>> -> memref<64xi32, #tpu.memory_space<vmem>>
    %dma_start3A_87 = arith.constant 0 : i32
    %dma_start3A_88 = arith.constant 0 : i32
    %dma_start3A_89 = tpu.memref_slice %arg3[%dma_start3A_87, %dma_start3A_88] : memref<100000x128xf32, #tpu.memory_space<hbm>> -> memref<100000x128xf32, #tpu.memory_space<hbm>>
    tpu.enqueue_indirect_dma source(%dma_start3A_89 : memref<100000x128xf32, #tpu.memory_space<hbm>>) target(%arg9 : memref<64x128xf32, #tpu.memory_space<vmem>>) offsets(%dma_start3A_86 : memref<64xi32, #tpu.memory_space<vmem>>) semaphore(%arg14 : memref<!tpu.dma_semaphore, #tpu.memory_space<semaphore_mem>>)
    %dma_start3A_90 = arith.constant 2 : i32
    %dma_start3A_91 = arith.constant 0 : i32
    %dma_start3A_92 = tpu.memref_slice %arg6[%dma_start3A_90, %dma_start3A_91] : memref<40x64xi32, #tpu.memory_space<vmem>> -> memref<1x64xi32, #tpu.memory_space<vmem>>
    %dma_start3A_93 = tpu.memref_squeeze %dma_start3A_92 : memref<1x64xi32, #tpu.memory_space<vmem>> -> memref<64xi32, #tpu.memory_space<vmem>>
    %dma_start3A_94 = arith.constant 0 : i32
    %dma_start3A_95 = arith.constant 0 : i32
    %dma_start3A_96 = tpu.memref_slice %arg3[%dma_start3A_94, %dma_start3A_95] : memref<100000x128xf32, #tpu.memory_space<hbm>> -> memref<100000x128xf32, #tpu.memory_space<hbm>>
    tpu.enqueue_indirect_dma source(%dma_start3A_96 : memref<100000x128xf32, #tpu.memory_space<hbm>>) target(%arg10 : memref<64x128xf32, #tpu.memory_space<vmem>>) offsets(%dma_start3A_93 : memref<64xi32, #tpu.memory_space<vmem>>) semaphore(%arg15 : memref<!tpu.dma_semaphore, #tpu.memory_space<semaphore_mem>>)
    %dma_wait3A_97 = arith.constant 0 : i32
    %dma_wait3A_98 = tpu.memref_slice %arg12[%mul3A_8, %dma_wait3A_97] : memref<10240x128xf32, #tpu.memory_space<vmem_shared>> -> memref<64x128xf32, #tpu.memory_space<vmem_shared>>
    %dma_wait3A_99 = arith.constant 0 : i32
    %dma_wait3A_100 = tpu.memref_slice %arg12[%mul3A_8, %dma_wait3A_99] : memref<10240x128xf32, #tpu.memory_space<vmem_shared>> -> memref<64x128xf32, #tpu.memory_space<vmem_shared>>
    tpu.wait_dma2 semaphore(%arg17 : memref<!tpu.dma_semaphore, #tpu.memory_space<semaphore_mem>>) src(%arg8 : memref<64x128xf32, #tpu.memory_space<vmem>>) dst(%dma_wait3A_100 : memref<64x128xf32, #tpu.memory_space<vmem_shared>>)
    %dma_wait3A_101 = arith.constant 0 : i32
    %dma_wait3A_102 = tpu.memref_slice %arg12[%mul3A_8, %dma_wait3A_101] : memref<10240x128xf32, #tpu.memory_space<vmem_shared>> -> memref<64x128xf32, #tpu.memory_space<vmem_shared>>
    %dma_wait3A_103 = arith.constant 0 : i32
    %dma_wait3A_104 = tpu.memref_slice %arg12[%mul3A_8, %dma_wait3A_103] : memref<10240x128xf32, #tpu.memory_space<vmem_shared>> -> memref<64x128xf32, #tpu.memory_space<vmem_shared>>
    tpu.wait_dma2 semaphore(%arg17 : memref<!tpu.dma_semaphore, #tpu.memory_space<semaphore_mem>>) src(%arg8 : memref<64x128xf32, #tpu.memory_space<vmem>>) dst(%dma_wait3A_104 : memref<64x128xf32, #tpu.memory_space<vmem_shared>>)
    %dma_wait3A_105 = arith.constant 0 : i32
    %dma_wait3A_106 = tpu.memref_slice %arg12[%mul3A_8, %dma_wait3A_105] : memref<10240x128xf32, #tpu.memory_space<vmem_shared>> -> memref<64x128xf32, #tpu.memory_space<vmem_shared>>
    %dma_wait3A_107 = arith.constant 0 : i32
    %dma_wait3A_108 = tpu.memref_slice %arg12[%mul3A_8, %dma_wait3A_107] : memref<10240x128xf32, #tpu.memory_space<vmem_shared>> -> memref<64x128xf32, #tpu.memory_space<vmem_shared>>
    tpu.wait_dma2 semaphore(%arg17 : memref<!tpu.dma_semaphore, #tpu.memory_space<semaphore_mem>>) src(%arg8 : memref<64x128xf32, #tpu.memory_space<vmem>>) dst(%dma_wait3A_108 : memref<64x128xf32, #tpu.memory_space<vmem_shared>>)
    %dma_wait3A_109 = arith.constant 0 : i32
    %dma_wait3A_110 = tpu.memref_slice %arg12[%mul3A_8, %dma_wait3A_109] : memref<10240x128xf32, #tpu.memory_space<vmem_shared>> -> memref<64x128xf32, #tpu.memory_space<vmem_shared>>
    %dma_wait3A_111 = arith.constant 0 : i32
    %dma_wait3A_112 = tpu.memref_slice %arg12[%mul3A_8, %dma_wait3A_111] : memref<10240x128xf32, #tpu.memory_space<vmem_shared>> -> memref<64x128xf32, #tpu.memory_space<vmem_shared>>
    tpu.wait_dma2 semaphore(%arg17 : memref<!tpu.dma_semaphore, #tpu.memory_space<semaphore_mem>>) src(%arg8 : memref<64x128xf32, #tpu.memory_space<vmem>>) dst(%dma_wait3A_112 : memref<64x128xf32, #tpu.memory_space<vmem_shared>>)
    %dma_wait3A_113 = arith.constant 0 : i32
    %dma_wait3A_114 = tpu.memref_slice %arg12[%mul3A_8, %dma_wait3A_113] : memref<10240x128xf32, #tpu.memory_space<vmem_shared>> -> memref<64x128xf32, #tpu.memory_space<vmem_shared>>
    %dma_wait3A_115 = arith.constant 0 : i32
    %dma_wait3A_116 = tpu.memref_slice %arg12[%mul3A_8, %dma_wait3A_115] : memref<10240x128xf32, #tpu.memory_space<vmem_shared>> -> memref<64x128xf32, #tpu.memory_space<vmem_shared>>
    tpu.wait_dma2 semaphore(%arg17 : memref<!tpu.dma_semaphore, #tpu.memory_space<semaphore_mem>>) src(%arg8 : memref<64x128xf32, #tpu.memory_space<vmem>>) dst(%dma_wait3A_116 : memref<64x128xf32, #tpu.memory_space<vmem_shared>>)
    %dma_wait3A_117 = arith.constant 0 : i32
    %dma_wait3A_118 = tpu.memref_slice %arg12[%mul3A_8, %dma_wait3A_117] : memref<10240x128xf32, #tpu.memory_space<vmem_shared>> -> memref<64x128xf32, #tpu.memory_space<vmem_shared>>
    %dma_wait3A_119 = arith.constant 0 : i32
    %dma_wait3A_120 = tpu.memref_slice %arg12[%mul3A_8, %dma_wait3A_119] : memref<10240x128xf32, #tpu.memory_space<vmem_shared>> -> memref<64x128xf32, #tpu.memory_space<vmem_shared>>
    tpu.wait_dma2 semaphore(%arg17 : memref<!tpu.dma_semaphore, #tpu.memory_space<semaphore_mem>>) src(%arg8 : memref<64x128xf32, #tpu.memory_space<vmem>>) dst(%dma_wait3A_120 : memref<64x128xf32, #tpu.memory_space<vmem_shared>>)
    %dma_wait3A_121 = arith.constant 0 : i32
    %dma_wait3A_122 = tpu.memref_slice %arg12[%mul3A_8, %dma_wait3A_121] : memref<10240x128xf32, #tpu.memory_space<vmem_shared>> -> memref<64x128xf32, #tpu.memory_space<vmem_shared>>
    %dma_wait3A_123 = arith.constant 0 : i32
    %dma_wait3A_124 = tpu.memref_slice %arg12[%mul3A_8, %dma_wait3A_123] : memref<10240x128xf32, #tpu.memory_space<vmem_shared>> -> memref<64x128xf32, #tpu.memory_space<vmem_shared>>
    tpu.wait_dma2 semaphore(%arg17 : memref<!tpu.dma_semaphore, #tpu.memory_space<semaphore_mem>>) src(%arg8 : memref<64x128xf32, #tpu.memory_space<vmem>>) dst(%dma_wait3A_124 : memref<64x128xf32, #tpu.memory_space<vmem_shared>>)
    %dma_wait3A_125 = arith.constant 0 : i32
    %dma_wait3A_126 = tpu.memref_slice %arg12[%mul3A_8, %dma_wait3A_125] : memref<10240x128xf32, #tpu.memory_space<vmem_shared>> -> memref<64x128xf32, #tpu.memory_space<vmem_shared>>
    %dma_wait3A_127 = arith.constant 0 : i32
    %dma_wait3A_128 = tpu.memref_slice %arg12[%mul3A_8, %dma_wait3A_127] : memref<10240x128xf32, #tpu.memory_space<vmem_shared>> -> memref<64x128xf32, #tpu.memory_space<vmem_shared>>
    tpu.wait_dma2 semaphore(%arg17 : memref<!tpu.dma_semaphore, #tpu.memory_space<semaphore_mem>>) src(%arg8 : memref<64x128xf32, #tpu.memory_space<vmem>>) dst(%dma_wait3A_128 : memref<64x128xf32, #tpu.memory_space<vmem_shared>>)
    %dma_wait3A_129 = arith.constant 0 : i32
    %dma_wait3A_130 = tpu.memref_slice %arg12[%mul3A_8, %dma_wait3A_129] : memref<10240x128xf32, #tpu.memory_space<vmem_shared>> -> memref<64x128xf32, #tpu.memory_space<vmem_shared>>
    %dma_wait3A_131 = arith.constant 0 : i32
    %dma_wait3A_132 = tpu.memref_slice %arg12[%mul3A_8, %dma_wait3A_131] : memref<10240x128xf32, #tpu.memory_space<vmem_shared>> -> memref<64x128xf32, #tpu.memory_space<vmem_shared>>
    tpu.wait_dma2 semaphore(%arg17 : memref<!tpu.dma_semaphore, #tpu.memory_space<semaphore_mem>>) src(%arg8 : memref<64x128xf32, #tpu.memory_space<vmem>>) dst(%dma_wait3A_132 : memref<64x128xf32, #tpu.memory_space<vmem_shared>>)
    %dma_wait3A_133 = arith.constant 0 : i32
    %dma_wait3A_134 = tpu.memref_slice %arg12[%mul3A_8, %dma_wait3A_133] : memref<10240x128xf32, #tpu.memory_space<vmem_shared>> -> memref<64x128xf32, #tpu.memory_space<vmem_shared>>
    %dma_wait3A_135 = arith.constant 0 : i32
    %dma_wait3A_136 = tpu.memref_slice %arg12[%mul3A_8, %dma_wait3A_135] : memref<10240x128xf32, #tpu.memory_space<vmem_shared>> -> memref<64x128xf32, #tpu.memory_space<vmem_shared>>
    tpu.wait_dma2 semaphore(%arg17 : memref<!tpu.dma_semaphore, #tpu.memory_space<semaphore_mem>>) src(%arg8 : memref<64x128xf32, #tpu.memory_space<vmem>>) dst(%dma_wait3A_136 : memref<64x128xf32, #tpu.memory_space<vmem_shared>>)
    %barrier3A = arith.constant 0 : index
    tpu.barrier barrier_id(%barrier3A)
    %dma_start3A_137 = arith.constant 0 : i32
    %dma_start3A_138 = arith.constant 0 : i32
    %dma_start3A_139 = tpu.memref_slice %arg6[%dma_start3A_137, %dma_start3A_138] : memref<40x64xi32, #tpu.memory_space<vmem>> -> memref<1x64xi32, #tpu.memory_space<vmem>>
    %dma_start3A_140 = tpu.memref_squeeze %dma_start3A_139 : memref<1x64xi32, #tpu.memory_space<vmem>> -> memref<64xi32, #tpu.memory_space<vmem>>
    %dma_start3A_141 = arith.constant 0 : i32
    %dma_start3A_142 = arith.constant 0 : i32
    %dma_start3A_143 = tpu.memref_slice %arg3[%dma_start3A_141, %dma_start3A_142] : memref<100000x128xf32, #tpu.memory_space<hbm>> -> memref<100000x128xf32, #tpu.memory_space<hbm>>
    tpu.enqueue_indirect_dma source(%dma_start3A_143 : memref<100000x128xf32, #tpu.memory_space<hbm>>) target(%arg8 : memref<64x128xf32, #tpu.memory_space<vmem>>) offsets(%dma_start3A_140 : memref<64xi32, #tpu.memory_space<vmem>>) semaphore(%arg13 : memref<!tpu.dma_semaphore, #tpu.memory_space<semaphore_mem>>)
    %scan3A_144 = arith.constant 0 : i32
    %scan3A_145 = arith.constant 0 : i32
    %scan3A_146 = arith.constant 10 : i32
    %scan3A_147 = arith.addi %scan3A_145, %scan3A_146 : i32
    %scan3A_148 = arith.constant 1 : i32
    scf.for %scan3A_392 = %scan3A_145 to %scan3A_147 step %scan3A_148  : i32 {
      %mul3A_393 = arith.constant 4 : i32
      %mul3A_394 = arith.muli %mul3A_393, %scan3A_392 : i32
      %add3A_395 = arith.constant 0 : i32
      %add3A_396 = arith.addi %mul3A_394, %add3A_395 : i32
      %dma_wait3A_397 = arith.constant 0 : i32
      %dma_wait3A_398 = arith.constant 0 : i32
      %dma_wait3A_399 = tpu.memref_slice %arg6[%dma_wait3A_397, %dma_wait3A_398] : memref<40x64xi32, #tpu.memory_space<vmem>> -> memref<1x64xi32, #tpu.memory_space<vmem>>
      %dma_wait3A_400 = tpu.memref_squeeze %dma_wait3A_399 : memref<1x64xi32, #tpu.memory_space<vmem>> -> memref<64xi32, #tpu.memory_space<vmem>>
      %dma_wait3A_401 = arith.constant 0 : i32
      %dma_wait3A_402 = arith.constant 0 : i32
      %dma_wait3A_403 = tpu.memref_slice %arg3[%dma_wait3A_401, %dma_wait3A_402] : memref<100000x128xf32, #tpu.memory_space<hbm>> -> memref<100000x128xf32, #tpu.memory_space<hbm>>
      tpu.wait_indirect_dma semaphore(%arg13 : memref<!tpu.dma_semaphore, #tpu.memory_space<semaphore_mem>>) src(%dma_wait3A_403 : memref<100000x128xf32, #tpu.memory_space<hbm>>) dst(%arg8 : memref<64x128xf32, #tpu.memory_space<vmem>>)
      %dma_start3A_404 = arith.constant 0 : i32
      %dma_start3A_405 = tpu.memref_slice %arg7[%add3A_396, %dma_start3A_404] : memref<40x64xi32, #tpu.memory_space<vmem>> -> memref<1x64xi32, #tpu.memory_space<vmem>>
      %dma_start3A_406 = tpu.memref_squeeze %dma_start3A_405 : memref<1x64xi32, #tpu.memory_space<vmem>> -> memref<64xi32, #tpu.memory_space<vmem>>
      %dma_start3A_407 = arith.constant 0 : i32
      %dma_start3A_408 = arith.constant 0 : i32
      %dma_start3A_409 = tpu.memref_slice %arg12[%dma_start3A_407, %dma_start3A_408] : memref<10240x128xf32, #tpu.memory_space<vmem_shared>> -> memref<10240x128xf32, #tpu.memory_space<vmem_shared>>
      tpu.enqueue_indirect_dma source(%arg8 : memref<64x128xf32, #tpu.memory_space<vmem>>) target(%dma_start3A_409 : memref<10240x128xf32, #tpu.memory_space<vmem_shared>>) offsets(%dma_start3A_406 : memref<64xi32, #tpu.memory_space<vmem>>) semaphore(%arg17 : memref<!tpu.dma_semaphore, #tpu.memory_space<semaphore_mem>>) {add = true}
      %gt3A = arith.constant 0 : i32
      %gt3A_410 = arith.cmpi sgt, %scan3A_392, %gt3A : i32
      %convert_element_type3A = arith.extui %gt3A_410 : i1 to i32
      %cond3A = arith.constant 0 : i32
      %cond3A_411 = arith.cmpi ne, %convert_element_type3A, %cond3A : i32
      scf.if %cond3A_411 {
        %dma_wait3A_485 = arith.constant 0 : i32
        %dma_wait3A_486 = arith.constant 0 : i32
        %dma_wait3A_487 = tpu.memref_slice %arg7[%dma_wait3A_485, %dma_wait3A_486] : memref<40x64xi32, #tpu.memory_space<vmem>> -> memref<1x64xi32, #tpu.memory_space<vmem>>
        %dma_wait3A_488 = tpu.memref_squeeze %dma_wait3A_487 : memref<1x64xi32, #tpu.memory_space<vmem>> -> memref<64xi32, #tpu.memory_space<vmem>>
        %dma_wait3A_489 = arith.constant 0 : i32
        %dma_wait3A_490 = arith.constant 0 : i32
        %dma_wait3A_491 = tpu.memref_slice %arg12[%dma_wait3A_489, %dma_wait3A_490] : memref<10240x128xf32, #tpu.memory_space<vmem_shared>> -> memref<10240x128xf32, #tpu.memory_space<vmem_shared>>
        tpu.wait_indirect_dma semaphore(%arg20 : memref<!tpu.dma_semaphore, #tpu.memory_space<semaphore_mem>>) src(%arg11 : memref<64x128xf32, #tpu.memory_space<vmem>>) dst(%dma_wait3A_491 : memref<10240x128xf32, #tpu.memory_space<vmem_shared>>)
      } else {
      }
      %add3A_412 = arith.constant 3 : i32
      %add3A_413 = arith.addi %add3A_396, %add3A_412 : i32
      %dma_start3A_414 = arith.constant 0 : i32
      %dma_start3A_415 = tpu.memref_slice %arg6[%add3A_413, %dma_start3A_414] : memref<40x64xi32, #tpu.memory_space<vmem>> -> memref<1x64xi32, #tpu.memory_space<vmem>>
      %dma_start3A_416 = tpu.memref_squeeze %dma_start3A_415 : memref<1x64xi32, #tpu.memory_space<vmem>> -> memref<64xi32, #tpu.memory_space<vmem>>
      %dma_start3A_417 = arith.constant 0 : i32
      %dma_start3A_418 = arith.constant 0 : i32
      %dma_start3A_419 = tpu.memref_slice %arg3[%dma_start3A_417, %dma_start3A_418] : memref<100000x128xf32, #tpu.memory_space<hbm>> -> memref<100000x128xf32, #tpu.memory_space<hbm>>
      tpu.enqueue_indirect_dma source(%dma_start3A_419 : memref<100000x128xf32, #tpu.memory_space<hbm>>) target(%arg11 : memref<64x128xf32, #tpu.memory_space<vmem>>) offsets(%dma_start3A_416 : memref<64xi32, #tpu.memory_space<vmem>>) semaphore(%arg16 : memref<!tpu.dma_semaphore, #tpu.memory_space<semaphore_mem>>)
      %mul3A_420 = arith.constant 4 : i32
      %mul3A_421 = arith.muli %mul3A_420, %scan3A_392 : i32
      %add3A_422 = arith.constant 1 : i32
      %add3A_423 = arith.addi %mul3A_421, %add3A_422 : i32
      %dma_wait3A_424 = arith.constant 0 : i32
      %dma_wait3A_425 = arith.constant 0 : i32
      %dma_wait3A_426 = tpu.memref_slice %arg6[%dma_wait3A_424, %dma_wait3A_425] : memref<40x64xi32, #tpu.memory_space<vmem>> -> memref<1x64xi32, #tpu.memory_space<vmem>>
      %dma_wait3A_427 = tpu.memref_squeeze %dma_wait3A_426 : memref<1x64xi32, #tpu.memory_space<vmem>> -> memref<64xi32, #tpu.memory_space<vmem>>
      %dma_wait3A_428 = arith.constant 0 : i32
      %dma_wait3A_429 = arith.constant 0 : i32
      %dma_wait3A_430 = tpu.memref_slice %arg3[%dma_wait3A_428, %dma_wait3A_429] : memref<100000x128xf32, #tpu.memory_space<hbm>> -> memref<100000x128xf32, #tpu.memory_space<hbm>>
      tpu.wait_indirect_dma semaphore(%arg14 : memref<!tpu.dma_semaphore, #tpu.memory_space<semaphore_mem>>) src(%dma_wait3A_430 : memref<100000x128xf32, #tpu.memory_space<hbm>>) dst(%arg9 : memref<64x128xf32, #tpu.memory_space<vmem>>)
      %dma_start3A_431 = arith.constant 0 : i32
      %dma_start3A_432 = tpu.memref_slice %arg7[%add3A_423, %dma_start3A_431] : memref<40x64xi32, #tpu.memory_space<vmem>> -> memref<1x64xi32, #tpu.memory_space<vmem>>
      %dma_start3A_433 = tpu.memref_squeeze %dma_start3A_432 : memref<1x64xi32, #tpu.memory_space<vmem>> -> memref<64xi32, #tpu.memory_space<vmem>>
      %dma_start3A_434 = arith.constant 0 : i32
      %dma_start3A_435 = arith.constant 0 : i32
      %dma_start3A_436 = tpu.memref_slice %arg12[%dma_start3A_434, %dma_start3A_435] : memref<10240x128xf32, #tpu.memory_space<vmem_shared>> -> memref<10240x128xf32, #tpu.memory_space<vmem_shared>>
      tpu.enqueue_indirect_dma source(%arg9 : memref<64x128xf32, #tpu.memory_space<vmem>>) target(%dma_start3A_436 : memref<10240x128xf32, #tpu.memory_space<vmem_shared>>) offsets(%dma_start3A_433 : memref<64xi32, #tpu.memory_space<vmem>>) semaphore(%arg18 : memref<!tpu.dma_semaphore, #tpu.memory_space<semaphore_mem>>) {add = true}
      %lt3A = arith.constant 9 : i32
      %lt3A_437 = arith.cmpi slt, %scan3A_392, %lt3A : i32
      %convert_element_type3A_438 = arith.extui %lt3A_437 : i1 to i32
      %cond3A_439 = arith.constant 0 : i32
      %cond3A_440 = arith.cmpi ne, %convert_element_type3A_438, %cond3A_439 : i32
      scf.if %cond3A_440 {
        %dma_wait3A_485 = arith.constant 0 : i32
        %dma_wait3A_486 = arith.constant 0 : i32
        %dma_wait3A_487 = tpu.memref_slice %arg7[%dma_wait3A_485, %dma_wait3A_486] : memref<40x64xi32, #tpu.memory_space<vmem>> -> memref<1x64xi32, #tpu.memory_space<vmem>>
        %dma_wait3A_488 = tpu.memref_squeeze %dma_wait3A_487 : memref<1x64xi32, #tpu.memory_space<vmem>> -> memref<64xi32, #tpu.memory_space<vmem>>
        %dma_wait3A_489 = arith.constant 0 : i32
        %dma_wait3A_490 = arith.constant 0 : i32
        %dma_wait3A_491 = tpu.memref_slice %arg12[%dma_wait3A_489, %dma_wait3A_490] : memref<10240x128xf32, #tpu.memory_space<vmem_shared>> -> memref<10240x128xf32, #tpu.memory_space<vmem_shared>>
        tpu.wait_indirect_dma semaphore(%arg17 : memref<!tpu.dma_semaphore, #tpu.memory_space<semaphore_mem>>) src(%arg8 : memref<64x128xf32, #tpu.memory_space<vmem>>) dst(%dma_wait3A_491 : memref<10240x128xf32, #tpu.memory_space<vmem_shared>>)
        %add3A_492 = arith.constant 3 : i32
        %add3A_493 = arith.addi %add3A_423, %add3A_492 : i32
        %dma_start3A_494 = arith.constant 0 : i32
        %dma_start3A_495 = tpu.memref_slice %arg6[%add3A_493, %dma_start3A_494] : memref<40x64xi32, #tpu.memory_space<vmem>> -> memref<1x64xi32, #tpu.memory_space<vmem>>
        %dma_start3A_496 = tpu.memref_squeeze %dma_start3A_495 : memref<1x64xi32, #tpu.memory_space<vmem>> -> memref<64xi32, #tpu.memory_space<vmem>>
        %dma_start3A_497 = arith.constant 0 : i32
        %dma_start3A_498 = arith.constant 0 : i32
        %dma_start3A_499 = tpu.memref_slice %arg3[%dma_start3A_497, %dma_start3A_498] : memref<100000x128xf32, #tpu.memory_space<hbm>> -> memref<100000x128xf32, #tpu.memory_space<hbm>>
        tpu.enqueue_indirect_dma source(%dma_start3A_499 : memref<100000x128xf32, #tpu.memory_space<hbm>>) target(%arg8 : memref<64x128xf32, #tpu.memory_space<vmem>>) offsets(%dma_start3A_496 : memref<64xi32, #tpu.memory_space<vmem>>) semaphore(%arg13 : memref<!tpu.dma_semaphore, #tpu.memory_space<semaphore_mem>>)
      } else {
      }
      %mul3A_441 = arith.constant 4 : i32
      %mul3A_442 = arith.muli %mul3A_441, %scan3A_392 : i32
      %add3A_443 = arith.constant 2 : i32
      %add3A_444 = arith.addi %mul3A_442, %add3A_443 : i32
      %dma_wait3A_445 = arith.constant 0 : i32
      %dma_wait3A_446 = arith.constant 0 : i32
      %dma_wait3A_447 = tpu.memref_slice %arg6[%dma_wait3A_445, %dma_wait3A_446] : memref<40x64xi32, #tpu.memory_space<vmem>> -> memref<1x64xi32, #tpu.memory_space<vmem>>
      %dma_wait3A_448 = tpu.memref_squeeze %dma_wait3A_447 : memref<1x64xi32, #tpu.memory_space<vmem>> -> memref<64xi32, #tpu.memory_space<vmem>>
      %dma_wait3A_449 = arith.constant 0 : i32
      %dma_wait3A_450 = arith.constant 0 : i32
      %dma_wait3A_451 = tpu.memref_slice %arg3[%dma_wait3A_449, %dma_wait3A_450] : memref<100000x128xf32, #tpu.memory_space<hbm>> -> memref<100000x128xf32, #tpu.memory_space<hbm>>
      tpu.wait_indirect_dma semaphore(%arg15 : memref<!tpu.dma_semaphore, #tpu.memory_space<semaphore_mem>>) src(%dma_wait3A_451 : memref<100000x128xf32, #tpu.memory_space<hbm>>) dst(%arg10 : memref<64x128xf32, #tpu.memory_space<vmem>>)
      %dma_start3A_452 = arith.constant 0 : i32
      %dma_start3A_453 = tpu.memref_slice %arg7[%add3A_444, %dma_start3A_452] : memref<40x64xi32, #tpu.memory_space<vmem>> -> memref<1x64xi32, #tpu.memory_space<vmem>>
      %dma_start3A_454 = tpu.memref_squeeze %dma_start3A_453 : memref<1x64xi32, #tpu.memory_space<vmem>> -> memref<64xi32, #tpu.memory_space<vmem>>
      %dma_start3A_455 = arith.constant 0 : i32
      %dma_start3A_456 = arith.constant 0 : i32
      %dma_start3A_457 = tpu.memref_slice %arg12[%dma_start3A_455, %dma_start3A_456] : memref<10240x128xf32, #tpu.memory_space<vmem_shared>> -> memref<10240x128xf32, #tpu.memory_space<vmem_shared>>
      tpu.enqueue_indirect_dma source(%arg10 : memref<64x128xf32, #tpu.memory_space<vmem>>) target(%dma_start3A_457 : memref<10240x128xf32, #tpu.memory_space<vmem_shared>>) offsets(%dma_start3A_454 : memref<64xi32, #tpu.memory_space<vmem>>) semaphore(%arg19 : memref<!tpu.dma_semaphore, #tpu.memory_space<semaphore_mem>>) {add = true}
      %lt3A_458 = arith.constant 9 : i32
      %lt3A_459 = arith.cmpi slt, %scan3A_392, %lt3A_458 : i32
      %convert_element_type3A_460 = arith.extui %lt3A_459 : i1 to i32
      %cond3A_461 = arith.constant 0 : i32
      %cond3A_462 = arith.cmpi ne, %convert_element_type3A_460, %cond3A_461 : i32
      scf.if %cond3A_462 {
        %dma_wait3A_485 = arith.constant 0 : i32
        %dma_wait3A_486 = arith.constant 0 : i32
        %dma_wait3A_487 = tpu.memref_slice %arg7[%dma_wait3A_485, %dma_wait3A_486] : memref<40x64xi32, #tpu.memory_space<vmem>> -> memref<1x64xi32, #tpu.memory_space<vmem>>
        %dma_wait3A_488 = tpu.memref_squeeze %dma_wait3A_487 : memref<1x64xi32, #tpu.memory_space<vmem>> -> memref<64xi32, #tpu.memory_space<vmem>>
        %dma_wait3A_489 = arith.constant 0 : i32
        %dma_wait3A_490 = arith.constant 0 : i32
        %dma_wait3A_491 = tpu.memref_slice %arg12[%dma_wait3A_489, %dma_wait3A_490] : memref<10240x128xf32, #tpu.memory_space<vmem_shared>> -> memref<10240x128xf32, #tpu.memory_space<vmem_shared>>
        tpu.wait_indirect_dma semaphore(%arg18 : memref<!tpu.dma_semaphore, #tpu.memory_space<semaphore_mem>>) src(%arg9 : memref<64x128xf32, #tpu.memory_space<vmem>>) dst(%dma_wait3A_491 : memref<10240x128xf32, #tpu.memory_space<vmem_shared>>)
        %add3A_492 = arith.constant 3 : i32
        %add3A_493 = arith.addi %add3A_444, %add3A_492 : i32
        %dma_start3A_494 = arith.constant 0 : i32
        %dma_start3A_495 = tpu.memref_slice %arg6[%add3A_493, %dma_start3A_494] : memref<40x64xi32, #tpu.memory_space<vmem>> -> memref<1x64xi32, #tpu.memory_space<vmem>>
        %dma_start3A_496 = tpu.memref_squeeze %dma_start3A_495 : memref<1x64xi32, #tpu.memory_space<vmem>> -> memref<64xi32, #tpu.memory_space<vmem>>
        %dma_start3A_497 = arith.constant 0 : i32
        %dma_start3A_498 = arith.constant 0 : i32
        %dma_start3A_499 = tpu.memref_slice %arg3[%dma_start3A_497, %dma_start3A_498] : memref<100000x128xf32, #tpu.memory_space<hbm>> -> memref<100000x128xf32, #tpu.memory_space<hbm>>
        tpu.enqueue_indirect_dma source(%dma_start3A_499 : memref<100000x128xf32, #tpu.memory_space<hbm>>) target(%arg9 : memref<64x128xf32, #tpu.memory_space<vmem>>) offsets(%dma_start3A_496 : memref<64xi32, #tpu.memory_space<vmem>>) semaphore(%arg14 : memref<!tpu.dma_semaphore, #tpu.memory_space<semaphore_mem>>)
      } else {
      }
      %mul3A_463 = arith.constant 4 : i32
      %mul3A_464 = arith.muli %mul3A_463, %scan3A_392 : i32
      %add3A_465 = arith.constant 3 : i32
      %add3A_466 = arith.addi %mul3A_464, %add3A_465 : i32
      %dma_wait3A_467 = arith.constant 0 : i32
      %dma_wait3A_468 = arith.constant 0 : i32
      %dma_wait3A_469 = tpu.memref_slice %arg6[%dma_wait3A_467, %dma_wait3A_468] : memref<40x64xi32, #tpu.memory_space<vmem>> -> memref<1x64xi32, #tpu.memory_space<vmem>>
      %dma_wait3A_470 = tpu.memref_squeeze %dma_wait3A_469 : memref<1x64xi32, #tpu.memory_space<vmem>> -> memref<64xi32, #tpu.memory_space<vmem>>
      %dma_wait3A_471 = arith.constant 0 : i32
      %dma_wait3A_472 = arith.constant 0 : i32
      %dma_wait3A_473 = tpu.memref_slice %arg3[%dma_wait3A_471, %dma_wait3A_472] : memref<100000x128xf32, #tpu.memory_space<hbm>> -> memref<100000x128xf32, #tpu.memory_space<hbm>>
      tpu.wait_indirect_dma semaphore(%arg16 : memref<!tpu.dma_semaphore, #tpu.memory_space<semaphore_mem>>) src(%dma_wait3A_473 : memref<100000x128xf32, #tpu.memory_space<hbm>>) dst(%arg11 : memref<64x128xf32, #tpu.memory_space<vmem>>)
      %dma_start3A_474 = arith.constant 0 : i32
      %dma_start3A_475 = tpu.memref_slice %arg7[%add3A_466, %dma_start3A_474] : memref<40x64xi32, #tpu.memory_space<vmem>> -> memref<1x64xi32, #tpu.memory_space<vmem>>
      %dma_start3A_476 = tpu.memref_squeeze %dma_start3A_475 : memref<1x64xi32, #tpu.memory_space<vmem>> -> memref<64xi32, #tpu.memory_space<vmem>>
      %dma_start3A_477 = arith.constant 0 : i32
      %dma_start3A_478 = arith.constant 0 : i32
      %dma_start3A_479 = tpu.memref_slice %arg12[%dma_start3A_477, %dma_start3A_478] : memref<10240x128xf32, #tpu.memory_space<vmem_shared>> -> memref<10240x128xf32, #tpu.memory_space<vmem_shared>>
      tpu.enqueue_indirect_dma source(%arg11 : memref<64x128xf32, #tpu.memory_space<vmem>>) target(%dma_start3A_479 : memref<10240x128xf32, #tpu.memory_space<vmem_shared>>) offsets(%dma_start3A_476 : memref<64xi32, #tpu.memory_space<vmem>>) semaphore(%arg20 : memref<!tpu.dma_semaphore, #tpu.memory_space<semaphore_mem>>) {add = true}
      %lt3A_480 = arith.constant 9 : i32
      %lt3A_481 = arith.cmpi slt, %scan3A_392, %lt3A_480 : i32
      %convert_element_type3A_482 = arith.extui %lt3A_481 : i1 to i32
      %cond3A_483 = arith.constant 0 : i32
      %cond3A_484 = arith.cmpi ne, %convert_element_type3A_482, %cond3A_483 : i32
      scf.if %cond3A_484 {
        %dma_wait3A_485 = arith.constant 0 : i32
        %dma_wait3A_486 = arith.constant 0 : i32
        %dma_wait3A_487 = tpu.memref_slice %arg7[%dma_wait3A_485, %dma_wait3A_486] : memref<40x64xi32, #tpu.memory_space<vmem>> -> memref<1x64xi32, #tpu.memory_space<vmem>>
        %dma_wait3A_488 = tpu.memref_squeeze %dma_wait3A_487 : memref<1x64xi32, #tpu.memory_space<vmem>> -> memref<64xi32, #tpu.memory_space<vmem>>
        %dma_wait3A_489 = arith.constant 0 : i32
        %dma_wait3A_490 = arith.constant 0 : i32
        %dma_wait3A_491 = tpu.memref_slice %arg12[%dma_wait3A_489, %dma_wait3A_490] : memref<10240x128xf32, #tpu.memory_space<vmem_shared>> -> memref<10240x128xf32, #tpu.memory_space<vmem_shared>>
        tpu.wait_indirect_dma semaphore(%arg19 : memref<!tpu.dma_semaphore, #tpu.memory_space<semaphore_mem>>) src(%arg10 : memref<64x128xf32, #tpu.memory_space<vmem>>) dst(%dma_wait3A_491 : memref<10240x128xf32, #tpu.memory_space<vmem_shared>>)
        %add3A_492 = arith.constant 3 : i32
        %add3A_493 = arith.addi %add3A_466, %add3A_492 : i32
        %dma_start3A_494 = arith.constant 0 : i32
        %dma_start3A_495 = tpu.memref_slice %arg6[%add3A_493, %dma_start3A_494] : memref<40x64xi32, #tpu.memory_space<vmem>> -> memref<1x64xi32, #tpu.memory_space<vmem>>
        %dma_start3A_496 = tpu.memref_squeeze %dma_start3A_495 : memref<1x64xi32, #tpu.memory_space<vmem>> -> memref<64xi32, #tpu.memory_space<vmem>>
        %dma_start3A_497 = arith.constant 0 : i32
        %dma_start3A_498 = arith.constant 0 : i32
        %dma_start3A_499 = tpu.memref_slice %arg3[%dma_start3A_497, %dma_start3A_498] : memref<100000x128xf32, #tpu.memory_space<hbm>> -> memref<100000x128xf32, #tpu.memory_space<hbm>>
        tpu.enqueue_indirect_dma source(%dma_start3A_499 : memref<100000x128xf32, #tpu.memory_space<hbm>>) target(%arg10 : memref<64x128xf32, #tpu.memory_space<vmem>>) offsets(%dma_start3A_496 : memref<64xi32, #tpu.memory_space<vmem>>) semaphore(%arg15 : memref<!tpu.dma_semaphore, #tpu.memory_space<semaphore_mem>>)
      } else {
      }
    }
    %scan3A_149 = arith.constant 10 : i32
    %add3A_150 = arith.constant 40 : i32
    %add3A_151 = arith.addi %mul3A_69, %add3A_150 : i32
    %dma_start3A_152 = arith.constant 0 : i32
    %dma_start3A_153 = tpu.memref_slice %arg2[%add3A_151, %dma_start3A_152] : memref<5120x64xi32, #tpu.memory_space<hbm>> -> memref<40x64xi32, #tpu.memory_space<hbm>>
    %dma_start3A_154 = arith.constant 0 : i32
    %dma_start3A_155 = tpu.memref_slice %arg2[%add3A_151, %dma_start3A_154] : memref<5120x64xi32, #tpu.memory_space<hbm>> -> memref<40x64xi32, #tpu.memory_space<hbm>>
    tpu.enqueue_dma source(%dma_start3A_155 : memref<40x64xi32, #tpu.memory_space<hbm>>) target(%arg5 : memref<40x64xi32, #tpu.memory_space<vmem>>) target_semaphore(%arg21 : memref<!tpu.dma_semaphore, #tpu.memory_space<semaphore_mem>>)
    %dma_wait3A_156 = arith.constant 0 : i32
    %dma_wait3A_157 = arith.constant 0 : i32
    %dma_wait3A_158 = tpu.memref_slice %arg7[%dma_wait3A_156, %dma_wait3A_157] : memref<40x64xi32, #tpu.memory_space<vmem>> -> memref<1x64xi32, #tpu.memory_space<vmem>>
    %dma_wait3A_159 = tpu.memref_squeeze %dma_wait3A_158 : memref<1x64xi32, #tpu.memory_space<vmem>> -> memref<64xi32, #tpu.memory_space<vmem>>
    %dma_wait3A_160 = arith.constant 0 : i32
    %dma_wait3A_161 = arith.constant 0 : i32
    %dma_wait3A_162 = tpu.memref_slice %arg12[%dma_wait3A_160, %dma_wait3A_161] : memref<10240x128xf32, #tpu.memory_space<vmem_shared>> -> memref<10240x128xf32, #tpu.memory_space<vmem_shared>>
    tpu.wait_indirect_dma semaphore(%arg17 : memref<!tpu.dma_semaphore, #tpu.memory_space<semaphore_mem>>) src(%arg8 : memref<64x128xf32, #tpu.memory_space<vmem>>) dst(%dma_wait3A_162 : memref<10240x128xf32, #tpu.memory_space<vmem_shared>>)
    %dma_wait3A_163 = arith.constant 0 : i32
    %dma_wait3A_164 = arith.constant 0 : i32
    %dma_wait3A_165 = tpu.memref_slice %arg7[%dma_wait3A_163, %dma_wait3A_164] : memref<40x64xi32, #tpu.memory_space<vmem>> -> memref<1x64xi32, #tpu.memory_space<vmem>>
    %dma_wait3A_166 = tpu.memref_squeeze %dma_wait3A_165 : memref<1x64xi32, #tpu.memory_space<vmem>> -> memref<64xi32, #tpu.memory_space<vmem>>
    %dma_wait3A_167 = arith.constant 0 : i32
    %dma_wait3A_168 = arith.constant 0 : i32
    %dma_wait3A_169 = tpu.memref_slice %arg12[%dma_wait3A_167, %dma_wait3A_168] : memref<10240x128xf32, #tpu.memory_space<vmem_shared>> -> memref<10240x128xf32, #tpu.memory_space<vmem_shared>>
    tpu.wait_indirect_dma semaphore(%arg18 : memref<!tpu.dma_semaphore, #tpu.memory_space<semaphore_mem>>) src(%arg9 : memref<64x128xf32, #tpu.memory_space<vmem>>) dst(%dma_wait3A_169 : memref<10240x128xf32, #tpu.memory_space<vmem_shared>>)
    %dma_wait3A_170 = arith.constant 0 : i32
    %dma_wait3A_171 = arith.constant 0 : i32
    %dma_wait3A_172 = tpu.memref_slice %arg7[%dma_wait3A_170, %dma_wait3A_171] : memref<40x64xi32, #tpu.memory_space<vmem>> -> memref<1x64xi32, #tpu.memory_space<vmem>>
    %dma_wait3A_173 = tpu.memref_squeeze %dma_wait3A_172 : memref<1x64xi32, #tpu.memory_space<vmem>> -> memref<64xi32, #tpu.memory_space<vmem>>
    %dma_wait3A_174 = arith.constant 0 : i32
    %dma_wait3A_175 = arith.constant 0 : i32
    %dma_wait3A_176 = tpu.memref_slice %arg12[%dma_wait3A_174, %dma_wait3A_175] : memref<10240x128xf32, #tpu.memory_space<vmem_shared>> -> memref<10240x128xf32, #tpu.memory_space<vmem_shared>>
    tpu.wait_indirect_dma semaphore(%arg19 : memref<!tpu.dma_semaphore, #tpu.memory_space<semaphore_mem>>) src(%arg10 : memref<64x128xf32, #tpu.memory_space<vmem>>) dst(%dma_wait3A_176 : memref<10240x128xf32, #tpu.memory_space<vmem_shared>>)
    %dma_wait3A_177 = arith.constant 0 : i32
    %dma_wait3A_178 = arith.constant 0 : i32
    %dma_wait3A_179 = tpu.memref_slice %arg7[%dma_wait3A_177, %dma_wait3A_178] : memref<40x64xi32, #tpu.memory_space<vmem>> -> memref<1x64xi32, #tpu.memory_space<vmem>>
    %dma_wait3A_180 = tpu.memref_squeeze %dma_wait3A_179 : memref<1x64xi32, #tpu.memory_space<vmem>> -> memref<64xi32, #tpu.memory_space<vmem>>
    %dma_wait3A_181 = arith.constant 0 : i32
    %dma_wait3A_182 = arith.constant 0 : i32
    %dma_wait3A_183 = tpu.memref_slice %arg12[%dma_wait3A_181, %dma_wait3A_182] : memref<10240x128xf32, #tpu.memory_space<vmem_shared>> -> memref<10240x128xf32, #tpu.memory_space<vmem_shared>>
    tpu.wait_indirect_dma semaphore(%arg20 : memref<!tpu.dma_semaphore, #tpu.memory_space<semaphore_mem>>) src(%arg11 : memref<64x128xf32, #tpu.memory_space<vmem>>) dst(%dma_wait3A_183 : memref<10240x128xf32, #tpu.memory_space<vmem_shared>>)
    %dma_wait3A_184 = arith.constant 0 : i32
    %dma_wait3A_185 = tpu.memref_slice %arg2[%mul3A_69, %dma_wait3A_184] : memref<5120x64xi32, #tpu.memory_space<hbm>> -> memref<40x64xi32, #tpu.memory_space<hbm>>
    %dma_wait3A_186 = arith.constant 0 : i32
    %dma_wait3A_187 = tpu.memref_slice %arg2[%mul3A_69, %dma_wait3A_186] : memref<5120x64xi32, #tpu.memory_space<hbm>> -> memref<40x64xi32, #tpu.memory_space<hbm>>
    tpu.wait_dma2 semaphore(%arg21 : memref<!tpu.dma_semaphore, #tpu.memory_space<semaphore_mem>>) src(%dma_wait3A_187 : memref<40x64xi32, #tpu.memory_space<hbm>>) dst(%arg5 : memref<40x64xi32, #tpu.memory_space<vmem>>)
    %scan3A_188 = arith.constant 0 : i32
    %scan3A_189 = arith.constant 0 : i32
    %scan3A_190 = arith.constant 40 : i32
    %scan3A_191 = arith.addi %scan3A_189, %scan3A_190 : i32
    %scan3A_192 = arith.constant 1 : i32
    scf.for %scan3A_392 = %scan3A_189 to %scan3A_191 step %scan3A_192  : i32 {
      %get3A = arith.index_cast %scan3A_392 : i32 to index
      %get3A_393 = arith.constant 0 : index
      %get3A_394 = tpu.vector_load %arg5[%get3A, %get3A_393] {strides = array<i32>} : memref<40x64xi32, #tpu.memory_space<vmem>>, vector<1x16xi32>,
      %get3A_395 = vector.shape_cast %get3A_394 : vector<1x16xi32> to vector<16xi32>
      %and3A = arith.constant 131071 : i32
      %and3A_396 = vector.broadcast %and3A : i32 to vector<16xi32>
      %and3A_397 = arith.andi %get3A_395, %and3A_396 : vector<16xi32>
      %swap3A = arith.index_cast %scan3A_392 : i32 to index
      %swap3A_398 = arith.constant 0 : index
      %swap3A_399 = tpu.vector_load %arg6[%swap3A, %swap3A_398] {strides = array<i32>} : memref<40x64xi32, #tpu.memory_space<vmem>>, vector<1x16xi32>,
      %swap3A_400 = vector.shape_cast %swap3A_399 : vector<1x16xi32> to vector<16xi32>
      %swap3A_401 = vector.shape_cast %and3A_397 : vector<16xi32> to vector<1x16xi32>
      tpu.vector_store %arg6[%swap3A, %swap3A_398], %swap3A_401 {strides = array<i32>} : memref<40x64xi32, #tpu.memory_space<vmem>>, vector<1x16xi32>,
      %get3A_402 = arith.index_cast %scan3A_392 : i32 to index
      %get3A_403 = arith.constant 16 : index
      %get3A_404 = tpu.vector_load %arg5[%get3A_402, %get3A_403] {strides = array<i32>} : memref<40x64xi32, #tpu.memory_space<vmem>>, vector<1x16xi32>,
      %get3A_405 = vector.shape_cast %get3A_404 : vector<1x16xi32> to vector<16xi32>
      %and3A_406 = arith.constant 131071 : i32
      %and3A_407 = vector.broadcast %and3A_406 : i32 to vector<16xi32>
      %and3A_408 = arith.andi %get3A_405, %and3A_407 : vector<16xi32>
      %swap3A_409 = arith.index_cast %scan3A_392 : i32 to index
      %swap3A_410 = arith.constant 16 : index
      %swap3A_411 = tpu.vector_load %arg6[%swap3A_409, %swap3A_410] {strides = array<i32>} : memref<40x64xi32, #tpu.memory_space<vmem>>, vector<1x16xi32>,
      %swap3A_412 = vector.shape_cast %swap3A_411 : vector<1x16xi32> to vector<16xi32>
      %swap3A_413 = vector.shape_cast %and3A_408 : vector<16xi32> to vector<1x16xi32>
      tpu.vector_store %arg6[%swap3A_409, %swap3A_410], %swap3A_413 {strides = array<i32>} : memref<40x64xi32, #tpu.memory_space<vmem>>, vector<1x16xi32>,
      %get3A_414 = arith.index_cast %scan3A_392 : i32 to index
      %get3A_415 = arith.constant 32 : index
      %get3A_416 = tpu.vector_load %arg5[%get3A_414, %get3A_415] {strides = array<i32>} : memref<40x64xi32, #tpu.memory_space<vmem>>, vector<1x16xi32>,
      %get3A_417 = vector.shape_cast %get3A_416 : vector<1x16xi32> to vector<16xi32>
      %and3A_418 = arith.constant 131071 : i32
      %and3A_419 = vector.broadcast %and3A_418 : i32 to vector<16xi32>
      %and3A_420 = arith.andi %get3A_417, %and3A_419 : vector<16xi32>
      %swap3A_421 = arith.index_cast %scan3A_392 : i32 to index
      %swap3A_422 = arith.constant 32 : index
      %swap3A_423 = tpu.vector_load %arg6[%swap3A_421, %swap3A_422] {strides = array<i32>} : memref<40x64xi32, #tpu.memory_space<vmem>>, vector<1x16xi32>,
      %swap3A_424 = vector.shape_cast %swap3A_423 : vector<1x16xi32> to vector<16xi32>
      %swap3A_425 = vector.shape_cast %and3A_420 : vector<16xi32> to vector<1x16xi32>
      tpu.vector_store %arg6[%swap3A_421, %swap3A_422], %swap3A_425 {strides = array<i32>} : memref<40x64xi32, #tpu.memory_space<vmem>>, vector<1x16xi32>,
      %get3A_426 = arith.index_cast %scan3A_392 : i32 to index
      %get3A_427 = arith.constant 48 : index
      %get3A_428 = tpu.vector_load %arg5[%get3A_426, %get3A_427] {strides = array<i32>} : memref<40x64xi32, #tpu.memory_space<vmem>>, vector<1x16xi32>,
      %get3A_429 = vector.shape_cast %get3A_428 : vector<1x16xi32> to vector<16xi32>
      %and3A_430 = arith.constant 131071 : i32
      %and3A_431 = vector.broadcast %and3A_430 : i32 to vector<16xi32>
      %and3A_432 = arith.andi %get3A_429, %and3A_431 : vector<16xi32>
      %swap3A_433 = arith.index_cast %scan3A_392 : i32 to index
      %swap3A_434 = arith.constant 48 : index
      %swap3A_435 = tpu.vector_load %arg6[%swap3A_433, %swap3A_434] {strides = array<i32>} : memref<40x64xi32, #tpu.memory_space<vmem>>, vector<1x16xi32>,
      %swap3A_436 = vector.shape_cast %swap3A_435 : vector<1x16xi32> to vector<16xi32>
      %swap3A_437 = vector.shape_cast %and3A_432 : vector<16xi32> to vector<1x16xi32>
      tpu.vector_store %arg6[%swap3A_433, %swap3A_434], %swap3A_437 {strides = array<i32>} : memref<40x64xi32, #tpu.memory_space<vmem>>, vector<1x16xi32>,
      %get3A_438 = arith.index_cast %scan3A_392 : i32 to index
      %get3A_439 = arith.constant 0 : index
      %get3A_440 = tpu.vector_load %arg5[%get3A_438, %get3A_439] {strides = array<i32>} : memref<40x64xi32, #tpu.memory_space<vmem>>, vector<1x16xi32>,
      %get3A_441 = vector.shape_cast %get3A_440 : vector<1x16xi32> to vector<16xi32>
      %shift_right_logical3A = arith.constant 17 : i32
      %shift_right_logical3A_442 = vector.broadcast %shift_right_logical3A : i32 to vector<16xi32>
      %shift_right_logical3A_443 = arith.shrui %get3A_441, %shift_right_logical3A_442 : vector<16xi32>
      %swap3A_444 = arith.index_cast %scan3A_392 : i32 to index
      %swap3A_445 = arith.constant 0 : index
      %swap3A_446 = tpu.vector_load %arg7[%swap3A_444, %swap3A_445] {strides = array<i32>} : memref<40x64xi32, #tpu.memory_space<vmem>>, vector<1x16xi32>,
      %swap3A_447 = vector.shape_cast %swap3A_446 : vector<1x16xi32> to vector<16xi32>
      %swap3A_448 = vector.shape_cast %shift_right_logical3A_443 : vector<16xi32> to vector<1x16xi32>
      tpu.vector_store %arg7[%swap3A_444, %swap3A_445], %swap3A_448 {strides = array<i32>} : memref<40x64xi32, #tpu.memory_space<vmem>>, vector<1x16xi32>,
      %get3A_449 = arith.index_cast %scan3A_392 : i32 to index
      %get3A_450 = arith.constant 16 : index
      %get3A_451 = tpu.vector_load %arg5[%get3A_449, %get3A_450] {strides = array<i32>} : memref<40x64xi32, #tpu.memory_space<vmem>>, vector<1x16xi32>,
      %get3A_452 = vector.shape_cast %get3A_451 : vector<1x16xi32> to vector<16xi32>
      %shift_right_logical3A_453 = arith.constant 17 : i32
      %shift_right_logical3A_454 = vector.broadcast %shift_right_logical3A_453 : i32 to vector<16xi32>
      %shift_right_logical3A_455 = arith.shrui %get3A_452, %shift_right_logical3A_454 : vector<16xi32>
      %swap3A_456 = arith.index_cast %scan3A_392 : i32 to index
      %swap3A_457 = arith.constant 16 : index
      %swap3A_458 = tpu.vector_load %arg7[%swap3A_456, %swap3A_457] {strides = array<i32>} : memref<40x64xi32, #tpu.memory_space<vmem>>, vector<1x16xi32>,
      %swap3A_459 = vector.shape_cast %swap3A_458 : vector<1x16xi32> to vector<16xi32>
      %swap3A_460 = vector.shape_cast %shift_right_logical3A_455 : vector<16xi32> to vector<1x16xi32>
      tpu.vector_store %arg7[%swap3A_456, %swap3A_457], %swap3A_460 {strides = array<i32>} : memref<40x64xi32, #tpu.memory_space<vmem>>, vector<1x16xi32>,
      %get3A_461 = arith.index_cast %scan3A_392 : i32 to index
      %get3A_462 = arith.constant 32 : index
      %get3A_463 = tpu.vector_load %arg5[%get3A_461, %get3A_462] {strides = array<i32>} : memref<40x64xi32, #tpu.memory_space<vmem>>, vector<1x16xi32>,
      %get3A_464 = vector.shape_cast %get3A_463 : vector<1x16xi32> to vector<16xi32>
      %shift_right_logical3A_465 = arith.constant 17 : i32
      %shift_right_logical3A_466 = vector.broadcast %shift_right_logical3A_465 : i32 to vector<16xi32>
      %shift_right_logical3A_467 = arith.shrui %get3A_464, %shift_right_logical3A_466 : vector<16xi32>
      %swap3A_468 = arith.index_cast %scan3A_392 : i32 to index
      %swap3A_469 = arith.constant 32 : index
      %swap3A_470 = tpu.vector_load %arg7[%swap3A_468, %swap3A_469] {strides = array<i32>} : memref<40x64xi32, #tpu.memory_space<vmem>>, vector<1x16xi32>,
      %swap3A_471 = vector.shape_cast %swap3A_470 : vector<1x16xi32> to vector<16xi32>
      %swap3A_472 = vector.shape_cast %shift_right_logical3A_467 : vector<16xi32> to vector<1x16xi32>
      tpu.vector_store %arg7[%swap3A_468, %swap3A_469], %swap3A_472 {strides = array<i32>} : memref<40x64xi32, #tpu.memory_space<vmem>>, vector<1x16xi32>,
      %get3A_473 = arith.index_cast %scan3A_392 : i32 to index
      %get3A_474 = arith.constant 48 : index
      %get3A_475 = tpu.vector_load %arg5[%get3A_473, %get3A_474] {strides = array<i32>} : memref<40x64xi32, #tpu.memory_space<vmem>>, vector<1x16xi32>,
      %get3A_476 = vector.shape_cast %get3A_475 : vector<1x16xi32> to vector<16xi32>
      %shift_right_logical3A_477 = arith.constant 17 : i32
      %shift_right_logical3A_478 = vector.broadcast %shift_right_logical3A_477 : i32 to vector<16xi32>
      %shift_right_logical3A_479 = arith.shrui %get3A_476, %shift_right_logical3A_478 : vector<16xi32>
      %swap3A_480 = arith.index_cast %scan3A_392 : i32 to index
      %swap3A_481 = arith.constant 48 : index
      %swap3A_482 = tpu.vector_load %arg7[%swap3A_480, %swap3A_481] {strides = array<i32>} : memref<40x64xi32, #tpu.memory_space<vmem>>, vector<1x16xi32>,
      %swap3A_483 = vector.shape_cast %swap3A_482 : vector<1x16xi32> to vector<16xi32>
      %swap3A_484 = vector.shape_cast %shift_right_logical3A_479 : vector<16xi32> to vector<1x16xi32>
      tpu.vector_store %arg7[%swap3A_480, %swap3A_481], %swap3A_484 {strides = array<i32>} : memref<40x64xi32, #tpu.memory_space<vmem>>, vector<1x16xi32>,
    }
    %scan3A_193 = arith.constant 40 : i32
    %dma_start3A_194 = arith.constant 0 : i32
    %dma_start3A_195 = arith.constant 0 : i32
    %dma_start3A_196 = tpu.memref_slice %arg6[%dma_start3A_194, %dma_start3A_195] : memref<40x64xi32, #tpu.memory_space<vmem>> -> memref<1x64xi32, #tpu.memory_space<vmem>>
    %dma_start3A_197 = tpu.memref_squeeze %dma_start3A_196 : memref<1x64xi32, #tpu.memory_space<vmem>> -> memref<64xi32, #tpu.memory_space<vmem>>
    %dma_start3A_198 = arith.constant 0 : i32
    %dma_start3A_199 = arith.constant 0 : i32
    %dma_start3A_200 = tpu.memref_slice %arg3[%dma_start3A_198, %dma_start3A_199] : memref<100000x128xf32, #tpu.memory_space<hbm>> -> memref<100000x128xf32, #tpu.memory_space<hbm>>
    tpu.enqueue_indirect_dma source(%dma_start3A_200 : memref<100000x128xf32, #tpu.memory_space<hbm>>) target(%arg8 : memref<64x128xf32, #tpu.memory_space<vmem>>) offsets(%dma_start3A_197 : memref<64xi32, #tpu.memory_space<vmem>>) semaphore(%arg13 : memref<!tpu.dma_semaphore, #tpu.memory_space<semaphore_mem>>)
    %dma_start3A_201 = arith.constant 1 : i32
    %dma_start3A_202 = arith.constant 0 : i32
    %dma_start3A_203 = tpu.memref_slice %arg6[%dma_start3A_201, %dma_start3A_202] : memref<40x64xi32, #tpu.memory_space<vmem>> -> memref<1x64xi32, #tpu.memory_space<vmem>>
    %dma_start3A_204 = tpu.memref_squeeze %dma_start3A_203 : memref<1x64xi32, #tpu.memory_space<vmem>> -> memref<64xi32, #tpu.memory_space<vmem>>
    %dma_start3A_205 = arith.constant 0 : i32
    %dma_start3A_206 = arith.constant 0 : i32
    %dma_start3A_207 = tpu.memref_slice %arg3[%dma_start3A_205, %dma_start3A_206] : memref<100000x128xf32, #tpu.memory_space<hbm>> -> memref<100000x128xf32, #tpu.memory_space<hbm>>
    tpu.enqueue_indirect_dma source(%dma_start3A_207 : memref<100000x128xf32, #tpu.memory_space<hbm>>) target(%arg9 : memref<64x128xf32, #tpu.memory_space<vmem>>) offsets(%dma_start3A_204 : memref<64xi32, #tpu.memory_space<vmem>>) semaphore(%arg14 : memref<!tpu.dma_semaphore, #tpu.memory_space<semaphore_mem>>)
    %dma_start3A_208 = arith.constant 2 : i32
    %dma_start3A_209 = arith.constant 0 : i32
    %dma_start3A_210 = tpu.memref_slice %arg6[%dma_start3A_208, %dma_start3A_209] : memref<40x64xi32, #tpu.memory_space<vmem>> -> memref<1x64xi32, #tpu.memory_space<vmem>>
    %dma_start3A_211 = tpu.memref_squeeze %dma_start3A_210 : memref<1x64xi32, #tpu.memory_space<vmem>> -> memref<64xi32, #tpu.memory_space<vmem>>
    %dma_start3A_212 = arith.constant 0 : i32
    %dma_start3A_213 = arith.constant 0 : i32
    %dma_start3A_214 = tpu.memref_slice %arg3[%dma_start3A_212, %dma_start3A_213] : memref<100000x128xf32, #tpu.memory_space<hbm>> -> memref<100000x128xf32, #tpu.memory_space<hbm>>
    tpu.enqueue_indirect_dma source(%dma_start3A_214 : memref<100000x128xf32, #tpu.memory_space<hbm>>) target(%arg10 : memref<64x128xf32, #tpu.memory_space<vmem>>) offsets(%dma_start3A_211 : memref<64xi32, #tpu.memory_space<vmem>>) semaphore(%arg15 : memref<!tpu.dma_semaphore, #tpu.memory_space<semaphore_mem>>)
    %scan3A_215 = arith.constant 0 : i32
    %scan3A_216 = arith.constant 0 : i32
    %scan3A_217 = arith.constant 10 : i32
    %scan3A_218 = arith.addi %scan3A_216, %scan3A_217 : i32
    %scan3A_219 = arith.constant 1 : i32
    scf.for %scan3A_392 = %scan3A_216 to %scan3A_218 step %scan3A_219  : i32 {
      %mul3A_393 = arith.constant 4 : i32
      %mul3A_394 = arith.muli %mul3A_393, %scan3A_392 : i32
      %add3A_395 = arith.constant 0 : i32
      %add3A_396 = arith.addi %mul3A_394, %add3A_395 : i32
      %dma_wait3A_397 = arith.constant 0 : i32
      %dma_wait3A_398 = arith.constant 0 : i32
      %dma_wait3A_399 = tpu.memref_slice %arg6[%dma_wait3A_397, %dma_wait3A_398] : memref<40x64xi32, #tpu.memory_space<vmem>> -> memref<1x64xi32, #tpu.memory_space<vmem>>
      %dma_wait3A_400 = tpu.memref_squeeze %dma_wait3A_399 : memref<1x64xi32, #tpu.memory_space<vmem>> -> memref<64xi32, #tpu.memory_space<vmem>>
      %dma_wait3A_401 = arith.constant 0 : i32
      %dma_wait3A_402 = arith.constant 0 : i32
      %dma_wait3A_403 = tpu.memref_slice %arg3[%dma_wait3A_401, %dma_wait3A_402] : memref<100000x128xf32, #tpu.memory_space<hbm>> -> memref<100000x128xf32, #tpu.memory_space<hbm>>
      tpu.wait_indirect_dma semaphore(%arg13 : memref<!tpu.dma_semaphore, #tpu.memory_space<semaphore_mem>>) src(%dma_wait3A_403 : memref<100000x128xf32, #tpu.memory_space<hbm>>) dst(%arg8 : memref<64x128xf32, #tpu.memory_space<vmem>>)
      %dma_start3A_404 = arith.constant 0 : i32
      %dma_start3A_405 = tpu.memref_slice %arg7[%add3A_396, %dma_start3A_404] : memref<40x64xi32, #tpu.memory_space<vmem>> -> memref<1x64xi32, #tpu.memory_space<vmem>>
      %dma_start3A_406 = tpu.memref_squeeze %dma_start3A_405 : memref<1x64xi32, #tpu.memory_space<vmem>> -> memref<64xi32, #tpu.memory_space<vmem>>
      %dma_start3A_407 = arith.constant 0 : i32
      %dma_start3A_408 = arith.constant 0 : i32
      %dma_start3A_409 = tpu.memref_slice %arg12[%dma_start3A_407, %dma_start3A_408] : memref<10240x128xf32, #tpu.memory_space<vmem_shared>> -> memref<10240x128xf32, #tpu.memory_space<vmem_shared>>
      tpu.enqueue_indirect_dma source(%arg8 : memref<64x128xf32, #tpu.memory_space<vmem>>) target(%dma_start3A_409 : memref<10240x128xf32, #tpu.memory_space<vmem_shared>>) offsets(%dma_start3A_406 : memref<64xi32, #tpu.memory_space<vmem>>) semaphore(%arg17 : memref<!tpu.dma_semaphore, #tpu.memory_space<semaphore_mem>>) {add = true}
      %gt3A = arith.constant 0 : i32
      %gt3A_410 = arith.cmpi sgt, %scan3A_392, %gt3A : i32
      %convert_element_type3A = arith.extui %gt3A_410 : i1 to i32
      %cond3A = arith.constant 0 : i32
      %cond3A_411 = arith.cmpi ne, %convert_element_type3A, %cond3A : i32
      scf.if %cond3A_411 {
        %dma_wait3A_485 = arith.constant 0 : i32
        %dma_wait3A_486 = arith.constant 0 : i32
        %dma_wait3A_487 = tpu.memref_slice %arg7[%dma_wait3A_485, %dma_wait3A_486] : memref<40x64xi32, #tpu.memory_space<vmem>> -> memref<1x64xi32, #tpu.memory_space<vmem>>
        %dma_wait3A_488 = tpu.memref_squeeze %dma_wait3A_487 : memref<1x64xi32, #tpu.memory_space<vmem>> -> memref<64xi32, #tpu.memory_space<vmem>>
        %dma_wait3A_489 = arith.constant 0 : i32
        %dma_wait3A_490 = arith.constant 0 : i32
        %dma_wait3A_491 = tpu.memref_slice %arg12[%dma_wait3A_489, %dma_wait3A_490] : memref<10240x128xf32, #tpu.memory_space<vmem_shared>> -> memref<10240x128xf32, #tpu.memory_space<vmem_shared>>
        tpu.wait_indirect_dma semaphore(%arg20 : memref<!tpu.dma_semaphore, #tpu.memory_space<semaphore_mem>>) src(%arg11 : memref<64x128xf32, #tpu.memory_space<vmem>>) dst(%dma_wait3A_491 : memref<10240x128xf32, #tpu.memory_space<vmem_shared>>)
      } else {
      }
      %add3A_412 = arith.constant 3 : i32
      %add3A_413 = arith.addi %add3A_396, %add3A_412 : i32
      %dma_start3A_414 = arith.constant 0 : i32
      %dma_start3A_415 = tpu.memref_slice %arg6[%add3A_413, %dma_start3A_414] : memref<40x64xi32, #tpu.memory_space<vmem>> -> memref<1x64xi32, #tpu.memory_space<vmem>>
      %dma_start3A_416 = tpu.memref_squeeze %dma_start3A_415 : memref<1x64xi32, #tpu.memory_space<vmem>> -> memref<64xi32, #tpu.memory_space<vmem>>
      %dma_start3A_417 = arith.constant 0 : i32
      %dma_start3A_418 = arith.constant 0 : i32
      %dma_start3A_419 = tpu.memref_slice %arg3[%dma_start3A_417, %dma_start3A_418] : memref<100000x128xf32, #tpu.memory_space<hbm>> -> memref<100000x128xf32, #tpu.memory_space<hbm>>
      tpu.enqueue_indirect_dma source(%dma_start3A_419 : memref<100000x128xf32, #tpu.memory_space<hbm>>) target(%arg11 : memref<64x128xf32, #tpu.memory_space<vmem>>) offsets(%dma_start3A_416 : memref<64xi32, #tpu.memory_space<vmem>>) semaphore(%arg16 : memref<!tpu.dma_semaphore, #tpu.memory_space<semaphore_mem>>)
      %mul3A_420 = arith.constant 4 : i32
      %mul3A_421 = arith.muli %mul3A_420, %scan3A_392 : i32
      %add3A_422 = arith.constant 1 : i32
      %add3A_423 = arith.addi %mul3A_421, %add3A_422 : i32
      %dma_wait3A_424 = arith.constant 0 : i32
      %dma_wait3A_425 = arith.constant 0 : i32
      %dma_wait3A_426 = tpu.memref_slice %arg6[%dma_wait3A_424, %dma_wait3A_425] : memref<40x64xi32, #tpu.memory_space<vmem>> -> memref<1x64xi32, #tpu.memory_space<vmem>>
      %dma_wait3A_427 = tpu.memref_squeeze %dma_wait3A_426 : memref<1x64xi32, #tpu.memory_space<vmem>> -> memref<64xi32, #tpu.memory_space<vmem>>
      %dma_wait3A_428 = arith.constant 0 : i32
      %dma_wait3A_429 = arith.constant 0 : i32
      %dma_wait3A_430 = tpu.memref_slice %arg3[%dma_wait3A_428, %dma_wait3A_429] : memref<100000x128xf32, #tpu.memory_space<hbm>> -> memref<100000x128xf32, #tpu.memory_space<hbm>>
      tpu.wait_indirect_dma semaphore(%arg14 : memref<!tpu.dma_semaphore, #tpu.memory_space<semaphore_mem>>) src(%dma_wait3A_430 : memref<100000x128xf32, #tpu.memory_space<hbm>>) dst(%arg9 : memref<64x128xf32, #tpu.memory_space<vmem>>)
      %dma_start3A_431 = arith.constant 0 : i32
      %dma_start3A_432 = tpu.memref_slice %arg7[%add3A_423, %dma_start3A_431] : memref<40x64xi32, #tpu.memory_space<vmem>> -> memref<1x64xi32, #tpu.memory_space<vmem>>
      %dma_start3A_433 = tpu.memref_squeeze %dma_start3A_432 : memref<1x64xi32, #tpu.memory_space<vmem>> -> memref<64xi32, #tpu.memory_space<vmem>>
      %dma_start3A_434 = arith.constant 0 : i32
      %dma_start3A_435 = arith.constant 0 : i32
      %dma_start3A_436 = tpu.memref_slice %arg12[%dma_start3A_434, %dma_start3A_435] : memref<10240x128xf32, #tpu.memory_space<vmem_shared>> -> memref<10240x128xf32, #tpu.memory_space<vmem_shared>>
      tpu.enqueue_indirect_dma source(%arg9 : memref<64x128xf32, #tpu.memory_space<vmem>>) target(%dma_start3A_436 : memref<10240x128xf32, #tpu.memory_space<vmem_shared>>) offsets(%dma_start3A_433 : memref<64xi32, #tpu.memory_space<vmem>>) semaphore(%arg18 : memref<!tpu.dma_semaphore, #tpu.memory_space<semaphore_mem>>) {add = true}
      %lt3A = arith.constant 9 : i32
      %lt3A_437 = arith.cmpi slt, %scan3A_392, %lt3A : i32
      %convert_element_type3A_438 = arith.extui %lt3A_437 : i1 to i32
      %cond3A_439 = arith.constant 0 : i32
      %cond3A_440 = arith.cmpi ne, %convert_element_type3A_438, %cond3A_439 : i32
      scf.if %cond3A_440 {
        %dma_wait3A_485 = arith.constant 0 : i32
        %dma_wait3A_486 = arith.constant 0 : i32
        %dma_wait3A_487 = tpu.memref_slice %arg7[%dma_wait3A_485, %dma_wait3A_486] : memref<40x64xi32, #tpu.memory_space<vmem>> -> memref<1x64xi32, #tpu.memory_space<vmem>>
        %dma_wait3A_488 = tpu.memref_squeeze %dma_wait3A_487 : memref<1x64xi32, #tpu.memory_space<vmem>> -> memref<64xi32, #tpu.memory_space<vmem>>
        %dma_wait3A_489 = arith.constant 0 : i32
        %dma_wait3A_490 = arith.constant 0 : i32
        %dma_wait3A_491 = tpu.memref_slice %arg12[%dma_wait3A_489, %dma_wait3A_490] : memref<10240x128xf32, #tpu.memory_space<vmem_shared>> -> memref<10240x128xf32, #tpu.memory_space<vmem_shared>>
        tpu.wait_indirect_dma semaphore(%arg17 : memref<!tpu.dma_semaphore, #tpu.memory_space<semaphore_mem>>) src(%arg8 : memref<64x128xf32, #tpu.memory_space<vmem>>) dst(%dma_wait3A_491 : memref<10240x128xf32, #tpu.memory_space<vmem_shared>>)
        %add3A_492 = arith.constant 3 : i32
        %add3A_493 = arith.addi %add3A_423, %add3A_492 : i32
        %dma_start3A_494 = arith.constant 0 : i32
        %dma_start3A_495 = tpu.memref_slice %arg6[%add3A_493, %dma_start3A_494] : memref<40x64xi32, #tpu.memory_space<vmem>> -> memref<1x64xi32, #tpu.memory_space<vmem>>
        %dma_start3A_496 = tpu.memref_squeeze %dma_start3A_495 : memref<1x64xi32, #tpu.memory_space<vmem>> -> memref<64xi32, #tpu.memory_space<vmem>>
        %dma_start3A_497 = arith.constant 0 : i32
        %dma_start3A_498 = arith.constant 0 : i32
        %dma_start3A_499 = tpu.memref_slice %arg3[%dma_start3A_497, %dma_start3A_498] : memref<100000x128xf32, #tpu.memory_space<hbm>> -> memref<100000x128xf32, #tpu.memory_space<hbm>>
        tpu.enqueue_indirect_dma source(%dma_start3A_499 : memref<100000x128xf32, #tpu.memory_space<hbm>>) target(%arg8 : memref<64x128xf32, #tpu.memory_space<vmem>>) offsets(%dma_start3A_496 : memref<64xi32, #tpu.memory_space<vmem>>) semaphore(%arg13 : memref<!tpu.dma_semaphore, #tpu.memory_space<semaphore_mem>>)
      } else {
      }
      %mul3A_441 = arith.constant 4 : i32
      %mul3A_442 = arith.muli %mul3A_441, %scan3A_392 : i32
      %add3A_443 = arith.constant 2 : i32
      %add3A_444 = arith.addi %mul3A_442, %add3A_443 : i32
      %dma_wait3A_445 = arith.constant 0 : i32
      %dma_wait3A_446 = arith.constant 0 : i32
      %dma_wait3A_447 = tpu.memref_slice %arg6[%dma_wait3A_445, %dma_wait3A_446] : memref<40x64xi32, #tpu.memory_space<vmem>> -> memref<1x64xi32, #tpu.memory_space<vmem>>
      %dma_wait3A_448 = tpu.memref_squeeze %dma_wait3A_447 : memref<1x64xi32, #tpu.memory_space<vmem>> -> memref<64xi32, #tpu.memory_space<vmem>>
      %dma_wait3A_449 = arith.constant 0 : i32
      %dma_wait3A_450 = arith.constant 0 : i32
      %dma_wait3A_451 = tpu.memref_slice %arg3[%dma_wait3A_449, %dma_wait3A_450] : memref<100000x128xf32, #tpu.memory_space<hbm>> -> memref<100000x128xf32, #tpu.memory_space<hbm>>
      tpu.wait_indirect_dma semaphore(%arg15 : memref<!tpu.dma_semaphore, #tpu.memory_space<semaphore_mem>>) src(%dma_wait3A_451 : memref<100000x128xf32, #tpu.memory_space<hbm>>) dst(%arg10 : memref<64x128xf32, #tpu.memory_space<vmem>>)
      %dma_start3A_452 = arith.constant 0 : i32
      %dma_start3A_453 = tpu.memref_slice %arg7[%add3A_444, %dma_start3A_452] : memref<40x64xi32, #tpu.memory_space<vmem>> -> memref<1x64xi32, #tpu.memory_space<vmem>>
      %dma_start3A_454 = tpu.memref_squeeze %dma_start3A_453 : memref<1x64xi32, #tpu.memory_space<vmem>> -> memref<64xi32, #tpu.memory_space<vmem>>
      %dma_start3A_455 = arith.constant 0 : i32
      %dma_start3A_456 = arith.constant 0 : i32
      %dma_start3A_457 = tpu.memref_slice %arg12[%dma_start3A_455, %dma_start3A_456] : memref<10240x128xf32, #tpu.memory_space<vmem_shared>> -> memref<10240x128xf32, #tpu.memory_space<vmem_shared>>
      tpu.enqueue_indirect_dma source(%arg10 : memref<64x128xf32, #tpu.memory_space<vmem>>) target(%dma_start3A_457 : memref<10240x128xf32, #tpu.memory_space<vmem_shared>>) offsets(%dma_start3A_454 : memref<64xi32, #tpu.memory_space<vmem>>) semaphore(%arg19 : memref<!tpu.dma_semaphore, #tpu.memory_space<semaphore_mem>>) {add = true}
      %lt3A_458 = arith.constant 9 : i32
      %lt3A_459 = arith.cmpi slt, %scan3A_392, %lt3A_458 : i32
      %convert_element_type3A_460 = arith.extui %lt3A_459 : i1 to i32
      %cond3A_461 = arith.constant 0 : i32
      %cond3A_462 = arith.cmpi ne, %convert_element_type3A_460, %cond3A_461 : i32
      scf.if %cond3A_462 {
        %dma_wait3A_485 = arith.constant 0 : i32
        %dma_wait3A_486 = arith.constant 0 : i32
        %dma_wait3A_487 = tpu.memref_slice %arg7[%dma_wait3A_485, %dma_wait3A_486] : memref<40x64xi32, #tpu.memory_space<vmem>> -> memref<1x64xi32, #tpu.memory_space<vmem>>
        %dma_wait3A_488 = tpu.memref_squeeze %dma_wait3A_487 : memref<1x64xi32, #tpu.memory_space<vmem>> -> memref<64xi32, #tpu.memory_space<vmem>>
        %dma_wait3A_489 = arith.constant 0 : i32
        %dma_wait3A_490 = arith.constant 0 : i32
        %dma_wait3A_491 = tpu.memref_slice %arg12[%dma_wait3A_489, %dma_wait3A_490] : memref<10240x128xf32, #tpu.memory_space<vmem_shared>> -> memref<10240x128xf32, #tpu.memory_space<vmem_shared>>
        tpu.wait_indirect_dma semaphore(%arg18 : memref<!tpu.dma_semaphore, #tpu.memory_space<semaphore_mem>>) src(%arg9 : memref<64x128xf32, #tpu.memory_space<vmem>>) dst(%dma_wait3A_491 : memref<10240x128xf32, #tpu.memory_space<vmem_shared>>)
        %add3A_492 = arith.constant 3 : i32
        %add3A_493 = arith.addi %add3A_444, %add3A_492 : i32
        %dma_start3A_494 = arith.constant 0 : i32
        %dma_start3A_495 = tpu.memref_slice %arg6[%add3A_493, %dma_start3A_494] : memref<40x64xi32, #tpu.memory_space<vmem>> -> memref<1x64xi32, #tpu.memory_space<vmem>>
        %dma_start3A_496 = tpu.memref_squeeze %dma_start3A_495 : memref<1x64xi32, #tpu.memory_space<vmem>> -> memref<64xi32, #tpu.memory_space<vmem>>
        %dma_start3A_497 = arith.constant 0 : i32
        %dma_start3A_498 = arith.constant 0 : i32
        %dma_start3A_499 = tpu.memref_slice %arg3[%dma_start3A_497, %dma_start3A_498] : memref<100000x128xf32, #tpu.memory_space<hbm>> -> memref<100000x128xf32, #tpu.memory_space<hbm>>
        tpu.enqueue_indirect_dma source(%dma_start3A_499 : memref<100000x128xf32, #tpu.memory_space<hbm>>) target(%arg9 : memref<64x128xf32, #tpu.memory_space<vmem>>) offsets(%dma_start3A_496 : memref<64xi32, #tpu.memory_space<vmem>>) semaphore(%arg14 : memref<!tpu.dma_semaphore, #tpu.memory_space<semaphore_mem>>)
      } else {
      }
      %mul3A_463 = arith.constant 4 : i32
      %mul3A_464 = arith.muli %mul3A_463, %scan3A_392 : i32
      %add3A_465 = arith.constant 3 : i32
      %add3A_466 = arith.addi %mul3A_464, %add3A_465 : i32
      %dma_wait3A_467 = arith.constant 0 : i32
      %dma_wait3A_468 = arith.constant 0 : i32
      %dma_wait3A_469 = tpu.memref_slice %arg6[%dma_wait3A_467, %dma_wait3A_468] : memref<40x64xi32, #tpu.memory_space<vmem>> -> memref<1x64xi32, #tpu.memory_space<vmem>>
      %dma_wait3A_470 = tpu.memref_squeeze %dma_wait3A_469 : memref<1x64xi32, #tpu.memory_space<vmem>> -> memref<64xi32, #tpu.memory_space<vmem>>
      %dma_wait3A_471 = arith.constant 0 : i32
      %dma_wait3A_472 = arith.constant 0 : i32
      %dma_wait3A_473 = tpu.memref_slice %arg3[%dma_wait3A_471, %dma_wait3A_472] : memref<100000x128xf32, #tpu.memory_space<hbm>> -> memref<100000x128xf32, #tpu.memory_space<hbm>>
      tpu.wait_indirect_dma semaphore(%arg16 : memref<!tpu.dma_semaphore, #tpu.memory_space<semaphore_mem>>) src(%dma_wait3A_473 : memref<100000x128xf32, #tpu.memory_space<hbm>>) dst(%arg11 : memref<64x128xf32, #tpu.memory_space<vmem>>)
      %dma_start3A_474 = arith.constant 0 : i32
      %dma_start3A_475 = tpu.memref_slice %arg7[%add3A_466, %dma_start3A_474] : memref<40x64xi32, #tpu.memory_space<vmem>> -> memref<1x64xi32, #tpu.memory_space<vmem>>
      %dma_start3A_476 = tpu.memref_squeeze %dma_start3A_475 : memref<1x64xi32, #tpu.memory_space<vmem>> -> memref<64xi32, #tpu.memory_space<vmem>>
      %dma_start3A_477 = arith.constant 0 : i32
      %dma_start3A_478 = arith.constant 0 : i32
      %dma_start3A_479 = tpu.memref_slice %arg12[%dma_start3A_477, %dma_start3A_478] : memref<10240x128xf32, #tpu.memory_space<vmem_shared>> -> memref<10240x128xf32, #tpu.memory_space<vmem_shared>>
      tpu.enqueue_indirect_dma source(%arg11 : memref<64x128xf32, #tpu.memory_space<vmem>>) target(%dma_start3A_479 : memref<10240x128xf32, #tpu.memory_space<vmem_shared>>) offsets(%dma_start3A_476 : memref<64xi32, #tpu.memory_space<vmem>>) semaphore(%arg20 : memref<!tpu.dma_semaphore, #tpu.memory_space<semaphore_mem>>) {add = true}
      %lt3A_480 = arith.constant 9 : i32
      %lt3A_481 = arith.cmpi slt, %scan3A_392, %lt3A_480 : i32
      %convert_element_type3A_482 = arith.extui %lt3A_481 : i1 to i32
      %cond3A_483 = arith.constant 0 : i32
      %cond3A_484 = arith.cmpi ne, %convert_element_type3A_482, %cond3A_483 : i32
      scf.if %cond3A_484 {
        %dma_wait3A_485 = arith.constant 0 : i32
        %dma_wait3A_486 = arith.constant 0 : i32
        %dma_wait3A_487 = tpu.memref_slice %arg7[%dma_wait3A_485, %dma_wait3A_486] : memref<40x64xi32, #tpu.memory_space<vmem>> -> memref<1x64xi32, #tpu.memory_space<vmem>>
        %dma_wait3A_488 = tpu.memref_squeeze %dma_wait3A_487 : memref<1x64xi32, #tpu.memory_space<vmem>> -> memref<64xi32, #tpu.memory_space<vmem>>
        %dma_wait3A_489 = arith.constant 0 : i32
        %dma_wait3A_490 = arith.constant 0 : i32
        %dma_wait3A_491 = tpu.memref_slice %arg12[%dma_wait3A_489, %dma_wait3A_490] : memref<10240x128xf32, #tpu.memory_space<vmem_shared>> -> memref<10240x128xf32, #tpu.memory_space<vmem_shared>>
        tpu.wait_indirect_dma semaphore(%arg19 : memref<!tpu.dma_semaphore, #tpu.memory_space<semaphore_mem>>) src(%arg10 : memref<64x128xf32, #tpu.memory_space<vmem>>) dst(%dma_wait3A_491 : memref<10240x128xf32, #tpu.memory_space<vmem_shared>>)
        %add3A_492 = arith.constant 3 : i32
        %add3A_493 = arith.addi %add3A_466, %add3A_492 : i32
        %dma_start3A_494 = arith.constant 0 : i32
        %dma_start3A_495 = tpu.memref_slice %arg6[%add3A_493, %dma_start3A_494] : memref<40x64xi32, #tpu.memory_space<vmem>> -> memref<1x64xi32, #tpu.memory_space<vmem>>
        %dma_start3A_496 = tpu.memref_squeeze %dma_start3A_495 : memref<1x64xi32, #tpu.memory_space<vmem>> -> memref<64xi32, #tpu.memory_space<vmem>>
        %dma_start3A_497 = arith.constant 0 : i32
        %dma_start3A_498 = arith.constant 0 : i32
        %dma_start3A_499 = tpu.memref_slice %arg3[%dma_start3A_497, %dma_start3A_498] : memref<100000x128xf32, #tpu.memory_space<hbm>> -> memref<100000x128xf32, #tpu.memory_space<hbm>>
        tpu.enqueue_indirect_dma source(%dma_start3A_499 : memref<100000x128xf32, #tpu.memory_space<hbm>>) target(%arg10 : memref<64x128xf32, #tpu.memory_space<vmem>>) offsets(%dma_start3A_496 : memref<64xi32, #tpu.memory_space<vmem>>) semaphore(%arg15 : memref<!tpu.dma_semaphore, #tpu.memory_space<semaphore_mem>>)
      } else {
      }
    }
    %scan3A_220 = arith.constant 10 : i32
    %add3A_221 = arith.constant 80 : i32
    %add3A_222 = arith.addi %mul3A_69, %add3A_221 : i32
    %dma_start3A_223 = arith.constant 0 : i32
    %dma_start3A_224 = tpu.memref_slice %arg2[%add3A_222, %dma_start3A_223] : memref<5120x64xi32, #tpu.memory_space<hbm>> -> memref<40x64xi32, #tpu.memory_space<hbm>>
    %dma_start3A_225 = arith.constant 0 : i32
    %dma_start3A_226 = tpu.memref_slice %arg2[%add3A_222, %dma_start3A_225] : memref<5120x64xi32, #tpu.memory_space<hbm>> -> memref<40x64xi32, #tpu.memory_space<hbm>>
    tpu.enqueue_dma source(%dma_start3A_226 : memref<40x64xi32, #tpu.memory_space<hbm>>) target(%arg5 : memref<40x64xi32, #tpu.memory_space<vmem>>) target_semaphore(%arg21 : memref<!tpu.dma_semaphore, #tpu.memory_space<semaphore_mem>>)
    %dma_wait3A_227 = arith.constant 0 : i32
    %dma_wait3A_228 = arith.constant 0 : i32
    %dma_wait3A_229 = tpu.memref_slice %arg7[%dma_wait3A_227, %dma_wait3A_228] : memref<40x64xi32, #tpu.memory_space<vmem>> -> memref<1x64xi32, #tpu.memory_space<vmem>>
    %dma_wait3A_230 = tpu.memref_squeeze %dma_wait3A_229 : memref<1x64xi32, #tpu.memory_space<vmem>> -> memref<64xi32, #tpu.memory_space<vmem>>
    %dma_wait3A_231 = arith.constant 0 : i32
    %dma_wait3A_232 = arith.constant 0 : i32
    %dma_wait3A_233 = tpu.memref_slice %arg12[%dma_wait3A_231, %dma_wait3A_232] : memref<10240x128xf32, #tpu.memory_space<vmem_shared>> -> memref<10240x128xf32, #tpu.memory_space<vmem_shared>>
    tpu.wait_indirect_dma semaphore(%arg17 : memref<!tpu.dma_semaphore, #tpu.memory_space<semaphore_mem>>) src(%arg8 : memref<64x128xf32, #tpu.memory_space<vmem>>) dst(%dma_wait3A_233 : memref<10240x128xf32, #tpu.memory_space<vmem_shared>>)
    %dma_wait3A_234 = arith.constant 0 : i32
    %dma_wait3A_235 = arith.constant 0 : i32
    %dma_wait3A_236 = tpu.memref_slice %arg7[%dma_wait3A_234, %dma_wait3A_235] : memref<40x64xi32, #tpu.memory_space<vmem>> -> memref<1x64xi32, #tpu.memory_space<vmem>>
    %dma_wait3A_237 = tpu.memref_squeeze %dma_wait3A_236 : memref<1x64xi32, #tpu.memory_space<vmem>> -> memref<64xi32, #tpu.memory_space<vmem>>
    %dma_wait3A_238 = arith.constant 0 : i32
    %dma_wait3A_239 = arith.constant 0 : i32
    %dma_wait3A_240 = tpu.memref_slice %arg12[%dma_wait3A_238, %dma_wait3A_239] : memref<10240x128xf32, #tpu.memory_space<vmem_shared>> -> memref<10240x128xf32, #tpu.memory_space<vmem_shared>>
    tpu.wait_indirect_dma semaphore(%arg18 : memref<!tpu.dma_semaphore, #tpu.memory_space<semaphore_mem>>) src(%arg9 : memref<64x128xf32, #tpu.memory_space<vmem>>) dst(%dma_wait3A_240 : memref<10240x128xf32, #tpu.memory_space<vmem_shared>>)
    %dma_wait3A_241 = arith.constant 0 : i32
    %dma_wait3A_242 = arith.constant 0 : i32
    %dma_wait3A_243 = tpu.memref_slice %arg7[%dma_wait3A_241, %dma_wait3A_242] : memref<40x64xi32, #tpu.memory_space<vmem>> -> memref<1x64xi32, #tpu.memory_space<vmem>>
    %dma_wait3A_244 = tpu.memref_squeeze %dma_wait3A_243 : memref<1x64xi32, #tpu.memory_space<vmem>> -> memref<64xi32, #tpu.memory_space<vmem>>
    %dma_wait3A_245 = arith.constant 0 : i32
    %dma_wait3A_246 = arith.constant 0 : i32
    %dma_wait3A_247 = tpu.memref_slice %arg12[%dma_wait3A_245, %dma_wait3A_246] : memref<10240x128xf32, #tpu.memory_space<vmem_shared>> -> memref<10240x128xf32, #tpu.memory_space<vmem_shared>>
    tpu.wait_indirect_dma semaphore(%arg19 : memref<!tpu.dma_semaphore, #tpu.memory_space<semaphore_mem>>) src(%arg10 : memref<64x128xf32, #tpu.memory_space<vmem>>) dst(%dma_wait3A_247 : memref<10240x128xf32, #tpu.memory_space<vmem_shared>>)
    %dma_wait3A_248 = arith.constant 0 : i32
    %dma_wait3A_249 = arith.constant 0 : i32
    %dma_wait3A_250 = tpu.memref_slice %arg7[%dma_wait3A_248, %dma_wait3A_249] : memref<40x64xi32, #tpu.memory_space<vmem>> -> memref<1x64xi32, #tpu.memory_space<vmem>>
    %dma_wait3A_251 = tpu.memref_squeeze %dma_wait3A_250 : memref<1x64xi32, #tpu.memory_space<vmem>> -> memref<64xi32, #tpu.memory_space<vmem>>
    %dma_wait3A_252 = arith.constant 0 : i32
    %dma_wait3A_253 = arith.constant 0 : i32
    %dma_wait3A_254 = tpu.memref_slice %arg12[%dma_wait3A_252, %dma_wait3A_253] : memref<10240x128xf32, #tpu.memory_space<vmem_shared>> -> memref<10240x128xf32, #tpu.memory_space<vmem_shared>>
    tpu.wait_indirect_dma semaphore(%arg20 : memref<!tpu.dma_semaphore, #tpu.memory_space<semaphore_mem>>) src(%arg11 : memref<64x128xf32, #tpu.memory_space<vmem>>) dst(%dma_wait3A_254 : memref<10240x128xf32, #tpu.memory_space<vmem_shared>>)
    %dma_wait3A_255 = arith.constant 0 : i32
    %dma_wait3A_256 = tpu.memref_slice %arg2[%mul3A_69, %dma_wait3A_255] : memref<5120x64xi32, #tpu.memory_space<hbm>> -> memref<40x64xi32, #tpu.memory_space<hbm>>
    %dma_wait3A_257 = arith.constant 0 : i32
    %dma_wait3A_258 = tpu.memref_slice %arg2[%mul3A_69, %dma_wait3A_257] : memref<5120x64xi32, #tpu.memory_space<hbm>> -> memref<40x64xi32, #tpu.memory_space<hbm>>
    tpu.wait_dma2 semaphore(%arg21 : memref<!tpu.dma_semaphore, #tpu.memory_space<semaphore_mem>>) src(%dma_wait3A_258 : memref<40x64xi32, #tpu.memory_space<hbm>>) dst(%arg5 : memref<40x64xi32, #tpu.memory_space<vmem>>)
    %scan3A_259 = arith.constant 0 : i32
    %scan3A_260 = arith.constant 0 : i32
    %scan3A_261 = arith.constant 40 : i32
    %scan3A_262 = arith.addi %scan3A_260, %scan3A_261 : i32
    %scan3A_263 = arith.constant 1 : i32
    scf.for %scan3A_392 = %scan3A_260 to %scan3A_262 step %scan3A_263  : i32 {
      %get3A = arith.index_cast %scan3A_392 : i32 to index
      %get3A_393 = arith.constant 0 : index
      %get3A_394 = tpu.vector_load %arg5[%get3A, %get3A_393] {strides = array<i32>} : memref<40x64xi32, #tpu.memory_space<vmem>>, vector<1x16xi32>,
      %get3A_395 = vector.shape_cast %get3A_394 : vector<1x16xi32> to vector<16xi32>
      %and3A = arith.constant 131071 : i32
      %and3A_396 = vector.broadcast %and3A : i32 to vector<16xi32>
      %and3A_397 = arith.andi %get3A_395, %and3A_396 : vector<16xi32>
      %swap3A = arith.index_cast %scan3A_392 : i32 to index
      %swap3A_398 = arith.constant 0 : index
      %swap3A_399 = tpu.vector_load %arg6[%swap3A, %swap3A_398] {strides = array<i32>} : memref<40x64xi32, #tpu.memory_space<vmem>>, vector<1x16xi32>,
      %swap3A_400 = vector.shape_cast %swap3A_399 : vector<1x16xi32> to vector<16xi32>
      %swap3A_401 = vector.shape_cast %and3A_397 : vector<16xi32> to vector<1x16xi32>
      tpu.vector_store %arg6[%swap3A, %swap3A_398], %swap3A_401 {strides = array<i32>} : memref<40x64xi32, #tpu.memory_space<vmem>>, vector<1x16xi32>,
      %get3A_402 = arith.index_cast %scan3A_392 : i32 to index
      %get3A_403 = arith.constant 16 : index
      %get3A_404 = tpu.vector_load %arg5[%get3A_402, %get3A_403] {strides = array<i32>} : memref<40x64xi32, #tpu.memory_space<vmem>>, vector<1x16xi32>,
      %get3A_405 = vector.shape_cast %get3A_404 : vector<1x16xi32> to vector<16xi32>
      %and3A_406 = arith.constant 131071 : i32
      %and3A_407 = vector.broadcast %and3A_406 : i32 to vector<16xi32>
      %and3A_408 = arith.andi %get3A_405, %and3A_407 : vector<16xi32>
      %swap3A_409 = arith.index_cast %scan3A_392 : i32 to index
      %swap3A_410 = arith.constant 16 : index
      %swap3A_411 = tpu.vector_load %arg6[%swap3A_409, %swap3A_410] {strides = array<i32>} : memref<40x64xi32, #tpu.memory_space<vmem>>, vector<1x16xi32>,
      %swap3A_412 = vector.shape_cast %swap3A_411 : vector<1x16xi32> to vector<16xi32>
      %swap3A_413 = vector.shape_cast %and3A_408 : vector<16xi32> to vector<1x16xi32>
      tpu.vector_store %arg6[%swap3A_409, %swap3A_410], %swap3A_413 {strides = array<i32>} : memref<40x64xi32, #tpu.memory_space<vmem>>, vector<1x16xi32>,
      %get3A_414 = arith.index_cast %scan3A_392 : i32 to index
      %get3A_415 = arith.constant 32 : index
      %get3A_416 = tpu.vector_load %arg5[%get3A_414, %get3A_415] {strides = array<i32>} : memref<40x64xi32, #tpu.memory_space<vmem>>, vector<1x16xi32>,
      %get3A_417 = vector.shape_cast %get3A_416 : vector<1x16xi32> to vector<16xi32>
      %and3A_418 = arith.constant 131071 : i32
      %and3A_419 = vector.broadcast %and3A_418 : i32 to vector<16xi32>
      %and3A_420 = arith.andi %get3A_417, %and3A_419 : vector<16xi32>
      %swap3A_421 = arith.index_cast %scan3A_392 : i32 to index
      %swap3A_422 = arith.constant 32 : index
      %swap3A_423 = tpu.vector_load %arg6[%swap3A_421, %swap3A_422] {strides = array<i32>} : memref<40x64xi32, #tpu.memory_space<vmem>>, vector<1x16xi32>,
      %swap3A_424 = vector.shape_cast %swap3A_423 : vector<1x16xi32> to vector<16xi32>
      %swap3A_425 = vector.shape_cast %and3A_420 : vector<16xi32> to vector<1x16xi32>
      tpu.vector_store %arg6[%swap3A_421, %swap3A_422], %swap3A_425 {strides = array<i32>} : memref<40x64xi32, #tpu.memory_space<vmem>>, vector<1x16xi32>,
      %get3A_426 = arith.index_cast %scan3A_392 : i32 to index
      %get3A_427 = arith.constant 48 : index
      %get3A_428 = tpu.vector_load %arg5[%get3A_426, %get3A_427] {strides = array<i32>} : memref<40x64xi32, #tpu.memory_space<vmem>>, vector<1x16xi32>,
      %get3A_429 = vector.shape_cast %get3A_428 : vector<1x16xi32> to vector<16xi32>
      %and3A_430 = arith.constant 131071 : i32
      %and3A_431 = vector.broadcast %and3A_430 : i32 to vector<16xi32>
      %and3A_432 = arith.andi %get3A_429, %and3A_431 : vector<16xi32>
      %swap3A_433 = arith.index_cast %scan3A_392 : i32 to index
      %swap3A_434 = arith.constant 48 : index
      %swap3A_435 = tpu.vector_load %arg6[%swap3A_433, %swap3A_434] {strides = array<i32>} : memref<40x64xi32, #tpu.memory_space<vmem>>, vector<1x16xi32>,
      %swap3A_436 = vector.shape_cast %swap3A_435 : vector<1x16xi32> to vector<16xi32>
      %swap3A_437 = vector.shape_cast %and3A_432 : vector<16xi32> to vector<1x16xi32>
      tpu.vector_store %arg6[%swap3A_433, %swap3A_434], %swap3A_437 {strides = array<i32>} : memref<40x64xi32, #tpu.memory_space<vmem>>, vector<1x16xi32>,
      %get3A_438 = arith.index_cast %scan3A_392 : i32 to index
      %get3A_439 = arith.constant 0 : index
      %get3A_440 = tpu.vector_load %arg5[%get3A_438, %get3A_439] {strides = array<i32>} : memref<40x64xi32, #tpu.memory_space<vmem>>, vector<1x16xi32>,
      %get3A_441 = vector.shape_cast %get3A_440 : vector<1x16xi32> to vector<16xi32>
      %shift_right_logical3A = arith.constant 17 : i32
      %shift_right_logical3A_442 = vector.broadcast %shift_right_logical3A : i32 to vector<16xi32>
      %shift_right_logical3A_443 = arith.shrui %get3A_441, %shift_right_logical3A_442 : vector<16xi32>
      %swap3A_444 = arith.index_cast %scan3A_392 : i32 to index
      %swap3A_445 = arith.constant 0 : index
      %swap3A_446 = tpu.vector_load %arg7[%swap3A_444, %swap3A_445] {strides = array<i32>} : memref<40x64xi32, #tpu.memory_space<vmem>>, vector<1x16xi32>,
      %swap3A_447 = vector.shape_cast %swap3A_446 : vector<1x16xi32> to vector<16xi32>
      %swap3A_448 = vector.shape_cast %shift_right_logical3A_443 : vector<16xi32> to vector<1x16xi32>
      tpu.vector_store %arg7[%swap3A_444, %swap3A_445], %swap3A_448 {strides = array<i32>} : memref<40x64xi32, #tpu.memory_space<vmem>>, vector<1x16xi32>,
      %get3A_449 = arith.index_cast %scan3A_392 : i32 to index
      %get3A_450 = arith.constant 16 : index
      %get3A_451 = tpu.vector_load %arg5[%get3A_449, %get3A_450] {strides = array<i32>} : memref<40x64xi32, #tpu.memory_space<vmem>>, vector<1x16xi32>,
      %get3A_452 = vector.shape_cast %get3A_451 : vector<1x16xi32> to vector<16xi32>
      %shift_right_logical3A_453 = arith.constant 17 : i32
      %shift_right_logical3A_454 = vector.broadcast %shift_right_logical3A_453 : i32 to vector<16xi32>
      %shift_right_logical3A_455 = arith.shrui %get3A_452, %shift_right_logical3A_454 : vector<16xi32>
      %swap3A_456 = arith.index_cast %scan3A_392 : i32 to index
      %swap3A_457 = arith.constant 16 : index
      %swap3A_458 = tpu.vector_load %arg7[%swap3A_456, %swap3A_457] {strides = array<i32>} : memref<40x64xi32, #tpu.memory_space<vmem>>, vector<1x16xi32>,
      %swap3A_459 = vector.shape_cast %swap3A_458 : vector<1x16xi32> to vector<16xi32>
      %swap3A_460 = vector.shape_cast %shift_right_logical3A_455 : vector<16xi32> to vector<1x16xi32>
      tpu.vector_store %arg7[%swap3A_456, %swap3A_457], %swap3A_460 {strides = array<i32>} : memref<40x64xi32, #tpu.memory_space<vmem>>, vector<1x16xi32>,
      %get3A_461 = arith.index_cast %scan3A_392 : i32 to index
      %get3A_462 = arith.constant 32 : index
      %get3A_463 = tpu.vector_load %arg5[%get3A_461, %get3A_462] {strides = array<i32>} : memref<40x64xi32, #tpu.memory_space<vmem>>, vector<1x16xi32>,
      %get3A_464 = vector.shape_cast %get3A_463 : vector<1x16xi32> to vector<16xi32>
      %shift_right_logical3A_465 = arith.constant 17 : i32
      %shift_right_logical3A_466 = vector.broadcast %shift_right_logical3A_465 : i32 to vector<16xi32>
      %shift_right_logical3A_467 = arith.shrui %get3A_464, %shift_right_logical3A_466 : vector<16xi32>
      %swap3A_468 = arith.index_cast %scan3A_392 : i32 to index
      %swap3A_469 = arith.constant 32 : index
      %swap3A_470 = tpu.vector_load %arg7[%swap3A_468, %swap3A_469] {strides = array<i32>} : memref<40x64xi32, #tpu.memory_space<vmem>>, vector<1x16xi32>,
      %swap3A_471 = vector.shape_cast %swap3A_470 : vector<1x16xi32> to vector<16xi32>
      %swap3A_472 = vector.shape_cast %shift_right_logical3A_467 : vector<16xi32> to vector<1x16xi32>
      tpu.vector_store %arg7[%swap3A_468, %swap3A_469], %swap3A_472 {strides = array<i32>} : memref<40x64xi32, #tpu.memory_space<vmem>>, vector<1x16xi32>,
      %get3A_473 = arith.index_cast %scan3A_392 : i32 to index
      %get3A_474 = arith.constant 48 : index
      %get3A_475 = tpu.vector_load %arg5[%get3A_473, %get3A_474] {strides = array<i32>} : memref<40x64xi32, #tpu.memory_space<vmem>>, vector<1x16xi32>,
      %get3A_476 = vector.shape_cast %get3A_475 : vector<1x16xi32> to vector<16xi32>
      %shift_right_logical3A_477 = arith.constant 17 : i32
      %shift_right_logical3A_478 = vector.broadcast %shift_right_logical3A_477 : i32 to vector<16xi32>
      %shift_right_logical3A_479 = arith.shrui %get3A_476, %shift_right_logical3A_478 : vector<16xi32>
      %swap3A_480 = arith.index_cast %scan3A_392 : i32 to index
      %swap3A_481 = arith.constant 48 : index
      %swap3A_482 = tpu.vector_load %arg7[%swap3A_480, %swap3A_481] {strides = array<i32>} : memref<40x64xi32, #tpu.memory_space<vmem>>, vector<1x16xi32>,
      %swap3A_483 = vector.shape_cast %swap3A_482 : vector<1x16xi32> to vector<16xi32>
      %swap3A_484 = vector.shape_cast %shift_right_logical3A_479 : vector<16xi32> to vector<1x16xi32>
      tpu.vector_store %arg7[%swap3A_480, %swap3A_481], %swap3A_484 {strides = array<i32>} : memref<40x64xi32, #tpu.memory_space<vmem>>, vector<1x16xi32>,
    }
    %scan3A_264 = arith.constant 40 : i32
    %dma_start3A_265 = arith.constant 0 : i32
    %dma_start3A_266 = arith.constant 0 : i32
    %dma_start3A_267 = tpu.memref_slice %arg6[%dma_start3A_265, %dma_start3A_266] : memref<40x64xi32, #tpu.memory_space<vmem>> -> memref<1x64xi32, #tpu.memory_space<vmem>>
    %dma_start3A_268 = tpu.memref_squeeze %dma_start3A_267 : memref<1x64xi32, #tpu.memory_space<vmem>> -> memref<64xi32, #tpu.memory_space<vmem>>
    %dma_start3A_269 = arith.constant 0 : i32
    %dma_start3A_270 = arith.constant 0 : i32
    %dma_start3A_271 = tpu.memref_slice %arg3[%dma_start3A_269, %dma_start3A_270] : memref<100000x128xf32, #tpu.memory_space<hbm>> -> memref<100000x128xf32, #tpu.memory_space<hbm>>
    tpu.enqueue_indirect_dma source(%dma_start3A_271 : memref<100000x128xf32, #tpu.memory_space<hbm>>) target(%arg8 : memref<64x128xf32, #tpu.memory_space<vmem>>) offsets(%dma_start3A_268 : memref<64xi32, #tpu.memory_space<vmem>>) semaphore(%arg13 : memref<!tpu.dma_semaphore, #tpu.memory_space<semaphore_mem>>)
    %dma_start3A_272 = arith.constant 1 : i32
    %dma_start3A_273 = arith.constant 0 : i32
    %dma_start3A_274 = tpu.memref_slice %arg6[%dma_start3A_272, %dma_start3A_273] : memref<40x64xi32, #tpu.memory_space<vmem>> -> memref<1x64xi32, #tpu.memory_space<vmem>>
    %dma_start3A_275 = tpu.memref_squeeze %dma_start3A_274 : memref<1x64xi32, #tpu.memory_space<vmem>> -> memref<64xi32, #tpu.memory_space<vmem>>
    %dma_start3A_276 = arith.constant 0 : i32
    %dma_start3A_277 = arith.constant 0 : i32
    %dma_start3A_278 = tpu.memref_slice %arg3[%dma_start3A_276, %dma_start3A_277] : memref<100000x128xf32, #tpu.memory_space<hbm>> -> memref<100000x128xf32, #tpu.memory_space<hbm>>
    tpu.enqueue_indirect_dma source(%dma_start3A_278 : memref<100000x128xf32, #tpu.memory_space<hbm>>) target(%arg9 : memref<64x128xf32, #tpu.memory_space<vmem>>) offsets(%dma_start3A_275 : memref<64xi32, #tpu.memory_space<vmem>>) semaphore(%arg14 : memref<!tpu.dma_semaphore, #tpu.memory_space<semaphore_mem>>)
    %dma_start3A_279 = arith.constant 2 : i32
    %dma_start3A_280 = arith.constant 0 : i32
    %dma_start3A_281 = tpu.memref_slice %arg6[%dma_start3A_279, %dma_start3A_280] : memref<40x64xi32, #tpu.memory_space<vmem>> -> memref<1x64xi32, #tpu.memory_space<vmem>>
    %dma_start3A_282 = tpu.memref_squeeze %dma_start3A_281 : memref<1x64xi32, #tpu.memory_space<vmem>> -> memref<64xi32, #tpu.memory_space<vmem>>
    %dma_start3A_283 = arith.constant 0 : i32
    %dma_start3A_284 = arith.constant 0 : i32
    %dma_start3A_285 = tpu.memref_slice %arg3[%dma_start3A_283, %dma_start3A_284] : memref<100000x128xf32, #tpu.memory_space<hbm>> -> memref<100000x128xf32, #tpu.memory_space<hbm>>
    tpu.enqueue_indirect_dma source(%dma_start3A_285 : memref<100000x128xf32, #tpu.memory_space<hbm>>) target(%arg10 : memref<64x128xf32, #tpu.memory_space<vmem>>) offsets(%dma_start3A_282 : memref<64xi32, #tpu.memory_space<vmem>>) semaphore(%arg15 : memref<!tpu.dma_semaphore, #tpu.memory_space<semaphore_mem>>)
    %scan3A_286 = arith.constant 0 : i32
    %scan3A_287 = arith.constant 0 : i32
    %scan3A_288 = arith.constant 10 : i32
    %scan3A_289 = arith.addi %scan3A_287, %scan3A_288 : i32
    %scan3A_290 = arith.constant 1 : i32
    scf.for %scan3A_392 = %scan3A_287 to %scan3A_289 step %scan3A_290  : i32 {
      %mul3A_393 = arith.constant 4 : i32
      %mul3A_394 = arith.muli %mul3A_393, %scan3A_392 : i32
      %add3A_395 = arith.constant 0 : i32
      %add3A_396 = arith.addi %mul3A_394, %add3A_395 : i32
      %dma_wait3A_397 = arith.constant 0 : i32
      %dma_wait3A_398 = arith.constant 0 : i32
      %dma_wait3A_399 = tpu.memref_slice %arg6[%dma_wait3A_397, %dma_wait3A_398] : memref<40x64xi32, #tpu.memory_space<vmem>> -> memref<1x64xi32, #tpu.memory_space<vmem>>
      %dma_wait3A_400 = tpu.memref_squeeze %dma_wait3A_399 : memref<1x64xi32, #tpu.memory_space<vmem>> -> memref<64xi32, #tpu.memory_space<vmem>>
      %dma_wait3A_401 = arith.constant 0 : i32
      %dma_wait3A_402 = arith.constant 0 : i32
      %dma_wait3A_403 = tpu.memref_slice %arg3[%dma_wait3A_401, %dma_wait3A_402] : memref<100000x128xf32, #tpu.memory_space<hbm>> -> memref<100000x128xf32, #tpu.memory_space<hbm>>
      tpu.wait_indirect_dma semaphore(%arg13 : memref<!tpu.dma_semaphore, #tpu.memory_space<semaphore_mem>>) src(%dma_wait3A_403 : memref<100000x128xf32, #tpu.memory_space<hbm>>) dst(%arg8 : memref<64x128xf32, #tpu.memory_space<vmem>>)
      %dma_start3A_404 = arith.constant 0 : i32
      %dma_start3A_405 = tpu.memref_slice %arg7[%add3A_396, %dma_start3A_404] : memref<40x64xi32, #tpu.memory_space<vmem>> -> memref<1x64xi32, #tpu.memory_space<vmem>>
      %dma_start3A_406 = tpu.memref_squeeze %dma_start3A_405 : memref<1x64xi32, #tpu.memory_space<vmem>> -> memref<64xi32, #tpu.memory_space<vmem>>
      %dma_start3A_407 = arith.constant 0 : i32
      %dma_start3A_408 = arith.constant 0 : i32
      %dma_start3A_409 = tpu.memref_slice %arg12[%dma_start3A_407, %dma_start3A_408] : memref<10240x128xf32, #tpu.memory_space<vmem_shared>> -> memref<10240x128xf32, #tpu.memory_space<vmem_shared>>
      tpu.enqueue_indirect_dma source(%arg8 : memref<64x128xf32, #tpu.memory_space<vmem>>) target(%dma_start3A_409 : memref<10240x128xf32, #tpu.memory_space<vmem_shared>>) offsets(%dma_start3A_406 : memref<64xi32, #tpu.memory_space<vmem>>) semaphore(%arg17 : memref<!tpu.dma_semaphore, #tpu.memory_space<semaphore_mem>>) {add = true}
      %gt3A = arith.constant 0 : i32
      %gt3A_410 = arith.cmpi sgt, %scan3A_392, %gt3A : i32
      %convert_element_type3A = arith.extui %gt3A_410 : i1 to i32
      %cond3A = arith.constant 0 : i32
      %cond3A_411 = arith.cmpi ne, %convert_element_type3A, %cond3A : i32
      scf.if %cond3A_411 {
        %dma_wait3A_485 = arith.constant 0 : i32
        %dma_wait3A_486 = arith.constant 0 : i32
        %dma_wait3A_487 = tpu.memref_slice %arg7[%dma_wait3A_485, %dma_wait3A_486] : memref<40x64xi32, #tpu.memory_space<vmem>> -> memref<1x64xi32, #tpu.memory_space<vmem>>
        %dma_wait3A_488 = tpu.memref_squeeze %dma_wait3A_487 : memref<1x64xi32, #tpu.memory_space<vmem>> -> memref<64xi32, #tpu.memory_space<vmem>>
        %dma_wait3A_489 = arith.constant 0 : i32
        %dma_wait3A_490 = arith.constant 0 : i32
        %dma_wait3A_491 = tpu.memref_slice %arg12[%dma_wait3A_489, %dma_wait3A_490] : memref<10240x128xf32, #tpu.memory_space<vmem_shared>> -> memref<10240x128xf32, #tpu.memory_space<vmem_shared>>
        tpu.wait_indirect_dma semaphore(%arg20 : memref<!tpu.dma_semaphore, #tpu.memory_space<semaphore_mem>>) src(%arg11 : memref<64x128xf32, #tpu.memory_space<vmem>>) dst(%dma_wait3A_491 : memref<10240x128xf32, #tpu.memory_space<vmem_shared>>)
      } else {
      }
      %add3A_412 = arith.constant 3 : i32
      %add3A_413 = arith.addi %add3A_396, %add3A_412 : i32
      %dma_start3A_414 = arith.constant 0 : i32
      %dma_start3A_415 = tpu.memref_slice %arg6[%add3A_413, %dma_start3A_414] : memref<40x64xi32, #tpu.memory_space<vmem>> -> memref<1x64xi32, #tpu.memory_space<vmem>>
      %dma_start3A_416 = tpu.memref_squeeze %dma_start3A_415 : memref<1x64xi32, #tpu.memory_space<vmem>> -> memref<64xi32, #tpu.memory_space<vmem>>
      %dma_start3A_417 = arith.constant 0 : i32
      %dma_start3A_418 = arith.constant 0 : i32
      %dma_start3A_419 = tpu.memref_slice %arg3[%dma_start3A_417, %dma_start3A_418] : memref<100000x128xf32, #tpu.memory_space<hbm>> -> memref<100000x128xf32, #tpu.memory_space<hbm>>
      tpu.enqueue_indirect_dma source(%dma_start3A_419 : memref<100000x128xf32, #tpu.memory_space<hbm>>) target(%arg11 : memref<64x128xf32, #tpu.memory_space<vmem>>) offsets(%dma_start3A_416 : memref<64xi32, #tpu.memory_space<vmem>>) semaphore(%arg16 : memref<!tpu.dma_semaphore, #tpu.memory_space<semaphore_mem>>)
      %mul3A_420 = arith.constant 4 : i32
      %mul3A_421 = arith.muli %mul3A_420, %scan3A_392 : i32
      %add3A_422 = arith.constant 1 : i32
      %add3A_423 = arith.addi %mul3A_421, %add3A_422 : i32
      %dma_wait3A_424 = arith.constant 0 : i32
      %dma_wait3A_425 = arith.constant 0 : i32
      %dma_wait3A_426 = tpu.memref_slice %arg6[%dma_wait3A_424, %dma_wait3A_425] : memref<40x64xi32, #tpu.memory_space<vmem>> -> memref<1x64xi32, #tpu.memory_space<vmem>>
      %dma_wait3A_427 = tpu.memref_squeeze %dma_wait3A_426 : memref<1x64xi32, #tpu.memory_space<vmem>> -> memref<64xi32, #tpu.memory_space<vmem>>
      %dma_wait3A_428 = arith.constant 0 : i32
      %dma_wait3A_429 = arith.constant 0 : i32
      %dma_wait3A_430 = tpu.memref_slice %arg3[%dma_wait3A_428, %dma_wait3A_429] : memref<100000x128xf32, #tpu.memory_space<hbm>> -> memref<100000x128xf32, #tpu.memory_space<hbm>>
      tpu.wait_indirect_dma semaphore(%arg14 : memref<!tpu.dma_semaphore, #tpu.memory_space<semaphore_mem>>) src(%dma_wait3A_430 : memref<100000x128xf32, #tpu.memory_space<hbm>>) dst(%arg9 : memref<64x128xf32, #tpu.memory_space<vmem>>)
      %dma_start3A_431 = arith.constant 0 : i32
      %dma_start3A_432 = tpu.memref_slice %arg7[%add3A_423, %dma_start3A_431] : memref<40x64xi32, #tpu.memory_space<vmem>> -> memref<1x64xi32, #tpu.memory_space<vmem>>
      %dma_start3A_433 = tpu.memref_squeeze %dma_start3A_432 : memref<1x64xi32, #tpu.memory_space<vmem>> -> memref<64xi32, #tpu.memory_space<vmem>>
      %dma_start3A_434 = arith.constant 0 : i32
      %dma_start3A_435 = arith.constant 0 : i32
      %dma_start3A_436 = tpu.memref_slice %arg12[%dma_start3A_434, %dma_start3A_435] : memref<10240x128xf32, #tpu.memory_space<vmem_shared>> -> memref<10240x128xf32, #tpu.memory_space<vmem_shared>>
      tpu.enqueue_indirect_dma source(%arg9 : memref<64x128xf32, #tpu.memory_space<vmem>>) target(%dma_start3A_436 : memref<10240x128xf32, #tpu.memory_space<vmem_shared>>) offsets(%dma_start3A_433 : memref<64xi32, #tpu.memory_space<vmem>>) semaphore(%arg18 : memref<!tpu.dma_semaphore, #tpu.memory_space<semaphore_mem>>) {add = true}
      %lt3A = arith.constant 9 : i32
      %lt3A_437 = arith.cmpi slt, %scan3A_392, %lt3A : i32
      %convert_element_type3A_438 = arith.extui %lt3A_437 : i1 to i32
      %cond3A_439 = arith.constant 0 : i32
      %cond3A_440 = arith.cmpi ne, %convert_element_type3A_438, %cond3A_439 : i32
      scf.if %cond3A_440 {
        %dma_wait3A_485 = arith.constant 0 : i32
        %dma_wait3A_486 = arith.constant 0 : i32
        %dma_wait3A_487 = tpu.memref_slice %arg7[%dma_wait3A_485, %dma_wait3A_486] : memref<40x64xi32, #tpu.memory_space<vmem>> -> memref<1x64xi32, #tpu.memory_space<vmem>>
        %dma_wait3A_488 = tpu.memref_squeeze %dma_wait3A_487 : memref<1x64xi32, #tpu.memory_space<vmem>> -> memref<64xi32, #tpu.memory_space<vmem>>
        %dma_wait3A_489 = arith.constant 0 : i32
        %dma_wait3A_490 = arith.constant 0 : i32
        %dma_wait3A_491 = tpu.memref_slice %arg12[%dma_wait3A_489, %dma_wait3A_490] : memref<10240x128xf32, #tpu.memory_space<vmem_shared>> -> memref<10240x128xf32, #tpu.memory_space<vmem_shared>>
        tpu.wait_indirect_dma semaphore(%arg17 : memref<!tpu.dma_semaphore, #tpu.memory_space<semaphore_mem>>) src(%arg8 : memref<64x128xf32, #tpu.memory_space<vmem>>) dst(%dma_wait3A_491 : memref<10240x128xf32, #tpu.memory_space<vmem_shared>>)
        %add3A_492 = arith.constant 3 : i32
        %add3A_493 = arith.addi %add3A_423, %add3A_492 : i32
        %dma_start3A_494 = arith.constant 0 : i32
        %dma_start3A_495 = tpu.memref_slice %arg6[%add3A_493, %dma_start3A_494] : memref<40x64xi32, #tpu.memory_space<vmem>> -> memref<1x64xi32, #tpu.memory_space<vmem>>
        %dma_start3A_496 = tpu.memref_squeeze %dma_start3A_495 : memref<1x64xi32, #tpu.memory_space<vmem>> -> memref<64xi32, #tpu.memory_space<vmem>>
        %dma_start3A_497 = arith.constant 0 : i32
        %dma_start3A_498 = arith.constant 0 : i32
        %dma_start3A_499 = tpu.memref_slice %arg3[%dma_start3A_497, %dma_start3A_498] : memref<100000x128xf32, #tpu.memory_space<hbm>> -> memref<100000x128xf32, #tpu.memory_space<hbm>>
        tpu.enqueue_indirect_dma source(%dma_start3A_499 : memref<100000x128xf32, #tpu.memory_space<hbm>>) target(%arg8 : memref<64x128xf32, #tpu.memory_space<vmem>>) offsets(%dma_start3A_496 : memref<64xi32, #tpu.memory_space<vmem>>) semaphore(%arg13 : memref<!tpu.dma_semaphore, #tpu.memory_space<semaphore_mem>>)
      } else {
      }
      %mul3A_441 = arith.constant 4 : i32
      %mul3A_442 = arith.muli %mul3A_441, %scan3A_392 : i32
      %add3A_443 = arith.constant 2 : i32
      %add3A_444 = arith.addi %mul3A_442, %add3A_443 : i32
      %dma_wait3A_445 = arith.constant 0 : i32
      %dma_wait3A_446 = arith.constant 0 : i32
      %dma_wait3A_447 = tpu.memref_slice %arg6[%dma_wait3A_445, %dma_wait3A_446] : memref<40x64xi32, #tpu.memory_space<vmem>> -> memref<1x64xi32, #tpu.memory_space<vmem>>
      %dma_wait3A_448 = tpu.memref_squeeze %dma_wait3A_447 : memref<1x64xi32, #tpu.memory_space<vmem>> -> memref<64xi32, #tpu.memory_space<vmem>>
      %dma_wait3A_449 = arith.constant 0 : i32
      %dma_wait3A_450 = arith.constant 0 : i32
      %dma_wait3A_451 = tpu.memref_slice %arg3[%dma_wait3A_449, %dma_wait3A_450] : memref<100000x128xf32, #tpu.memory_space<hbm>> -> memref<100000x128xf32, #tpu.memory_space<hbm>>
      tpu.wait_indirect_dma semaphore(%arg15 : memref<!tpu.dma_semaphore, #tpu.memory_space<semaphore_mem>>) src(%dma_wait3A_451 : memref<100000x128xf32, #tpu.memory_space<hbm>>) dst(%arg10 : memref<64x128xf32, #tpu.memory_space<vmem>>)
      %dma_start3A_452 = arith.constant 0 : i32
      %dma_start3A_453 = tpu.memref_slice %arg7[%add3A_444, %dma_start3A_452] : memref<40x64xi32, #tpu.memory_space<vmem>> -> memref<1x64xi32, #tpu.memory_space<vmem>>
      %dma_start3A_454 = tpu.memref_squeeze %dma_start3A_453 : memref<1x64xi32, #tpu.memory_space<vmem>> -> memref<64xi32, #tpu.memory_space<vmem>>
      %dma_start3A_455 = arith.constant 0 : i32
      %dma_start3A_456 = arith.constant 0 : i32
      %dma_start3A_457 = tpu.memref_slice %arg12[%dma_start3A_455, %dma_start3A_456] : memref<10240x128xf32, #tpu.memory_space<vmem_shared>> -> memref<10240x128xf32, #tpu.memory_space<vmem_shared>>
      tpu.enqueue_indirect_dma source(%arg10 : memref<64x128xf32, #tpu.memory_space<vmem>>) target(%dma_start3A_457 : memref<10240x128xf32, #tpu.memory_space<vmem_shared>>) offsets(%dma_start3A_454 : memref<64xi32, #tpu.memory_space<vmem>>) semaphore(%arg19 : memref<!tpu.dma_semaphore, #tpu.memory_space<semaphore_mem>>) {add = true}
      %lt3A_458 = arith.constant 9 : i32
      %lt3A_459 = arith.cmpi slt, %scan3A_392, %lt3A_458 : i32
      %convert_element_type3A_460 = arith.extui %lt3A_459 : i1 to i32
      %cond3A_461 = arith.constant 0 : i32
      %cond3A_462 = arith.cmpi ne, %convert_element_type3A_460, %cond3A_461 : i32
      scf.if %cond3A_462 {
        %dma_wait3A_485 = arith.constant 0 : i32
        %dma_wait3A_486 = arith.constant 0 : i32
        %dma_wait3A_487 = tpu.memref_slice %arg7[%dma_wait3A_485, %dma_wait3A_486] : memref<40x64xi32, #tpu.memory_space<vmem>> -> memref<1x64xi32, #tpu.memory_space<vmem>>
        %dma_wait3A_488 = tpu.memref_squeeze %dma_wait3A_487 : memref<1x64xi32, #tpu.memory_space<vmem>> -> memref<64xi32, #tpu.memory_space<vmem>>
        %dma_wait3A_489 = arith.constant 0 : i32
        %dma_wait3A_490 = arith.constant 0 : i32
        %dma_wait3A_491 = tpu.memref_slice %arg12[%dma_wait3A_489, %dma_wait3A_490] : memref<10240x128xf32, #tpu.memory_space<vmem_shared>> -> memref<10240x128xf32, #tpu.memory_space<vmem_shared>>
        tpu.wait_indirect_dma semaphore(%arg18 : memref<!tpu.dma_semaphore, #tpu.memory_space<semaphore_mem>>) src(%arg9 : memref<64x128xf32, #tpu.memory_space<vmem>>) dst(%dma_wait3A_491 : memref<10240x128xf32, #tpu.memory_space<vmem_shared>>)
        %add3A_492 = arith.constant 3 : i32
        %add3A_493 = arith.addi %add3A_444, %add3A_492 : i32
        %dma_start3A_494 = arith.constant 0 : i32
        %dma_start3A_495 = tpu.memref_slice %arg6[%add3A_493, %dma_start3A_494] : memref<40x64xi32, #tpu.memory_space<vmem>> -> memref<1x64xi32, #tpu.memory_space<vmem>>
        %dma_start3A_496 = tpu.memref_squeeze %dma_start3A_495 : memref<1x64xi32, #tpu.memory_space<vmem>> -> memref<64xi32, #tpu.memory_space<vmem>>
        %dma_start3A_497 = arith.constant 0 : i32
        %dma_start3A_498 = arith.constant 0 : i32
        %dma_start3A_499 = tpu.memref_slice %arg3[%dma_start3A_497, %dma_start3A_498] : memref<100000x128xf32, #tpu.memory_space<hbm>> -> memref<100000x128xf32, #tpu.memory_space<hbm>>
        tpu.enqueue_indirect_dma source(%dma_start3A_499 : memref<100000x128xf32, #tpu.memory_space<hbm>>) target(%arg9 : memref<64x128xf32, #tpu.memory_space<vmem>>) offsets(%dma_start3A_496 : memref<64xi32, #tpu.memory_space<vmem>>) semaphore(%arg14 : memref<!tpu.dma_semaphore, #tpu.memory_space<semaphore_mem>>)
      } else {
      }
      %mul3A_463 = arith.constant 4 : i32
      %mul3A_464 = arith.muli %mul3A_463, %scan3A_392 : i32
      %add3A_465 = arith.constant 3 : i32
      %add3A_466 = arith.addi %mul3A_464, %add3A_465 : i32
      %dma_wait3A_467 = arith.constant 0 : i32
      %dma_wait3A_468 = arith.constant 0 : i32
      %dma_wait3A_469 = tpu.memref_slice %arg6[%dma_wait3A_467, %dma_wait3A_468] : memref<40x64xi32, #tpu.memory_space<vmem>> -> memref<1x64xi32, #tpu.memory_space<vmem>>
      %dma_wait3A_470 = tpu.memref_squeeze %dma_wait3A_469 : memref<1x64xi32, #tpu.memory_space<vmem>> -> memref<64xi32, #tpu.memory_space<vmem>>
      %dma_wait3A_471 = arith.constant 0 : i32
      %dma_wait3A_472 = arith.constant 0 : i32
      %dma_wait3A_473 = tpu.memref_slice %arg3[%dma_wait3A_471, %dma_wait3A_472] : memref<100000x128xf32, #tpu.memory_space<hbm>> -> memref<100000x128xf32, #tpu.memory_space<hbm>>
      tpu.wait_indirect_dma semaphore(%arg16 : memref<!tpu.dma_semaphore, #tpu.memory_space<semaphore_mem>>) src(%dma_wait3A_473 : memref<100000x128xf32, #tpu.memory_space<hbm>>) dst(%arg11 : memref<64x128xf32, #tpu.memory_space<vmem>>)
      %dma_start3A_474 = arith.constant 0 : i32
      %dma_start3A_475 = tpu.memref_slice %arg7[%add3A_466, %dma_start3A_474] : memref<40x64xi32, #tpu.memory_space<vmem>> -> memref<1x64xi32, #tpu.memory_space<vmem>>
      %dma_start3A_476 = tpu.memref_squeeze %dma_start3A_475 : memref<1x64xi32, #tpu.memory_space<vmem>> -> memref<64xi32, #tpu.memory_space<vmem>>
      %dma_start3A_477 = arith.constant 0 : i32
      %dma_start3A_478 = arith.constant 0 : i32
      %dma_start3A_479 = tpu.memref_slice %arg12[%dma_start3A_477, %dma_start3A_478] : memref<10240x128xf32, #tpu.memory_space<vmem_shared>> -> memref<10240x128xf32, #tpu.memory_space<vmem_shared>>
      tpu.enqueue_indirect_dma source(%arg11 : memref<64x128xf32, #tpu.memory_space<vmem>>) target(%dma_start3A_479 : memref<10240x128xf32, #tpu.memory_space<vmem_shared>>) offsets(%dma_start3A_476 : memref<64xi32, #tpu.memory_space<vmem>>) semaphore(%arg20 : memref<!tpu.dma_semaphore, #tpu.memory_space<semaphore_mem>>) {add = true}
      %lt3A_480 = arith.constant 9 : i32
      %lt3A_481 = arith.cmpi slt, %scan3A_392, %lt3A_480 : i32
      %convert_element_type3A_482 = arith.extui %lt3A_481 : i1 to i32
      %cond3A_483 = arith.constant 0 : i32
      %cond3A_484 = arith.cmpi ne, %convert_element_type3A_482, %cond3A_483 : i32
      scf.if %cond3A_484 {
        %dma_wait3A_485 = arith.constant 0 : i32
        %dma_wait3A_486 = arith.constant 0 : i32
        %dma_wait3A_487 = tpu.memref_slice %arg7[%dma_wait3A_485, %dma_wait3A_486] : memref<40x64xi32, #tpu.memory_space<vmem>> -> memref<1x64xi32, #tpu.memory_space<vmem>>
        %dma_wait3A_488 = tpu.memref_squeeze %dma_wait3A_487 : memref<1x64xi32, #tpu.memory_space<vmem>> -> memref<64xi32, #tpu.memory_space<vmem>>
        %dma_wait3A_489 = arith.constant 0 : i32
        %dma_wait3A_490 = arith.constant 0 : i32
        %dma_wait3A_491 = tpu.memref_slice %arg12[%dma_wait3A_489, %dma_wait3A_490] : memref<10240x128xf32, #tpu.memory_space<vmem_shared>> -> memref<10240x128xf32, #tpu.memory_space<vmem_shared>>
        tpu.wait_indirect_dma semaphore(%arg19 : memref<!tpu.dma_semaphore, #tpu.memory_space<semaphore_mem>>) src(%arg10 : memref<64x128xf32, #tpu.memory_space<vmem>>) dst(%dma_wait3A_491 : memref<10240x128xf32, #tpu.memory_space<vmem_shared>>)
        %add3A_492 = arith.constant 3 : i32
        %add3A_493 = arith.addi %add3A_466, %add3A_492 : i32
        %dma_start3A_494 = arith.constant 0 : i32
        %dma_start3A_495 = tpu.memref_slice %arg6[%add3A_493, %dma_start3A_494] : memref<40x64xi32, #tpu.memory_space<vmem>> -> memref<1x64xi32, #tpu.memory_space<vmem>>
        %dma_start3A_496 = tpu.memref_squeeze %dma_start3A_495 : memref<1x64xi32, #tpu.memory_space<vmem>> -> memref<64xi32, #tpu.memory_space<vmem>>
        %dma_start3A_497 = arith.constant 0 : i32
        %dma_start3A_498 = arith.constant 0 : i32
        %dma_start3A_499 = tpu.memref_slice %arg3[%dma_start3A_497, %dma_start3A_498] : memref<100000x128xf32, #tpu.memory_space<hbm>> -> memref<100000x128xf32, #tpu.memory_space<hbm>>
        tpu.enqueue_indirect_dma source(%dma_start3A_499 : memref<100000x128xf32, #tpu.memory_space<hbm>>) target(%arg10 : memref<64x128xf32, #tpu.memory_space<vmem>>) offsets(%dma_start3A_496 : memref<64xi32, #tpu.memory_space<vmem>>) semaphore(%arg15 : memref<!tpu.dma_semaphore, #tpu.memory_space<semaphore_mem>>)
      } else {
      }
    }
    %scan3A_291 = arith.constant 10 : i32
    %add3A_292 = arith.constant 120 : i32
    %add3A_293 = arith.addi %mul3A_69, %add3A_292 : i32
    %dma_start3A_294 = arith.constant 0 : i32
    %dma_start3A_295 = tpu.memref_slice %arg2[%add3A_293, %dma_start3A_294] : memref<5120x64xi32, #tpu.memory_space<hbm>> -> memref<40x64xi32, #tpu.memory_space<hbm>>
    %dma_start3A_296 = arith.constant 0 : i32
    %dma_start3A_297 = tpu.memref_slice %arg2[%add3A_293, %dma_start3A_296] : memref<5120x64xi32, #tpu.memory_space<hbm>> -> memref<40x64xi32, #tpu.memory_space<hbm>>
    tpu.enqueue_dma source(%dma_start3A_297 : memref<40x64xi32, #tpu.memory_space<hbm>>) target(%arg5 : memref<40x64xi32, #tpu.memory_space<vmem>>) target_semaphore(%arg21 : memref<!tpu.dma_semaphore, #tpu.memory_space<semaphore_mem>>)
    %dma_wait3A_298 = arith.constant 0 : i32
    %dma_wait3A_299 = arith.constant 0 : i32
    %dma_wait3A_300 = tpu.memref_slice %arg7[%dma_wait3A_298, %dma_wait3A_299] : memref<40x64xi32, #tpu.memory_space<vmem>> -> memref<1x64xi32, #tpu.memory_space<vmem>>
    %dma_wait3A_301 = tpu.memref_squeeze %dma_wait3A_300 : memref<1x64xi32, #tpu.memory_space<vmem>> -> memref<64xi32, #tpu.memory_space<vmem>>
    %dma_wait3A_302 = arith.constant 0 : i32
    %dma_wait3A_303 = arith.constant 0 : i32
    %dma_wait3A_304 = tpu.memref_slice %arg12[%dma_wait3A_302, %dma_wait3A_303] : memref<10240x128xf32, #tpu.memory_space<vmem_shared>> -> memref<10240x128xf32, #tpu.memory_space<vmem_shared>>
    tpu.wait_indirect_dma semaphore(%arg17 : memref<!tpu.dma_semaphore, #tpu.memory_space<semaphore_mem>>) src(%arg8 : memref<64x128xf32, #tpu.memory_space<vmem>>) dst(%dma_wait3A_304 : memref<10240x128xf32, #tpu.memory_space<vmem_shared>>)
    %dma_wait3A_305 = arith.constant 0 : i32
    %dma_wait3A_306 = arith.constant 0 : i32
    %dma_wait3A_307 = tpu.memref_slice %arg7[%dma_wait3A_305, %dma_wait3A_306] : memref<40x64xi32, #tpu.memory_space<vmem>> -> memref<1x64xi32, #tpu.memory_space<vmem>>
    %dma_wait3A_308 = tpu.memref_squeeze %dma_wait3A_307 : memref<1x64xi32, #tpu.memory_space<vmem>> -> memref<64xi32, #tpu.memory_space<vmem>>
    %dma_wait3A_309 = arith.constant 0 : i32
    %dma_wait3A_310 = arith.constant 0 : i32
    %dma_wait3A_311 = tpu.memref_slice %arg12[%dma_wait3A_309, %dma_wait3A_310] : memref<10240x128xf32, #tpu.memory_space<vmem_shared>> -> memref<10240x128xf32, #tpu.memory_space<vmem_shared>>
    tpu.wait_indirect_dma semaphore(%arg18 : memref<!tpu.dma_semaphore, #tpu.memory_space<semaphore_mem>>) src(%arg9 : memref<64x128xf32, #tpu.memory_space<vmem>>) dst(%dma_wait3A_311 : memref<10240x128xf32, #tpu.memory_space<vmem_shared>>)
    %dma_wait3A_312 = arith.constant 0 : i32
    %dma_wait3A_313 = arith.constant 0 : i32
    %dma_wait3A_314 = tpu.memref_slice %arg7[%dma_wait3A_312, %dma_wait3A_313] : memref<40x64xi32, #tpu.memory_space<vmem>> -> memref<1x64xi32, #tpu.memory_space<vmem>>
    %dma_wait3A_315 = tpu.memref_squeeze %dma_wait3A_314 : memref<1x64xi32, #tpu.memory_space<vmem>> -> memref<64xi32, #tpu.memory_space<vmem>>
    %dma_wait3A_316 = arith.constant 0 : i32
    %dma_wait3A_317 = arith.constant 0 : i32
    %dma_wait3A_318 = tpu.memref_slice %arg12[%dma_wait3A_316, %dma_wait3A_317] : memref<10240x128xf32, #tpu.memory_space<vmem_shared>> -> memref<10240x128xf32, #tpu.memory_space<vmem_shared>>
    tpu.wait_indirect_dma semaphore(%arg19 : memref<!tpu.dma_semaphore, #tpu.memory_space<semaphore_mem>>) src(%arg10 : memref<64x128xf32, #tpu.memory_space<vmem>>) dst(%dma_wait3A_318 : memref<10240x128xf32, #tpu.memory_space<vmem_shared>>)
    %dma_wait3A_319 = arith.constant 0 : i32
    %dma_wait3A_320 = arith.constant 0 : i32
    %dma_wait3A_321 = tpu.memref_slice %arg7[%dma_wait3A_319, %dma_wait3A_320] : memref<40x64xi32, #tpu.memory_space<vmem>> -> memref<1x64xi32, #tpu.memory_space<vmem>>
    %dma_wait3A_322 = tpu.memref_squeeze %dma_wait3A_321 : memref<1x64xi32, #tpu.memory_space<vmem>> -> memref<64xi32, #tpu.memory_space<vmem>>
    %dma_wait3A_323 = arith.constant 0 : i32
    %dma_wait3A_324 = arith.constant 0 : i32
    %dma_wait3A_325 = tpu.memref_slice %arg12[%dma_wait3A_323, %dma_wait3A_324] : memref<10240x128xf32, #tpu.memory_space<vmem_shared>> -> memref<10240x128xf32, #tpu.memory_space<vmem_shared>>
    tpu.wait_indirect_dma semaphore(%arg20 : memref<!tpu.dma_semaphore, #tpu.memory_space<semaphore_mem>>) src(%arg11 : memref<64x128xf32, #tpu.memory_space<vmem>>) dst(%dma_wait3A_325 : memref<10240x128xf32, #tpu.memory_space<vmem_shared>>)
    %dma_wait3A_326 = arith.constant 0 : i32
    %dma_wait3A_327 = tpu.memref_slice %arg2[%mul3A_69, %dma_wait3A_326] : memref<5120x64xi32, #tpu.memory_space<hbm>> -> memref<40x64xi32, #tpu.memory_space<hbm>>
    %dma_wait3A_328 = arith.constant 0 : i32
    %dma_wait3A_329 = tpu.memref_slice %arg2[%mul3A_69, %dma_wait3A_328] : memref<5120x64xi32, #tpu.memory_space<hbm>> -> memref<40x64xi32, #tpu.memory_space<hbm>>
    tpu.wait_dma2 semaphore(%arg21 : memref<!tpu.dma_semaphore, #tpu.memory_space<semaphore_mem>>) src(%dma_wait3A_329 : memref<40x64xi32, #tpu.memory_space<hbm>>) dst(%arg5 : memref<40x64xi32, #tpu.memory_space<vmem>>)
    %scan3A_330 = arith.constant 0 : i32
    %scan3A_331 = arith.constant 0 : i32
    %scan3A_332 = arith.constant 40 : i32
    %scan3A_333 = arith.addi %scan3A_331, %scan3A_332 : i32
    %scan3A_334 = arith.constant 1 : i32
    scf.for %scan3A_392 = %scan3A_331 to %scan3A_333 step %scan3A_334  : i32 {
      %get3A = arith.index_cast %scan3A_392 : i32 to index
      %get3A_393 = arith.constant 0 : index
      %get3A_394 = tpu.vector_load %arg5[%get3A, %get3A_393] {strides = array<i32>} : memref<40x64xi32, #tpu.memory_space<vmem>>, vector<1x16xi32>,
      %get3A_395 = vector.shape_cast %get3A_394 : vector<1x16xi32> to vector<16xi32>
      %and3A = arith.constant 131071 : i32
      %and3A_396 = vector.broadcast %and3A : i32 to vector<16xi32>
      %and3A_397 = arith.andi %get3A_395, %and3A_396 : vector<16xi32>
      %swap3A = arith.index_cast %scan3A_392 : i32 to index
      %swap3A_398 = arith.constant 0 : index
      %swap3A_399 = tpu.vector_load %arg6[%swap3A, %swap3A_398] {strides = array<i32>} : memref<40x64xi32, #tpu.memory_space<vmem>>, vector<1x16xi32>,
      %swap3A_400 = vector.shape_cast %swap3A_399 : vector<1x16xi32> to vector<16xi32>
      %swap3A_401 = vector.shape_cast %and3A_397 : vector<16xi32> to vector<1x16xi32>
      tpu.vector_store %arg6[%swap3A, %swap3A_398], %swap3A_401 {strides = array<i32>} : memref<40x64xi32, #tpu.memory_space<vmem>>, vector<1x16xi32>,
      %get3A_402 = arith.index_cast %scan3A_392 : i32 to index
      %get3A_403 = arith.constant 16 : index
      %get3A_404 = tpu.vector_load %arg5[%get3A_402, %get3A_403] {strides = array<i32>} : memref<40x64xi32, #tpu.memory_space<vmem>>, vector<1x16xi32>,
      %get3A_405 = vector.shape_cast %get3A_404 : vector<1x16xi32> to vector<16xi32>
      %and3A_406 = arith.constant 131071 : i32
      %and3A_407 = vector.broadcast %and3A_406 : i32 to vector<16xi32>
      %and3A_408 = arith.andi %get3A_405, %and3A_407 : vector<16xi32>
      %swap3A_409 = arith.index_cast %scan3A_392 : i32 to index
      %swap3A_410 = arith.constant 16 : index
      %swap3A_411 = tpu.vector_load %arg6[%swap3A_409, %swap3A_410] {strides = array<i32>} : memref<40x64xi32, #tpu.memory_space<vmem>>, vector<1x16xi32>,
      %swap3A_412 = vector.shape_cast %swap3A_411 : vector<1x16xi32> to vector<16xi32>
      %swap3A_413 = vector.shape_cast %and3A_408 : vector<16xi32> to vector<1x16xi32>
      tpu.vector_store %arg6[%swap3A_409, %swap3A_410], %swap3A_413 {strides = array<i32>} : memref<40x64xi32, #tpu.memory_space<vmem>>, vector<1x16xi32>,
      %get3A_414 = arith.index_cast %scan3A_392 : i32 to index
      %get3A_415 = arith.constant 32 : index
      %get3A_416 = tpu.vector_load %arg5[%get3A_414, %get3A_415] {strides = array<i32>} : memref<40x64xi32, #tpu.memory_space<vmem>>, vector<1x16xi32>,
      %get3A_417 = vector.shape_cast %get3A_416 : vector<1x16xi32> to vector<16xi32>
      %and3A_418 = arith.constant 131071 : i32
      %and3A_419 = vector.broadcast %and3A_418 : i32 to vector<16xi32>
      %and3A_420 = arith.andi %get3A_417, %and3A_419 : vector<16xi32>
      %swap3A_421 = arith.index_cast %scan3A_392 : i32 to index
      %swap3A_422 = arith.constant 32 : index
      %swap3A_423 = tpu.vector_load %arg6[%swap3A_421, %swap3A_422] {strides = array<i32>} : memref<40x64xi32, #tpu.memory_space<vmem>>, vector<1x16xi32>,
      %swap3A_424 = vector.shape_cast %swap3A_423 : vector<1x16xi32> to vector<16xi32>
      %swap3A_425 = vector.shape_cast %and3A_420 : vector<16xi32> to vector<1x16xi32>
      tpu.vector_store %arg6[%swap3A_421, %swap3A_422], %swap3A_425 {strides = array<i32>} : memref<40x64xi32, #tpu.memory_space<vmem>>, vector<1x16xi32>,
      %get3A_426 = arith.index_cast %scan3A_392 : i32 to index
      %get3A_427 = arith.constant 48 : index
      %get3A_428 = tpu.vector_load %arg5[%get3A_426, %get3A_427] {strides = array<i32>} : memref<40x64xi32, #tpu.memory_space<vmem>>, vector<1x16xi32>,
      %get3A_429 = vector.shape_cast %get3A_428 : vector<1x16xi32> to vector<16xi32>
      %and3A_430 = arith.constant 131071 : i32
      %and3A_431 = vector.broadcast %and3A_430 : i32 to vector<16xi32>
      %and3A_432 = arith.andi %get3A_429, %and3A_431 : vector<16xi32>
      %swap3A_433 = arith.index_cast %scan3A_392 : i32 to index
      %swap3A_434 = arith.constant 48 : index
      %swap3A_435 = tpu.vector_load %arg6[%swap3A_433, %swap3A_434] {strides = array<i32>} : memref<40x64xi32, #tpu.memory_space<vmem>>, vector<1x16xi32>,
      %swap3A_436 = vector.shape_cast %swap3A_435 : vector<1x16xi32> to vector<16xi32>
      %swap3A_437 = vector.shape_cast %and3A_432 : vector<16xi32> to vector<1x16xi32>
      tpu.vector_store %arg6[%swap3A_433, %swap3A_434], %swap3A_437 {strides = array<i32>} : memref<40x64xi32, #tpu.memory_space<vmem>>, vector<1x16xi32>,
      %get3A_438 = arith.index_cast %scan3A_392 : i32 to index
      %get3A_439 = arith.constant 0 : index
      %get3A_440 = tpu.vector_load %arg5[%get3A_438, %get3A_439] {strides = array<i32>} : memref<40x64xi32, #tpu.memory_space<vmem>>, vector<1x16xi32>,
      %get3A_441 = vector.shape_cast %get3A_440 : vector<1x16xi32> to vector<16xi32>
      %shift_right_logical3A = arith.constant 17 : i32
      %shift_right_logical3A_442 = vector.broadcast %shift_right_logical3A : i32 to vector<16xi32>
      %shift_right_logical3A_443 = arith.shrui %get3A_441, %shift_right_logical3A_442 : vector<16xi32>
      %swap3A_444 = arith.index_cast %scan3A_392 : i32 to index
      %swap3A_445 = arith.constant 0 : index
      %swap3A_446 = tpu.vector_load %arg7[%swap3A_444, %swap3A_445] {strides = array<i32>} : memref<40x64xi32, #tpu.memory_space<vmem>>, vector<1x16xi32>,
      %swap3A_447 = vector.shape_cast %swap3A_446 : vector<1x16xi32> to vector<16xi32>
      %swap3A_448 = vector.shape_cast %shift_right_logical3A_443 : vector<16xi32> to vector<1x16xi32>
      tpu.vector_store %arg7[%swap3A_444, %swap3A_445], %swap3A_448 {strides = array<i32>} : memref<40x64xi32, #tpu.memory_space<vmem>>, vector<1x16xi32>,
      %get3A_449 = arith.index_cast %scan3A_392 : i32 to index
      %get3A_450 = arith.constant 16 : index
      %get3A_451 = tpu.vector_load %arg5[%get3A_449, %get3A_450] {strides = array<i32>} : memref<40x64xi32, #tpu.memory_space<vmem>>, vector<1x16xi32>,
      %get3A_452 = vector.shape_cast %get3A_451 : vector<1x16xi32> to vector<16xi32>
      %shift_right_logical3A_453 = arith.constant 17 : i32
      %shift_right_logical3A_454 = vector.broadcast %shift_right_logical3A_453 : i32 to vector<16xi32>
      %shift_right_logical3A_455 = arith.shrui %get3A_452, %shift_right_logical3A_454 : vector<16xi32>
      %swap3A_456 = arith.index_cast %scan3A_392 : i32 to index
      %swap3A_457 = arith.constant 16 : index
      %swap3A_458 = tpu.vector_load %arg7[%swap3A_456, %swap3A_457] {strides = array<i32>} : memref<40x64xi32, #tpu.memory_space<vmem>>, vector<1x16xi32>,
      %swap3A_459 = vector.shape_cast %swap3A_458 : vector<1x16xi32> to vector<16xi32>
      %swap3A_460 = vector.shape_cast %shift_right_logical3A_455 : vector<16xi32> to vector<1x16xi32>
      tpu.vector_store %arg7[%swap3A_456, %swap3A_457], %swap3A_460 {strides = array<i32>} : memref<40x64xi32, #tpu.memory_space<vmem>>, vector<1x16xi32>,
      %get3A_461 = arith.index_cast %scan3A_392 : i32 to index
      %get3A_462 = arith.constant 32 : index
      %get3A_463 = tpu.vector_load %arg5[%get3A_461, %get3A_462] {strides = array<i32>} : memref<40x64xi32, #tpu.memory_space<vmem>>, vector<1x16xi32>,
      %get3A_464 = vector.shape_cast %get3A_463 : vector<1x16xi32> to vector<16xi32>
      %shift_right_logical3A_465 = arith.constant 17 : i32
      %shift_right_logical3A_466 = vector.broadcast %shift_right_logical3A_465 : i32 to vector<16xi32>
      %shift_right_logical3A_467 = arith.shrui %get3A_464, %shift_right_logical3A_466 : vector<16xi32>
      %swap3A_468 = arith.index_cast %scan3A_392 : i32 to index
      %swap3A_469 = arith.constant 32 : index
      %swap3A_470 = tpu.vector_load %arg7[%swap3A_468, %swap3A_469] {strides = array<i32>} : memref<40x64xi32, #tpu.memory_space<vmem>>, vector<1x16xi32>,
      %swap3A_471 = vector.shape_cast %swap3A_470 : vector<1x16xi32> to vector<16xi32>
      %swap3A_472 = vector.shape_cast %shift_right_logical3A_467 : vector<16xi32> to vector<1x16xi32>
      tpu.vector_store %arg7[%swap3A_468, %swap3A_469], %swap3A_472 {strides = array<i32>} : memref<40x64xi32, #tpu.memory_space<vmem>>, vector<1x16xi32>,
      %get3A_473 = arith.index_cast %scan3A_392 : i32 to index
      %get3A_474 = arith.constant 48 : index
      %get3A_475 = tpu.vector_load %arg5[%get3A_473, %get3A_474] {strides = array<i32>} : memref<40x64xi32, #tpu.memory_space<vmem>>, vector<1x16xi32>,
      %get3A_476 = vector.shape_cast %get3A_475 : vector<1x16xi32> to vector<16xi32>
      %shift_right_logical3A_477 = arith.constant 17 : i32
      %shift_right_logical3A_478 = vector.broadcast %shift_right_logical3A_477 : i32 to vector<16xi32>
      %shift_right_logical3A_479 = arith.shrui %get3A_476, %shift_right_logical3A_478 : vector<16xi32>
      %swap3A_480 = arith.index_cast %scan3A_392 : i32 to index
      %swap3A_481 = arith.constant 48 : index
      %swap3A_482 = tpu.vector_load %arg7[%swap3A_480, %swap3A_481] {strides = array<i32>} : memref<40x64xi32, #tpu.memory_space<vmem>>, vector<1x16xi32>,
      %swap3A_483 = vector.shape_cast %swap3A_482 : vector<1x16xi32> to vector<16xi32>
      %swap3A_484 = vector.shape_cast %shift_right_logical3A_479 : vector<16xi32> to vector<1x16xi32>
      tpu.vector_store %arg7[%swap3A_480, %swap3A_481], %swap3A_484 {strides = array<i32>} : memref<40x64xi32, #tpu.memory_space<vmem>>, vector<1x16xi32>,
    }
    %scan3A_335 = arith.constant 40 : i32
    %dma_start3A_336 = arith.constant 0 : i32
    %dma_start3A_337 = arith.constant 0 : i32
    %dma_start3A_338 = tpu.memref_slice %arg6[%dma_start3A_336, %dma_start3A_337] : memref<40x64xi32, #tpu.memory_space<vmem>> -> memref<1x64xi32, #tpu.memory_space<vmem>>
    %dma_start3A_339 = tpu.memref_squeeze %dma_start3A_338 : memref<1x64xi32, #tpu.memory_space<vmem>> -> memref<64xi32, #tpu.memory_space<vmem>>
    %dma_start3A_340 = arith.constant 0 : i32
    %dma_start3A_341 = arith.constant 0 : i32
    %dma_start3A_342 = tpu.memref_slice %arg3[%dma_start3A_340, %dma_start3A_341] : memref<100000x128xf32, #tpu.memory_space<hbm>> -> memref<100000x128xf32, #tpu.memory_space<hbm>>
    tpu.enqueue_indirect_dma source(%dma_start3A_342 : memref<100000x128xf32, #tpu.memory_space<hbm>>) target(%arg8 : memref<64x128xf32, #tpu.memory_space<vmem>>) offsets(%dma_start3A_339 : memref<64xi32, #tpu.memory_space<vmem>>) semaphore(%arg13 : memref<!tpu.dma_semaphore, #tpu.memory_space<semaphore_mem>>)
    %dma_start3A_343 = arith.constant 1 : i32
    %dma_start3A_344 = arith.constant 0 : i32
    %dma_start3A_345 = tpu.memref_slice %arg6[%dma_start3A_343, %dma_start3A_344] : memref<40x64xi32, #tpu.memory_space<vmem>> -> memref<1x64xi32, #tpu.memory_space<vmem>>
    %dma_start3A_346 = tpu.memref_squeeze %dma_start3A_345 : memref<1x64xi32, #tpu.memory_space<vmem>> -> memref<64xi32, #tpu.memory_space<vmem>>
    %dma_start3A_347 = arith.constant 0 : i32
    %dma_start3A_348 = arith.constant 0 : i32
    %dma_start3A_349 = tpu.memref_slice %arg3[%dma_start3A_347, %dma_start3A_348] : memref<100000x128xf32, #tpu.memory_space<hbm>> -> memref<100000x128xf32, #tpu.memory_space<hbm>>
    tpu.enqueue_indirect_dma source(%dma_start3A_349 : memref<100000x128xf32, #tpu.memory_space<hbm>>) target(%arg9 : memref<64x128xf32, #tpu.memory_space<vmem>>) offsets(%dma_start3A_346 : memref<64xi32, #tpu.memory_space<vmem>>) semaphore(%arg14 : memref<!tpu.dma_semaphore, #tpu.memory_space<semaphore_mem>>)
    %dma_start3A_350 = arith.constant 2 : i32
    %dma_start3A_351 = arith.constant 0 : i32
    %dma_start3A_352 = tpu.memref_slice %arg6[%dma_start3A_350, %dma_start3A_351] : memref<40x64xi32, #tpu.memory_space<vmem>> -> memref<1x64xi32, #tpu.memory_space<vmem>>
    %dma_start3A_353 = tpu.memref_squeeze %dma_start3A_352 : memref<1x64xi32, #tpu.memory_space<vmem>> -> memref<64xi32, #tpu.memory_space<vmem>>
    %dma_start3A_354 = arith.constant 0 : i32
    %dma_start3A_355 = arith.constant 0 : i32
    %dma_start3A_356 = tpu.memref_slice %arg3[%dma_start3A_354, %dma_start3A_355] : memref<100000x128xf32, #tpu.memory_space<hbm>> -> memref<100000x128xf32, #tpu.memory_space<hbm>>
    tpu.enqueue_indirect_dma source(%dma_start3A_356 : memref<100000x128xf32, #tpu.memory_space<hbm>>) target(%arg10 : memref<64x128xf32, #tpu.memory_space<vmem>>) offsets(%dma_start3A_353 : memref<64xi32, #tpu.memory_space<vmem>>) semaphore(%arg15 : memref<!tpu.dma_semaphore, #tpu.memory_space<semaphore_mem>>)
    %scan3A_357 = arith.constant 0 : i32
    %scan3A_358 = arith.constant 0 : i32
    %scan3A_359 = arith.constant 10 : i32
    %scan3A_360 = arith.addi %scan3A_358, %scan3A_359 : i32
    %scan3A_361 = arith.constant 1 : i32
    scf.for %scan3A_392 = %scan3A_358 to %scan3A_360 step %scan3A_361  : i32 {
      %mul3A_393 = arith.constant 4 : i32
      %mul3A_394 = arith.muli %mul3A_393, %scan3A_392 : i32
      %add3A_395 = arith.constant 0 : i32
      %add3A_396 = arith.addi %mul3A_394, %add3A_395 : i32
      %dma_wait3A_397 = arith.constant 0 : i32
      %dma_wait3A_398 = arith.constant 0 : i32
      %dma_wait3A_399 = tpu.memref_slice %arg6[%dma_wait3A_397, %dma_wait3A_398] : memref<40x64xi32, #tpu.memory_space<vmem>> -> memref<1x64xi32, #tpu.memory_space<vmem>>
      %dma_wait3A_400 = tpu.memref_squeeze %dma_wait3A_399 : memref<1x64xi32, #tpu.memory_space<vmem>> -> memref<64xi32, #tpu.memory_space<vmem>>
      %dma_wait3A_401 = arith.constant 0 : i32
      %dma_wait3A_402 = arith.constant 0 : i32
      %dma_wait3A_403 = tpu.memref_slice %arg3[%dma_wait3A_401, %dma_wait3A_402] : memref<100000x128xf32, #tpu.memory_space<hbm>> -> memref<100000x128xf32, #tpu.memory_space<hbm>>
      tpu.wait_indirect_dma semaphore(%arg13 : memref<!tpu.dma_semaphore, #tpu.memory_space<semaphore_mem>>) src(%dma_wait3A_403 : memref<100000x128xf32, #tpu.memory_space<hbm>>) dst(%arg8 : memref<64x128xf32, #tpu.memory_space<vmem>>)
      %dma_start3A_404 = arith.constant 0 : i32
      %dma_start3A_405 = tpu.memref_slice %arg7[%add3A_396, %dma_start3A_404] : memref<40x64xi32, #tpu.memory_space<vmem>> -> memref<1x64xi32, #tpu.memory_space<vmem>>
      %dma_start3A_406 = tpu.memref_squeeze %dma_start3A_405 : memref<1x64xi32, #tpu.memory_space<vmem>> -> memref<64xi32, #tpu.memory_space<vmem>>
      %dma_start3A_407 = arith.constant 0 : i32
      %dma_start3A_408 = arith.constant 0 : i32
      %dma_start3A_409 = tpu.memref_slice %arg12[%dma_start3A_407, %dma_start3A_408] : memref<10240x128xf32, #tpu.memory_space<vmem_shared>> -> memref<10240x128xf32, #tpu.memory_space<vmem_shared>>
      tpu.enqueue_indirect_dma source(%arg8 : memref<64x128xf32, #tpu.memory_space<vmem>>) target(%dma_start3A_409 : memref<10240x128xf32, #tpu.memory_space<vmem_shared>>) offsets(%dma_start3A_406 : memref<64xi32, #tpu.memory_space<vmem>>) semaphore(%arg17 : memref<!tpu.dma_semaphore, #tpu.memory_space<semaphore_mem>>) {add = true}
      %gt3A = arith.constant 0 : i32
      %gt3A_410 = arith.cmpi sgt, %scan3A_392, %gt3A : i32
      %convert_element_type3A = arith.extui %gt3A_410 : i1 to i32
      %cond3A = arith.constant 0 : i32
      %cond3A_411 = arith.cmpi ne, %convert_element_type3A, %cond3A : i32
      scf.if %cond3A_411 {
        %dma_wait3A_485 = arith.constant 0 : i32
        %dma_wait3A_486 = arith.constant 0 : i32
        %dma_wait3A_487 = tpu.memref_slice %arg7[%dma_wait3A_485, %dma_wait3A_486] : memref<40x64xi32, #tpu.memory_space<vmem>> -> memref<1x64xi32, #tpu.memory_space<vmem>>
        %dma_wait3A_488 = tpu.memref_squeeze %dma_wait3A_487 : memref<1x64xi32, #tpu.memory_space<vmem>> -> memref<64xi32, #tpu.memory_space<vmem>>
        %dma_wait3A_489 = arith.constant 0 : i32
        %dma_wait3A_490 = arith.constant 0 : i32
        %dma_wait3A_491 = tpu.memref_slice %arg12[%dma_wait3A_489, %dma_wait3A_490] : memref<10240x128xf32, #tpu.memory_space<vmem_shared>> -> memref<10240x128xf32, #tpu.memory_space<vmem_shared>>
        tpu.wait_indirect_dma semaphore(%arg20 : memref<!tpu.dma_semaphore, #tpu.memory_space<semaphore_mem>>) src(%arg11 : memref<64x128xf32, #tpu.memory_space<vmem>>) dst(%dma_wait3A_491 : memref<10240x128xf32, #tpu.memory_space<vmem_shared>>)
      } else {
      }
      %add3A_412 = arith.constant 3 : i32
      %add3A_413 = arith.addi %add3A_396, %add3A_412 : i32
      %dma_start3A_414 = arith.constant 0 : i32
      %dma_start3A_415 = tpu.memref_slice %arg6[%add3A_413, %dma_start3A_414] : memref<40x64xi32, #tpu.memory_space<vmem>> -> memref<1x64xi32, #tpu.memory_space<vmem>>
      %dma_start3A_416 = tpu.memref_squeeze %dma_start3A_415 : memref<1x64xi32, #tpu.memory_space<vmem>> -> memref<64xi32, #tpu.memory_space<vmem>>
      %dma_start3A_417 = arith.constant 0 : i32
      %dma_start3A_418 = arith.constant 0 : i32
      %dma_start3A_419 = tpu.memref_slice %arg3[%dma_start3A_417, %dma_start3A_418] : memref<100000x128xf32, #tpu.memory_space<hbm>> -> memref<100000x128xf32, #tpu.memory_space<hbm>>
      tpu.enqueue_indirect_dma source(%dma_start3A_419 : memref<100000x128xf32, #tpu.memory_space<hbm>>) target(%arg11 : memref<64x128xf32, #tpu.memory_space<vmem>>) offsets(%dma_start3A_416 : memref<64xi32, #tpu.memory_space<vmem>>) semaphore(%arg16 : memref<!tpu.dma_semaphore, #tpu.memory_space<semaphore_mem>>)
      %mul3A_420 = arith.constant 4 : i32
      %mul3A_421 = arith.muli %mul3A_420, %scan3A_392 : i32
      %add3A_422 = arith.constant 1 : i32
      %add3A_423 = arith.addi %mul3A_421, %add3A_422 : i32
      %dma_wait3A_424 = arith.constant 0 : i32
      %dma_wait3A_425 = arith.constant 0 : i32
      %dma_wait3A_426 = tpu.memref_slice %arg6[%dma_wait3A_424, %dma_wait3A_425] : memref<40x64xi32, #tpu.memory_space<vmem>> -> memref<1x64xi32, #tpu.memory_space<vmem>>
      %dma_wait3A_427 = tpu.memref_squeeze %dma_wait3A_426 : memref<1x64xi32, #tpu.memory_space<vmem>> -> memref<64xi32, #tpu.memory_space<vmem>>
      %dma_wait3A_428 = arith.constant 0 : i32
      %dma_wait3A_429 = arith.constant 0 : i32
      %dma_wait3A_430 = tpu.memref_slice %arg3[%dma_wait3A_428, %dma_wait3A_429] : memref<100000x128xf32, #tpu.memory_space<hbm>> -> memref<100000x128xf32, #tpu.memory_space<hbm>>
      tpu.wait_indirect_dma semaphore(%arg14 : memref<!tpu.dma_semaphore, #tpu.memory_space<semaphore_mem>>) src(%dma_wait3A_430 : memref<100000x128xf32, #tpu.memory_space<hbm>>) dst(%arg9 : memref<64x128xf32, #tpu.memory_space<vmem>>)
      %dma_start3A_431 = arith.constant 0 : i32
      %dma_start3A_432 = tpu.memref_slice %arg7[%add3A_423, %dma_start3A_431] : memref<40x64xi32, #tpu.memory_space<vmem>> -> memref<1x64xi32, #tpu.memory_space<vmem>>
      %dma_start3A_433 = tpu.memref_squeeze %dma_start3A_432 : memref<1x64xi32, #tpu.memory_space<vmem>> -> memref<64xi32, #tpu.memory_space<vmem>>
      %dma_start3A_434 = arith.constant 0 : i32
      %dma_start3A_435 = arith.constant 0 : i32
      %dma_start3A_436 = tpu.memref_slice %arg12[%dma_start3A_434, %dma_start3A_435] : memref<10240x128xf32, #tpu.memory_space<vmem_shared>> -> memref<10240x128xf32, #tpu.memory_space<vmem_shared>>
      tpu.enqueue_indirect_dma source(%arg9 : memref<64x128xf32, #tpu.memory_space<vmem>>) target(%dma_start3A_436 : memref<10240x128xf32, #tpu.memory_space<vmem_shared>>) offsets(%dma_start3A_433 : memref<64xi32, #tpu.memory_space<vmem>>) semaphore(%arg18 : memref<!tpu.dma_semaphore, #tpu.memory_space<semaphore_mem>>) {add = true}
      %lt3A = arith.constant 9 : i32
      %lt3A_437 = arith.cmpi slt, %scan3A_392, %lt3A : i32
      %convert_element_type3A_438 = arith.extui %lt3A_437 : i1 to i32
      %cond3A_439 = arith.constant 0 : i32
      %cond3A_440 = arith.cmpi ne, %convert_element_type3A_438, %cond3A_439 : i32
      scf.if %cond3A_440 {
        %dma_wait3A_485 = arith.constant 0 : i32
        %dma_wait3A_486 = arith.constant 0 : i32
        %dma_wait3A_487 = tpu.memref_slice %arg7[%dma_wait3A_485, %dma_wait3A_486] : memref<40x64xi32, #tpu.memory_space<vmem>> -> memref<1x64xi32, #tpu.memory_space<vmem>>
        %dma_wait3A_488 = tpu.memref_squeeze %dma_wait3A_487 : memref<1x64xi32, #tpu.memory_space<vmem>> -> memref<64xi32, #tpu.memory_space<vmem>>
        %dma_wait3A_489 = arith.constant 0 : i32
        %dma_wait3A_490 = arith.constant 0 : i32
        %dma_wait3A_491 = tpu.memref_slice %arg12[%dma_wait3A_489, %dma_wait3A_490] : memref<10240x128xf32, #tpu.memory_space<vmem_shared>> -> memref<10240x128xf32, #tpu.memory_space<vmem_shared>>
        tpu.wait_indirect_dma semaphore(%arg17 : memref<!tpu.dma_semaphore, #tpu.memory_space<semaphore_mem>>) src(%arg8 : memref<64x128xf32, #tpu.memory_space<vmem>>) dst(%dma_wait3A_491 : memref<10240x128xf32, #tpu.memory_space<vmem_shared>>)
        %add3A_492 = arith.constant 3 : i32
        %add3A_493 = arith.addi %add3A_423, %add3A_492 : i32
        %dma_start3A_494 = arith.constant 0 : i32
        %dma_start3A_495 = tpu.memref_slice %arg6[%add3A_493, %dma_start3A_494] : memref<40x64xi32, #tpu.memory_space<vmem>> -> memref<1x64xi32, #tpu.memory_space<vmem>>
        %dma_start3A_496 = tpu.memref_squeeze %dma_start3A_495 : memref<1x64xi32, #tpu.memory_space<vmem>> -> memref<64xi32, #tpu.memory_space<vmem>>
        %dma_start3A_497 = arith.constant 0 : i32
        %dma_start3A_498 = arith.constant 0 : i32
        %dma_start3A_499 = tpu.memref_slice %arg3[%dma_start3A_497, %dma_start3A_498] : memref<100000x128xf32, #tpu.memory_space<hbm>> -> memref<100000x128xf32, #tpu.memory_space<hbm>>
        tpu.enqueue_indirect_dma source(%dma_start3A_499 : memref<100000x128xf32, #tpu.memory_space<hbm>>) target(%arg8 : memref<64x128xf32, #tpu.memory_space<vmem>>) offsets(%dma_start3A_496 : memref<64xi32, #tpu.memory_space<vmem>>) semaphore(%arg13 : memref<!tpu.dma_semaphore, #tpu.memory_space<semaphore_mem>>)
      } else {
      }
      %mul3A_441 = arith.constant 4 : i32
      %mul3A_442 = arith.muli %mul3A_441, %scan3A_392 : i32
      %add3A_443 = arith.constant 2 : i32
      %add3A_444 = arith.addi %mul3A_442, %add3A_443 : i32
      %dma_wait3A_445 = arith.constant 0 : i32
      %dma_wait3A_446 = arith.constant 0 : i32
      %dma_wait3A_447 = tpu.memref_slice %arg6[%dma_wait3A_445, %dma_wait3A_446] : memref<40x64xi32, #tpu.memory_space<vmem>> -> memref<1x64xi32, #tpu.memory_space<vmem>>
      %dma_wait3A_448 = tpu.memref_squeeze %dma_wait3A_447 : memref<1x64xi32, #tpu.memory_space<vmem>> -> memref<64xi32, #tpu.memory_space<vmem>>
      %dma_wait3A_449 = arith.constant 0 : i32
      %dma_wait3A_450 = arith.constant 0 : i32
      %dma_wait3A_451 = tpu.memref_slice %arg3[%dma_wait3A_449, %dma_wait3A_450] : memref<100000x128xf32, #tpu.memory_space<hbm>> -> memref<100000x128xf32, #tpu.memory_space<hbm>>
      tpu.wait_indirect_dma semaphore(%arg15 : memref<!tpu.dma_semaphore, #tpu.memory_space<semaphore_mem>>) src(%dma_wait3A_451 : memref<100000x128xf32, #tpu.memory_space<hbm>>) dst(%arg10 : memref<64x128xf32, #tpu.memory_space<vmem>>)
      %dma_start3A_452 = arith.constant 0 : i32
      %dma_start3A_453 = tpu.memref_slice %arg7[%add3A_444, %dma_start3A_452] : memref<40x64xi32, #tpu.memory_space<vmem>> -> memref<1x64xi32, #tpu.memory_space<vmem>>
      %dma_start3A_454 = tpu.memref_squeeze %dma_start3A_453 : memref<1x64xi32, #tpu.memory_space<vmem>> -> memref<64xi32, #tpu.memory_space<vmem>>
      %dma_start3A_455 = arith.constant 0 : i32
      %dma_start3A_456 = arith.constant 0 : i32
      %dma_start3A_457 = tpu.memref_slice %arg12[%dma_start3A_455, %dma_start3A_456] : memref<10240x128xf32, #tpu.memory_space<vmem_shared>> -> memref<10240x128xf32, #tpu.memory_space<vmem_shared>>
      tpu.enqueue_indirect_dma source(%arg10 : memref<64x128xf32, #tpu.memory_space<vmem>>) target(%dma_start3A_457 : memref<10240x128xf32, #tpu.memory_space<vmem_shared>>) offsets(%dma_start3A_454 : memref<64xi32, #tpu.memory_space<vmem>>) semaphore(%arg19 : memref<!tpu.dma_semaphore, #tpu.memory_space<semaphore_mem>>) {add = true}
      %lt3A_458 = arith.constant 9 : i32
      %lt3A_459 = arith.cmpi slt, %scan3A_392, %lt3A_458 : i32
      %convert_element_type3A_460 = arith.extui %lt3A_459 : i1 to i32
      %cond3A_461 = arith.constant 0 : i32
      %cond3A_462 = arith.cmpi ne, %convert_element_type3A_460, %cond3A_461 : i32
      scf.if %cond3A_462 {
        %dma_wait3A_485 = arith.constant 0 : i32
        %dma_wait3A_486 = arith.constant 0 : i32
        %dma_wait3A_487 = tpu.memref_slice %arg7[%dma_wait3A_485, %dma_wait3A_486] : memref<40x64xi32, #tpu.memory_space<vmem>> -> memref<1x64xi32, #tpu.memory_space<vmem>>
        %dma_wait3A_488 = tpu.memref_squeeze %dma_wait3A_487 : memref<1x64xi32, #tpu.memory_space<vmem>> -> memref<64xi32, #tpu.memory_space<vmem>>
        %dma_wait3A_489 = arith.constant 0 : i32
        %dma_wait3A_490 = arith.constant 0 : i32
        %dma_wait3A_491 = tpu.memref_slice %arg12[%dma_wait3A_489, %dma_wait3A_490] : memref<10240x128xf32, #tpu.memory_space<vmem_shared>> -> memref<10240x128xf32, #tpu.memory_space<vmem_shared>>
        tpu.wait_indirect_dma semaphore(%arg18 : memref<!tpu.dma_semaphore, #tpu.memory_space<semaphore_mem>>) src(%arg9 : memref<64x128xf32, #tpu.memory_space<vmem>>) dst(%dma_wait3A_491 : memref<10240x128xf32, #tpu.memory_space<vmem_shared>>)
        %add3A_492 = arith.constant 3 : i32
        %add3A_493 = arith.addi %add3A_444, %add3A_492 : i32
        %dma_start3A_494 = arith.constant 0 : i32
        %dma_start3A_495 = tpu.memref_slice %arg6[%add3A_493, %dma_start3A_494] : memref<40x64xi32, #tpu.memory_space<vmem>> -> memref<1x64xi32, #tpu.memory_space<vmem>>
        %dma_start3A_496 = tpu.memref_squeeze %dma_start3A_495 : memref<1x64xi32, #tpu.memory_space<vmem>> -> memref<64xi32, #tpu.memory_space<vmem>>
        %dma_start3A_497 = arith.constant 0 : i32
        %dma_start3A_498 = arith.constant 0 : i32
        %dma_start3A_499 = tpu.memref_slice %arg3[%dma_start3A_497, %dma_start3A_498] : memref<100000x128xf32, #tpu.memory_space<hbm>> -> memref<100000x128xf32, #tpu.memory_space<hbm>>
        tpu.enqueue_indirect_dma source(%dma_start3A_499 : memref<100000x128xf32, #tpu.memory_space<hbm>>) target(%arg9 : memref<64x128xf32, #tpu.memory_space<vmem>>) offsets(%dma_start3A_496 : memref<64xi32, #tpu.memory_space<vmem>>) semaphore(%arg14 : memref<!tpu.dma_semaphore, #tpu.memory_space<semaphore_mem>>)
      } else {
      }
      %mul3A_463 = arith.constant 4 : i32
      %mul3A_464 = arith.muli %mul3A_463, %scan3A_392 : i32
      %add3A_465 = arith.constant 3 : i32
      %add3A_466 = arith.addi %mul3A_464, %add3A_465 : i32
      %dma_wait3A_467 = arith.constant 0 : i32
      %dma_wait3A_468 = arith.constant 0 : i32
      %dma_wait3A_469 = tpu.memref_slice %arg6[%dma_wait3A_467, %dma_wait3A_468] : memref<40x64xi32, #tpu.memory_space<vmem>> -> memref<1x64xi32, #tpu.memory_space<vmem>>
      %dma_wait3A_470 = tpu.memref_squeeze %dma_wait3A_469 : memref<1x64xi32, #tpu.memory_space<vmem>> -> memref<64xi32, #tpu.memory_space<vmem>>
      %dma_wait3A_471 = arith.constant 0 : i32
      %dma_wait3A_472 = arith.constant 0 : i32
      %dma_wait3A_473 = tpu.memref_slice %arg3[%dma_wait3A_471, %dma_wait3A_472] : memref<100000x128xf32, #tpu.memory_space<hbm>> -> memref<100000x128xf32, #tpu.memory_space<hbm>>
      tpu.wait_indirect_dma semaphore(%arg16 : memref<!tpu.dma_semaphore, #tpu.memory_space<semaphore_mem>>) src(%dma_wait3A_473 : memref<100000x128xf32, #tpu.memory_space<hbm>>) dst(%arg11 : memref<64x128xf32, #tpu.memory_space<vmem>>)
      %dma_start3A_474 = arith.constant 0 : i32
      %dma_start3A_475 = tpu.memref_slice %arg7[%add3A_466, %dma_start3A_474] : memref<40x64xi32, #tpu.memory_space<vmem>> -> memref<1x64xi32, #tpu.memory_space<vmem>>
      %dma_start3A_476 = tpu.memref_squeeze %dma_start3A_475 : memref<1x64xi32, #tpu.memory_space<vmem>> -> memref<64xi32, #tpu.memory_space<vmem>>
      %dma_start3A_477 = arith.constant 0 : i32
      %dma_start3A_478 = arith.constant 0 : i32
      %dma_start3A_479 = tpu.memref_slice %arg12[%dma_start3A_477, %dma_start3A_478] : memref<10240x128xf32, #tpu.memory_space<vmem_shared>> -> memref<10240x128xf32, #tpu.memory_space<vmem_shared>>
      tpu.enqueue_indirect_dma source(%arg11 : memref<64x128xf32, #tpu.memory_space<vmem>>) target(%dma_start3A_479 : memref<10240x128xf32, #tpu.memory_space<vmem_shared>>) offsets(%dma_start3A_476 : memref<64xi32, #tpu.memory_space<vmem>>) semaphore(%arg20 : memref<!tpu.dma_semaphore, #tpu.memory_space<semaphore_mem>>) {add = true}
      %lt3A_480 = arith.constant 9 : i32
      %lt3A_481 = arith.cmpi slt, %scan3A_392, %lt3A_480 : i32
      %convert_element_type3A_482 = arith.extui %lt3A_481 : i1 to i32
      %cond3A_483 = arith.constant 0 : i32
      %cond3A_484 = arith.cmpi ne, %convert_element_type3A_482, %cond3A_483 : i32
      scf.if %cond3A_484 {
        %dma_wait3A_485 = arith.constant 0 : i32
        %dma_wait3A_486 = arith.constant 0 : i32
        %dma_wait3A_487 = tpu.memref_slice %arg7[%dma_wait3A_485, %dma_wait3A_486] : memref<40x64xi32, #tpu.memory_space<vmem>> -> memref<1x64xi32, #tpu.memory_space<vmem>>
        %dma_wait3A_488 = tpu.memref_squeeze %dma_wait3A_487 : memref<1x64xi32, #tpu.memory_space<vmem>> -> memref<64xi32, #tpu.memory_space<vmem>>
        %dma_wait3A_489 = arith.constant 0 : i32
        %dma_wait3A_490 = arith.constant 0 : i32
        %dma_wait3A_491 = tpu.memref_slice %arg12[%dma_wait3A_489, %dma_wait3A_490] : memref<10240x128xf32, #tpu.memory_space<vmem_shared>> -> memref<10240x128xf32, #tpu.memory_space<vmem_shared>>
        tpu.wait_indirect_dma semaphore(%arg19 : memref<!tpu.dma_semaphore, #tpu.memory_space<semaphore_mem>>) src(%arg10 : memref<64x128xf32, #tpu.memory_space<vmem>>) dst(%dma_wait3A_491 : memref<10240x128xf32, #tpu.memory_space<vmem_shared>>)
        %add3A_492 = arith.constant 3 : i32
        %add3A_493 = arith.addi %add3A_466, %add3A_492 : i32
        %dma_start3A_494 = arith.constant 0 : i32
        %dma_start3A_495 = tpu.memref_slice %arg6[%add3A_493, %dma_start3A_494] : memref<40x64xi32, #tpu.memory_space<vmem>> -> memref<1x64xi32, #tpu.memory_space<vmem>>
        %dma_start3A_496 = tpu.memref_squeeze %dma_start3A_495 : memref<1x64xi32, #tpu.memory_space<vmem>> -> memref<64xi32, #tpu.memory_space<vmem>>
        %dma_start3A_497 = arith.constant 0 : i32
        %dma_start3A_498 = arith.constant 0 : i32
        %dma_start3A_499 = tpu.memref_slice %arg3[%dma_start3A_497, %dma_start3A_498] : memref<100000x128xf32, #tpu.memory_space<hbm>> -> memref<100000x128xf32, #tpu.memory_space<hbm>>
        tpu.enqueue_indirect_dma source(%dma_start3A_499 : memref<100000x128xf32, #tpu.memory_space<hbm>>) target(%arg10 : memref<64x128xf32, #tpu.memory_space<vmem>>) offsets(%dma_start3A_496 : memref<64xi32, #tpu.memory_space<vmem>>) semaphore(%arg15 : memref<!tpu.dma_semaphore, #tpu.memory_space<semaphore_mem>>)
      } else {
      }
    }
    %scan3A_362 = arith.constant 10 : i32
    %dma_wait3A_363 = arith.constant 0 : i32
    %dma_wait3A_364 = arith.constant 0 : i32
    %dma_wait3A_365 = tpu.memref_slice %arg7[%dma_wait3A_363, %dma_wait3A_364] : memref<40x64xi32, #tpu.memory_space<vmem>> -> memref<1x64xi32, #tpu.memory_space<vmem>>
    %dma_wait3A_366 = tpu.memref_squeeze %dma_wait3A_365 : memref<1x64xi32, #tpu.memory_space<vmem>> -> memref<64xi32, #tpu.memory_space<vmem>>
    %dma_wait3A_367 = arith.constant 0 : i32
    %dma_wait3A_368 = arith.constant 0 : i32
    %dma_wait3A_369 = tpu.memref_slice %arg12[%dma_wait3A_367, %dma_wait3A_368] : memref<10240x128xf32, #tpu.memory_space<vmem_shared>> -> memref<10240x128xf32, #tpu.memory_space<vmem_shared>>
    tpu.wait_indirect_dma semaphore(%arg17 : memref<!tpu.dma_semaphore, #tpu.memory_space<semaphore_mem>>) src(%arg8 : memref<64x128xf32, #tpu.memory_space<vmem>>) dst(%dma_wait3A_369 : memref<10240x128xf32, #tpu.memory_space<vmem_shared>>)
    %dma_wait3A_370 = arith.constant 0 : i32
    %dma_wait3A_371 = arith.constant 0 : i32
    %dma_wait3A_372 = tpu.memref_slice %arg7[%dma_wait3A_370, %dma_wait3A_371] : memref<40x64xi32, #tpu.memory_space<vmem>> -> memref<1x64xi32, #tpu.memory_space<vmem>>
    %dma_wait3A_373 = tpu.memref_squeeze %dma_wait3A_372 : memref<1x64xi32, #tpu.memory_space<vmem>> -> memref<64xi32, #tpu.memory_space<vmem>>
    %dma_wait3A_374 = arith.constant 0 : i32
    %dma_wait3A_375 = arith.constant 0 : i32
    %dma_wait3A_376 = tpu.memref_slice %arg12[%dma_wait3A_374, %dma_wait3A_375] : memref<10240x128xf32, #tpu.memory_space<vmem_shared>> -> memref<10240x128xf32, #tpu.memory_space<vmem_shared>>
    tpu.wait_indirect_dma semaphore(%arg18 : memref<!tpu.dma_semaphore, #tpu.memory_space<semaphore_mem>>) src(%arg9 : memref<64x128xf32, #tpu.memory_space<vmem>>) dst(%dma_wait3A_376 : memref<10240x128xf32, #tpu.memory_space<vmem_shared>>)
    %dma_wait3A_377 = arith.constant 0 : i32
    %dma_wait3A_378 = arith.constant 0 : i32
    %dma_wait3A_379 = tpu.memref_slice %arg7[%dma_wait3A_377, %dma_wait3A_378] : memref<40x64xi32, #tpu.memory_space<vmem>> -> memref<1x64xi32, #tpu.memory_space<vmem>>
    %dma_wait3A_380 = tpu.memref_squeeze %dma_wait3A_379 : memref<1x64xi32, #tpu.memory_space<vmem>> -> memref<64xi32, #tpu.memory_space<vmem>>
    %dma_wait3A_381 = arith.constant 0 : i32
    %dma_wait3A_382 = arith.constant 0 : i32
    %dma_wait3A_383 = tpu.memref_slice %arg12[%dma_wait3A_381, %dma_wait3A_382] : memref<10240x128xf32, #tpu.memory_space<vmem_shared>> -> memref<10240x128xf32, #tpu.memory_space<vmem_shared>>
    tpu.wait_indirect_dma semaphore(%arg19 : memref<!tpu.dma_semaphore, #tpu.memory_space<semaphore_mem>>) src(%arg10 : memref<64x128xf32, #tpu.memory_space<vmem>>) dst(%dma_wait3A_383 : memref<10240x128xf32, #tpu.memory_space<vmem_shared>>)
    %dma_wait3A_384 = arith.constant 0 : i32
    %dma_wait3A_385 = arith.constant 0 : i32
    %dma_wait3A_386 = tpu.memref_slice %arg7[%dma_wait3A_384, %dma_wait3A_385] : memref<40x64xi32, #tpu.memory_space<vmem>> -> memref<1x64xi32, #tpu.memory_space<vmem>>
    %dma_wait3A_387 = tpu.memref_squeeze %dma_wait3A_386 : memref<1x64xi32, #tpu.memory_space<vmem>> -> memref<64xi32, #tpu.memory_space<vmem>>
    %dma_wait3A_388 = arith.constant 0 : i32
    %dma_wait3A_389 = arith.constant 0 : i32
    %dma_wait3A_390 = tpu.memref_slice %arg12[%dma_wait3A_388, %dma_wait3A_389] : memref<10240x128xf32, #tpu.memory_space<vmem_shared>> -> memref<10240x128xf32, #tpu.memory_space<vmem_shared>>
    tpu.wait_indirect_dma semaphore(%arg20 : memref<!tpu.dma_semaphore, #tpu.memory_space<semaphore_mem>>) src(%arg11 : memref<64x128xf32, #tpu.memory_space<vmem>>) dst(%dma_wait3A_390 : memref<10240x128xf32, #tpu.memory_space<vmem_shared>>)
    %barrier3A_391 = arith.constant 0 : index
    tpu.barrier barrier_id(%barrier3A_391)
    "tpu.region"() ({
      %run_scoped3A = tpu.sem_alloc : memref<!tpu.dma_semaphore, #tpu.memory_space<semaphore_mem>>
      %dma_start3A_392 = arith.constant 0 : i32
      %dma_start3A_393 = tpu.memref_slice %arg4[%arg0, %mul3A_8, %dma_start3A_392] : memref<2x10240x128xf32, #tpu.memory_space<hbm>> -> memref<1x640x128xf32, #tpu.memory_space<hbm>>
      %dma_start3A_394 = tpu.memref_squeeze %dma_start3A_393 : memref<1x640x128xf32, #tpu.memory_space<hbm>> -> memref<640x128xf32, #tpu.memory_space<hbm>>
      %dma_start3A_395 = arith.constant 0 : i32
      %dma_start3A_396 = tpu.memref_slice %arg12[%mul3A_8, %dma_start3A_395] : memref<10240x128xf32, #tpu.memory_space<vmem_shared>> -> memref<640x128xf32, #tpu.memory_space<vmem_shared>>
      tpu.enqueue_dma source(%dma_start3A_396 : memref<640x128xf32, #tpu.memory_space<vmem_shared>>) target(%dma_start3A_394 : memref<640x128xf32, #tpu.memory_space<hbm>>) target_semaphore(%run_scoped3A : memref<!tpu.dma_semaphore, #tpu.memory_space<semaphore_mem>>)
      %dma_wait3A_397 = arith.constant 0 : i32
      %dma_wait3A_398 = tpu.memref_slice %arg4[%arg0, %mul3A_8, %dma_wait3A_397] : memref<2x10240x128xf32, #tpu.memory_space<hbm>> -> memref<1x640x128xf32, #tpu.memory_space<hbm>>
      %dma_wait3A_399 = tpu.memref_squeeze %dma_wait3A_398 : memref<1x640x128xf32, #tpu.memory_space<hbm>> -> memref<640x128xf32, #tpu.memory_space<hbm>>
      %dma_wait3A_400 = arith.constant 0 : i32
      %dma_wait3A_401 = tpu.memref_slice %arg12[%mul3A_8, %dma_wait3A_400] : memref<10240x128xf32, #tpu.memory_space<vmem_shared>> -> memref<640x128xf32, #tpu.memory_space<vmem_shared>>
      tpu.wait_dma2 semaphore(%run_scoped3A : memref<!tpu.dma_semaphore, #tpu.memory_space<semaphore_mem>>) src(%dma_wait3A_401 : memref<640x128xf32, #tpu.memory_space<vmem_shared>>) dst(%dma_wait3A_399 : memref<640x128xf32, #tpu.memory_space<hbm>>)
      tpu.yield
    }) : () -> ()
    return
  }
}

module attributes {stable_mosaic.version = 14 : i64} {
  func.func @_tc_scale_kernel(%arg0: i32, %arg1: i32, %arg2: memref<2000x128xf32, #tpu.memory_space<vmem>>, %arg3: memref<10x128xf32, #tpu.memory_space<vmem>>, %arg4: memref<128x128xf32, #tpu.memory_space<vmem>>, %arg5: memref<1x128xf32, #tpu.memory_space<vmem>>, %arg6: memref<2000x128xf32, #tpu.memory_space<vmem>>, %arg7: memref<2000x128xf32, #tpu.memory_space<vmem>>) attributes {dimension_semantics = [#tpu.dimension_semantics<arbitrary>, #tpu.dimension_semantics<arbitrary>], iteration_bounds = array<i64: 5, 10>, scalar_prefetch = 0 : i64, scratch_operands = 0 : i64, tpu.core_type = #tpu.core_type<tc>, window_params = [{transform_indices = @transform_0, window_bounds = array<i64: 2000, 128>}, {pipeline_mode = #tpu.pipeline_mode<synchronous>, transform_indices = @transform_1, window_bounds = array<i64: 10, 128>}, {pipeline_mode = #tpu.pipeline_mode<synchronous>, transform_indices = @transform_2, window_bounds = array<i64: 128, 128>}, {pipeline_mode = #tpu.pipeline_mode<synchronous>, transform_indices = @transform_3, window_bounds = array<i64: 1, 128>}, {transform_indices = @transform_4, window_bounds = array<i64: 2000, 128>}, {transform_indices = @transform_5, window_bounds = array<i64: 2000, 128>}]} {
    %get3A = arith.constant 0 : index
    %get3A_0 = arith.constant 0 : index
    %get3A_1 = vector.load %arg2[%get3A, %get3A_0] : memref<2000x128xf32, #tpu.memory_space<vmem>>, vector<2000x128xf32>
    %get3A_2 = arith.index_cast %arg1 : i32 to index
    %get3A_3 = arith.constant 0 : index
    %get3A_4 = vector.load %arg3[%get3A_2, %get3A_3] : memref<10x128xf32, #tpu.memory_space<vmem>>, vector<1x128xf32>
    %mul3A = vector.broadcast %get3A_4 : vector<1x128xf32> to vector<2000x128xf32>
    %mul3A_5 = arith.mulf %get3A_1, %mul3A : vector<2000x128xf32>
    %swap3A = arith.constant 0 : index
    %swap3A_6 = arith.constant 0 : index
    %swap3A_7 = vector.load %arg6[%swap3A, %swap3A_6] : memref<2000x128xf32, #tpu.memory_space<vmem>>, vector<2000x128xf32>
    tpu.vector_store %arg6[%swap3A, %swap3A_6], %mul3A_5 {strides = array<i32>} : memref<2000x128xf32, #tpu.memory_space<vmem>>, vector<2000x128xf32>,
    %get3A_8 = arith.constant 0 : index
    %get3A_9 = arith.constant 0 : index
    %get3A_10 = vector.load %arg2[%get3A_8, %get3A_9] : memref<2000x128xf32, #tpu.memory_space<vmem>>, vector<2000x128xf32>
    %get3A_11 = arith.constant 0 : index
    %get3A_12 = arith.constant 0 : index
    %get3A_13 = vector.load %arg4[%get3A_11, %get3A_12] : memref<128x128xf32, #tpu.memory_space<vmem>>, vector<128x128xf32>
    %dot_general3A = arith.constant dense<0.000000e+00> : vector<2000x128xf32>
    %dot_general3A_14 = tpu.matmul %get3A_10, %get3A_13, %dot_general3A {dimension_numbers = #tpu.dot_dimension_numbers<[1], [1], [0], [0], [0, 0, 1, 0], [], []>, transpose_lhs_hint = false} : vector<2000x128xf32>, vector<128x128xf32>, vector<2000x128xf32> -> vector<2000x128xf32>
    %get3A_15 = arith.constant 0 : index
    %get3A_16 = arith.constant 0 : index
    %get3A_17 = vector.load %arg5[%get3A_15, %get3A_16] : memref<1x128xf32, #tpu.memory_space<vmem>>, vector<1x128xf32>
    %add3A = vector.broadcast %get3A_17 : vector<1x128xf32> to vector<2000x128xf32>
    %add3A_18 = arith.addf %dot_general3A_14, %add3A : vector<2000x128xf32>
    %swap3A_19 = arith.constant 0 : index
    %swap3A_20 = arith.constant 0 : index
    %swap3A_21 = vector.load %arg7[%swap3A_19, %swap3A_20] : memref<2000x128xf32, #tpu.memory_space<vmem>>, vector<2000x128xf32>
    tpu.vector_store %arg7[%swap3A_19, %swap3A_20], %add3A_18 {strides = array<i32>} : memref<2000x128xf32, #tpu.memory_space<vmem>>, vector<2000x128xf32>,
    return
  }
  func.func @transform_0(%arg0: i32, %arg1: i32) -> (i32, i32) {
    %c0_i32 = arith.constant 0 : i32
    %c0_i32_0 = arith.constant 0 : i32
    return %arg0, %c0_i32 : i32, i32
  }
  func.func @transform_1(%arg0: i32, %arg1: i32) -> (i32, i32) {
    %c0_i32 = arith.constant 0 : i32
    %c0_i32_0 = arith.constant 0 : i32
    %c0_i32_1 = arith.constant 0 : i32
    return %c0_i32, %c0_i32_0 : i32, i32
  }
  func.func @transform_2(%arg0: i32, %arg1: i32) -> (i32, i32) {
    %c0_i32 = arith.constant 0 : i32
    %c0_i32_0 = arith.constant 0 : i32
    %c0_i32_1 = arith.constant 0 : i32
    return %c0_i32, %c0_i32_0 : i32, i32
  }
  func.func @transform_3(%arg0: i32, %arg1: i32) -> (i32, i32) {
    %c0_i32 = arith.constant 0 : i32
    %c0_i32_0 = arith.constant 0 : i32
    %c0_i32_1 = arith.constant 0 : i32
    return %c0_i32, %c0_i32_0 : i32, i32
  }
  func.func @transform_4(%arg0: i32, %arg1: i32) -> (i32, i32) {
    %mul3A = arith.constant 5 : i32
    %mul3A_0 = arith.muli %arg1, %mul3A : i32
    %add3A = arith.addi %mul3A_0, %arg0 : i32
    %c0_i32 = arith.constant 0 : i32
    %c0_i32_1 = arith.constant 0 : i32
    return %add3A, %c0_i32 : i32, i32
  }
  func.func @transform_5(%arg0: i32, %arg1: i32) -> (i32, i32) {
    %c0_i32 = arith.constant 0 : i32
    %c0_i32_0 = arith.constant 0 : i32
    return %arg0, %c0_i32 : i32, i32
  }
}

module attributes {stable_mosaic.version = 14 : i64} {
  func.func @_tc_out_kernel(%arg0: i32, %arg1: memref<2000x128xf32, #tpu.memory_space<vmem>>, %arg2: memref<1x2000x128xf32, #tpu.memory_space<vmem>>, %arg3: memref<1x2000x128xf32, #tpu.memory_space<vmem>>, %arg4: memref<128x128xf32, #tpu.memory_space<vmem>>, %arg5: memref<2000x128xf32, #tpu.memory_space<vmem>>) attributes {dimension_semantics = [#tpu.dimension_semantics<arbitrary>], iteration_bounds = array<i64: 5>, scalar_prefetch = 0 : i64, scratch_operands = 0 : i64, tpu.core_type = #tpu.core_type<tc>, window_params = [{transform_indices = @transform_0, window_bounds = array<i64: 2000, 128>}, {transform_indices = @transform_1, window_bounds = array<i64: 1, 2000, 128>}, {transform_indices = @transform_2, window_bounds = array<i64: 1, 2000, 128>}, {pipeline_mode = #tpu.pipeline_mode<synchronous>, transform_indices = @transform_3, window_bounds = array<i64: 128, 128>}, {transform_indices = @transform_4, window_bounds = array<i64: 2000, 128>}]} {
    %get3A = arith.constant 0 : index
    %get3A_0 = arith.constant 0 : index
    %get3A_1 = vector.load %arg1[%get3A, %get3A_0] : memref<2000x128xf32, #tpu.memory_space<vmem>>, vector<2000x128xf32>
    %get3A_2 = arith.constant 0 : index
    %get3A_3 = arith.constant 0 : index
    %get3A_4 = arith.constant 0 : index
    %get3A_5 = vector.load %arg2[%get3A_2, %get3A_3, %get3A_4] : memref<1x2000x128xf32, #tpu.memory_space<vmem>>, vector<1x2000x128xf32>
    %get3A_6 = vector.shape_cast %get3A_5 : vector<1x2000x128xf32> to vector<2000x128xf32>
    %get3A_7 = arith.constant 0 : index
    %get3A_8 = arith.constant 0 : index
    %get3A_9 = arith.constant 0 : index
    %get3A_10 = vector.load %arg3[%get3A_7, %get3A_8, %get3A_9] : memref<1x2000x128xf32, #tpu.memory_space<vmem>>, vector<1x2000x128xf32>
    %get3A_11 = vector.shape_cast %get3A_10 : vector<1x2000x128xf32> to vector<2000x128xf32>
    %add3A = arith.addf %get3A_6, %get3A_11 : vector<2000x128xf32>
    %get3A_12 = arith.constant 0 : index
    %get3A_13 = arith.constant 0 : index
    %get3A_14 = vector.load %arg4[%get3A_12, %get3A_13] : memref<128x128xf32, #tpu.memory_space<vmem>>, vector<128x128xf32>
    %dot_general3A = arith.constant dense<0.000000e+00> : vector<2000x128xf32>
    %dot_general3A_15 = tpu.matmul %add3A, %get3A_14, %dot_general3A {dimension_numbers = #tpu.dot_dimension_numbers<[1], [1], [0], [0], [0, 0, 1, 0], [], []>, transpose_lhs_hint = false} : vector<2000x128xf32>, vector<128x128xf32>, vector<2000x128xf32> -> vector<2000x128xf32>
    %add3A_16 = arith.addf %get3A_1, %dot_general3A_15 : vector<2000x128xf32>
    %swap3A = arith.constant 0 : index
    %swap3A_17 = arith.constant 0 : index
    %swap3A_18 = vector.load %arg5[%swap3A, %swap3A_17] : memref<2000x128xf32, #tpu.memory_space<vmem>>, vector<2000x128xf32>
    tpu.vector_store %arg5[%swap3A, %swap3A_17], %add3A_16 {strides = array<i32>} : memref<2000x128xf32, #tpu.memory_space<vmem>>, vector<2000x128xf32>,
    return
  }
  func.func @transform_0(%arg0: i32) -> (i32, i32) {
    %c0_i32 = arith.constant 0 : i32
    %c0_i32_0 = arith.constant 0 : i32
    return %arg0, %c0_i32 : i32, i32
  }
  func.func @transform_1(%arg0: i32) -> (i32, i32, i32) {
    %c0_i32 = arith.constant 0 : i32
    %c0_i32_0 = arith.constant 0 : i32
    %c0_i32_1 = arith.constant 0 : i32
    return %c0_i32, %arg0, %c0_i32_0 : i32, i32, i32
  }
  func.func @transform_2(%arg0: i32) -> (i32, i32, i32) {
    %c1_i32 = arith.constant 1 : i32
    %c0_i32 = arith.constant 0 : i32
    %c0_i32_0 = arith.constant 0 : i32
    return %c1_i32, %arg0, %c0_i32 : i32, i32, i32
  }
  func.func @transform_3(%arg0: i32) -> (i32, i32) {
    %c0_i32 = arith.constant 0 : i32
    %c0_i32_0 = arith.constant 0 : i32
    %c0_i32_1 = arith.constant 0 : i32
    return %c0_i32, %c0_i32_0 : i32, i32
  }
  func.func @transform_4(%arg0: i32) -> (i32, i32) {
    %c0_i32 = arith.constant 0 : i32
    %c0_i32_0 = arith.constant 0 : i32
    return %arg0, %c0_i32 : i32, i32
  }
}

</mosaic_0001>

<sc_bundles>
// kernel: kernel.5.cloned.1.call-start
scs
__scs_entry_jumppad:
0x0: {  	(pc) =	sbr.rel $0x88, $3  }
0x1: {  	(tag) =	ssettag $0x0;
	lr =	simm.s32 $0x1  }
0x2: {  	[smem:$0x3F99] =	sst lr;
	_ =	strace $0xD0000000  }
0x3: {  	_ = 	snop  }
0x4: {  	_ = 	snop  }
0x5: {  	_ = 	snop  }
0x6: {  	_ = 	snop  }
0x7: {  	_ = 	snop  }
__scs_overlays_trampoline_lowered:
0x8: {  	[smem:$0x3FA8] =	sst s0  }
0x9: {  	[smem:$0x3FA9] =	sst s1  }
0xa: {  	[smem:$0x3FAA] =	sst s2  }
0xb: {  	[smem:$0x3FAB] =	sst s3  }
0xc: {  	[smem:$0x3FAC] =	sst s4  }
0xd: {  	[smem:$0x3FAD] =	sst s5  }
0xe: {  	[smem:$0x3FAE] =	sst s6  }
0xf: {  	[smem:$0x3FAF] =	sst s7  }
0x10: {  	[smem:$0x3FB0] =	sst s8  }
0x11: {  	[smem:$0x3FB1] =	sst s9;
	s0 =	simm.s32 @!p0 $0x0  }
0x12: {  	s1 =	sld [smem:$0x3F97];
	s0 =	simm.s32 @p0 $0x1  }
0x13: {  	[smem:$0x3FB2] =	sst s0;
	s0 =	simm.s32 @!p1 $0x0  }
0x14: {  	s2 =	sld [smem:$0x3F96];
	s0 =	simm.s32 @p1 $0x1  }
0x15: {  	[smem:$0x3FB3] =	sst s0;
	s0 =	simm.s32 @!p2 $0x0  }
0x16: {  	s3 =	sld [smem:$0x3FDB];
	s0 =	simm.s32 @p2 $0x1  }
0x17: {  	s4 =	simm.s32 $0x1BF5;
	[smem:$0x3FB5] =	sst s0  }
0x18: {  	s0 =	sld [smem:$0x3F98];
	_ =	swait.ge [sflag:s4], $0x0  }
0x19: {  	s7 =	sld [smem:$0x3F99]  }
0x1a: {  	s8 =	sadd.s32 $0xFFFFE003, lr  }
0x1b: {  	s9 =	sadd.s32 $0xFFFFFEF7, lr;
	s5 =	simm.s32 $0xFFFFFFFF;
	p2 =	slt.u32 s8, $0xFFFFF086  }
0x1c: {  	p1 =	slt.u32 s9, $0xF7A;
	s5 =	simm.s32 @!p2 $0x0  }
0x1d: {  	s5 =	simm.s32 @p1 $0x1;
	p0 =	seq.s32 s7, s2  }
0x1e: {  	s7 =	smul.u32 @!p0 $0xF7A, s2;
	p2 =	seq.s32 @!p0 s5, $0x0  }
0x1f: {  	s9 =	smul.u32 $0xF7A, s1;
	s8 =	simm.s32 @!p0 $0x1BF5;
	p2 =	por !p2, p0  }
0x20: {  	[sflag:s8] =	ssyncset.s32 @!p0 $0xFFFFF086;
	s6 =	sadd.s32 @!p0 s3, s7;
	s7 =	simm.s32 @!p0 $0x108  }
0x21: {  	s3 =	sadd.s32 s3, s9;
	s6 =	sadd.s32 @!p0 $0x88, s6;
	s7 =	simm.s32 @p2 $0x1082  }
0x22: {  	[simem:s7], [sflag:s8] =	dma.local @!p0 [hbm:s6], $0xF7A  }
0x23: {  	s9 =	sor.u32 $0xD0000000, s2;
	s6 =	simm.s32 $0x108;
	_ =	swait.ge @!p0 [sflag:s8], $0x0  }
0x24: {  	s3 =	sadd.s32 $0x88, s3;
	s6 =	simm.s32 @!p1 $0x1082;
	[sflag:s4] =	ssyncset.s32 $0xFFFFF086  }
0x25: {  	[simem:s6], [sflag:s4] =	dma.local [hbm:s3], $0xF7A  }
0x26: {  	[smem:$0x3F99] =	sst s1;
	(tag) =	ssettag s2;
	_ =	strace s9  }
0x27: {  	s1 =	sld [smem:$0x3FA9]  }
0x28: {  	s2 =	sld [smem:$0x3FAA]  }
0x29: {  	s4 =	sld [smem:$0x3FAC]  }
0x2a: {  	p0 =	seq.s32 s5, $0x0;
	s5 =	sld [smem:$0x3FAD]  }
0x2b: {  	s6 =	sld [smem:$0x3FAE]  }
0x2c: {  	s7 =	sld [smem:$0x3FAF]  }
0x2d: {  	s3 =	simm.s32 $0x108;
	s8 =	sld [smem:$0x3FB0]  }
0x2e: {  	s3 =	simm.s32 @!p0 $0x1082;
	s9 =	sld [smem:$0x3FB1]  }
0x2f: {  	lr =	sadd.s32 s0, s3;
	s0 =	sld [smem:$0x3FA8]  }
0x30: {  	s3 =	sld [smem:$0x3FAB]  }
0x31: {  	[smem:$0x3FB4] =	sst s10  }
0x32: {  	s10 =	sld [smem:$0x3FB2];
	_ =	sdelay $0x3  }
0x33: {  	p0 =	seq.s32 s10, $0x1;
	s10 =	sld [smem:$0x3FB4];
	_ =	sdelay $0x3  }
0x34: {  	[smem:$0x3FB4] =	sst s10  }
0x35: {  	s10 =	sld [smem:$0x3FB3];
	_ =	sdelay $0x3  }
0x36: {  	p1 =	seq.s32 s10, $0x1;
	s10 =	sld [smem:$0x3FB4];
	_ =	sdelay $0x3  }
0x37: {  	[smem:$0x3FB4] =	sst s10  }
0x38: {  	s10 =	sld [smem:$0x3FB5]  }
0x39: {  	_ = 	snop;
	(pc) =	sbr.ind lr, $3  }
0x3a: {  	_ = 	snop  }
0x3b: {  	_ = 	snop  }
0x3c: {  	p2 =	seq.s32 s10, $0x1;
	s10 =	sld [smem:$0x3FB4]  }
0x3d: {  	_ =	shalt  }
0x3e: {  	_ =	shalt  }
0x3f: {  	_ =	shalt  }
0x40: {  	_ =	shalt  }
0x41: {  	_ =	shalt  }
0x42: {  	_ =	shalt  }
0x43: {  	_ =	shalt  }
0x44: {  	_ =	shalt  }
0x45: {  	_ =	shalt  }
0x46: {  	_ =	shalt  }
0x47: {  	_ =	shalt  }
0x48: {  	_ =	shalt  }
0x49: {  	_ =	shalt  }
0x4a: {  	_ =	shalt  }
0x4b: {  	_ =	shalt  }
0x4c: {  	_ =	shalt  }
0x4d: {  	_ =	shalt  }
0x4e: {  	_ =	shalt  }
0x4f: {  	_ =	shalt  }
0x50: {  	_ =	shalt  }
0x51: {  	_ =	shalt  }
0x52: {  	_ =	shalt  }
0x53: {  	_ =	shalt  }
0x54: {  	_ =	shalt  }
0x55: {  	_ =	shalt  }
0x56: {  	_ =	shalt  }
0x57: {  	_ =	shalt  }
0x58: {  	_ =	shalt  }
0x59: {  	_ =	shalt  }
0x5a: {  	_ =	shalt  }
0x5b: {  	_ =	shalt  }
0x5c: {  	_ =	shalt  }
0x5d: {  	_ =	shalt  }
0x5e: {  	_ =	shalt  }
0x5f: {  	_ =	shalt  }
0x60: {  	_ =	shalt  }
0x61: {  	_ =	shalt  }
0x62: {  	_ =	shalt  }
0x63: {  	_ =	shalt  }
0x64: {  	_ =	shalt  }
0x65: {  	_ =	shalt  }
0x66: {  	_ =	shalt  }
0x67: {  	_ =	shalt  }
0x68: {  	_ =	shalt  }
0x69: {  	_ =	shalt  }
0x6a: {  	_ =	shalt  }
0x6b: {  	_ =	shalt  }
0x6c: {  	_ =	shalt  }
0x6d: {  	_ =	shalt  }
0x6e: {  	_ =	shalt  }
0x6f: {  	_ =	shalt  }
0x70: {  	_ =	shalt  }
0x71: {  	_ =	shalt  }
0x72: {  	_ =	shalt  }
0x73: {  	_ =	shalt  }
0x74: {  	_ =	shalt  }
0x75: {  	_ =	shalt  }
0x76: {  	_ =	shalt  }
0x77: {  	_ =	shalt  }
0x78: {  	_ =	shalt  }
0x79: {  	_ =	shalt  }
0x7a: {  	_ =	shalt  }
0x7b: {  	_ =	shalt  }
0x7c: {  	_ =	shalt  }
0x7d: {  	_ =	shalt  }
0x7e: {  	_ =	shalt  }
0x7f: {  	_ =	shalt  }
0x80: {  	_ =	shalt  }
0x81: {  	_ =	shalt  }
0x82: {  	_ =	shalt  }
0x83: {  	_ =	shalt  }
0x84: {  	_ =	shalt  }
0x85: {  	_ =	shalt  }
0x86: {  	_ =	shalt  }
0x87: {  	_ =	shalt  }
.Lfunc_end0:
.L_simem_size_0:
called_computation_lowered:
.L_overlay_start_0:
0x88: {  	s2 =	sld [smem:$0x3FD9]  }
0x89: {  	s3 =	sld [smem:$0x3FFE];
	_ =	sdelay $0x1  }
0x8a: {  	s1 =	srdreg.scid  }
0x8b: {  	s0 =	sand.u32 $0x1, s1  }
0x8c: {  	s17 =	sshll.u32 s0, $0xA;
	s2 =	sadd.s32 s3, s2  }
0x8d: {  	s2 =	sadd.s32 s2, s17  }
0x8e: {  	[smem:$0x3FC0] =	sst s2  }
0x8f: {  	_ = 	snop  }
0x90: {  	s2 =	sld [smem:$0x3FD0];
	(tm) =	ssettm $0x1  }
0x91: {  	s18 =	sld [smem:$0x3FFB];
	_ =	sdelay $0x3  }
0x92: {  	_ =	strace s18  }
0x93: {  	s3 =	sld [smem:$0x3FFC];
	_ =	sdelay $0x3  }
0x94: {  	_ =	strace s3  }
0x95: {  	s3 =	sld [smem:$0x3FFD];
	_ =	sdelay $0x3  }
0x96: {  	_ =	strace s3  }
0x97: {  	_ =	strace $0x8FFFFFFF  }
0x98: {  	s19 =	sld [smem:$0x3FDB];
	_ =	sdelay $0x1  }
0x99: {  	s4 =	simm.s32 $_scs_section_size  }
0x9a: {  	s5 =	simm.s32 $_size__tile_overlayer_lowered;
	s6 =	simm.s32 $_tile_overlayer_lowered  }
0x9b: {  	s22 =	simm.s32 $0x1BFF;
	s21 =	sshll.u32 s6, $0x1;
	s3 =	sadd.s32 s4, s19  }
0x9c: {  	s7 =	simm.s32 $0x0;
	s20 =	sshll.u32 s5, $0x1;
	s5 =	sadd.s32 s21, s3  }
0x9d: {  	[timem:s7], [sflag:s22] =	dma.local [hbm:s5], s20  }
0x9e: {  	_ =	swait.ge [sflag:s22], s20  }
0x9f: {  	s4 =	ssub.s32 $0x0, s20;
	[sflag:s22] =	ssyncset.done $0x0  }
0xa0: {  	[sflag:s22] =	ssyncadd.s32 s4;
	_ =	sdelay $0x1  }
0xa1: {  	s23 =	simm.s32 $0x1B8B  }
0xa2: {  	_ =	swait.ge [sflag:s23], $0x1  }
0xa3: {  	[sflag:s23] =	ssyncset.done $0x0  }
0xa4: {  	s25 =	simm.s32 $0x1B8E;
	s24 =	sld [smem:$0x3FFE];
	[sflag:s23] =	ssyncadd.s32 $0xFFFFFFFF  }
0xa5: {  	s26 =	simm.s32 $execute0_lowered;
	[smem:$0x3FD2] =	sst s25  }
0xa6: {  	s5 =	sshll.u32 s26, $0x1;
	_ =	strace $0x80000046;
	[dreg:$0x1] =	wrdreg $0xFFFFFFFF  }
0xa7: {  	s28 =	simm.s32 $_size_execute0_lowered;
	s3 =	sadd.s32 s3, s5;
	[dreg:$0x0] =	wrdreg $0x0  }
0xa8: {  	s5 =	sshll.u32 s28, $0x1;
	[dreg:$0x2] =	wrdreg s3  }
0xa9: {  	[dreg:$0x3] =	wrdreg s5  }
0xaa: {  	[dreg:$0x4] =	wrdreg $0xC0  }
0xab: {  	_ =	task [dreg:s7], $0x5FFFF  }
0xac: {  	[dreg:$0x1] =	wrdreg $0xFFFFFFFF  }
0xad: {  	[dreg:$0x0] =	wrdreg $0x60  }
0xae: {  	[dreg:$0x2] =	wrdreg s2  }
0xaf: {  	[dreg:$0x3] =	wrdreg s24  }
0xb0: {  	[dreg:$0x4] =	wrdreg $0xBC000  }
0xb1: {  	[dreg:$0x5] =	wrdreg $0x9  }
0xb2: {  	_ =	task.clear_ibuf [dreg:s7], $0x6FFFF;
	_ =	strace $0x90000046  }
0xb3: {  	s29 =	simm.s32 $0x9;
	_ =	strace $0x80000048  }
0xb4: {  	_ =	swait.ge [sflag:s29], $0x1  }
0xb5: {  	[sflag:s29] =	ssyncadd.s32 $0xFFFFFFFF  }
0xb6: {  	_ =	strace $0x90000048  }
0xb7: {  	_ =	sfence  }
0xb8: {  	s30 =	sld [smem:$0x0];
	_ =	sdelay $0x2  }
0xb9: {  	s31 =	sshll.u32 s1, $0xD;
	s1 =	sshrl.u32 s1, $0x2  }
0xba: {  	s3 =	sand.u32 $0x4000, s31;
	s1 =	sadd.s32 s1, s30  }
0xbb: {  	s0 =	sor.u32 s3, s0;
	s1 =	sshll.u32 s1, $0x11  }
0xbc: {  	s0 =	sor.u32 s1, s0  }
0xbd: {  	s0 =	sadd.s32 $0x8F2B, s0  }
0xbe: {  	[sflag:s0] =	ssyncadd.remote.s32 $0x1  }
0xbf: {  	_ =	sfence.sel $0xFFFF  }
0xc0: {  	[dreg:$0x0] =	wrdreg $0xFFFFFFFF;
	(pc) =	sbr.abs _section_cstart, $3  }
0xc1: {  	[dreg:$0x1] =	wrdreg $0xFFFFFFFF  }
0xc2: {  	_ =	task.clear_ibuf [dreg:s7], $0x2FFFF;
	_ =	strace $0x9FFFFFFF  }
0xc3: {  	(tm) =	ssettm $0x7FFFFFFF  }
tec
execute0_lowered:
.L_overlay_start_1:
0x0: {  	(tag) =	ssettag $0x1  }
0x1: {  	s0 =	rddreg [dreg:$0x0];
	s1 =	srdreg.scid  }
0x2: {  	s5 =	rddreg [dreg:$0x1];
	s9 =	stileid.u32  }
0x3: {  	s2 =	rddreg [dreg:$0x2];
	s3 =	simm.s32 $0x0;
	s6 =	smul.u32 $0x14000, s9  }
0x4: {  	s28 =	simm.s32 $0x7C00;
	s1 =	sand.u32 $0x1, s1;
	s7 =	smul.u32 $0x50000, s9  }
0x5: {  	s29 =	simm.s32 $0x5;
	s31 =	simm.s32 $0x1;
	s4 =	smul.u32 $0x140000, s1  }
0x6: {  	s10 =	simm.s32 $0x3;
	[smem:$0x7FF] =	sst s3;
	s13 =	ssub.s32 $0x2, s1  }
0x7: {  	s8 =	sshrl.u32 s13, $0x1;
	s7 =	sshrl.u32 s7, $0x2;
	s4 =	sadd.s32 s6, s4  }
0x8: {  	s8 =	ssub.s32 s13, s8;
	s6 =	sshrl.u32 s4, $0x3;
	s4 =	sadd.s32 $0x1200, s5  }
0x9: {  	s30 =	smax.u32 s8, $0x1;
	s6 =	sadd.s32 s6, s5;
	s5 =	sadd.s32 s7, s2  }
0xa: {  	_ =	strace $0x80000047;
	[dreg:$0x12] =	wrdreg s30;
	s7 =	sadd.s32 $0x2000, s5  }
0xb: {  	s11 =	simm.s32 $0x2900;
	s14 =	sadd.s32 $0x4000, s5;
	[dreg:$0x4] =	wrdreg s7  }
0xc: {  	s12 =	simm.s32 $0x6;
	s16 =	sadd.s32 $0x6000, s5;
	[dreg:$0x5] =	wrdreg s14  }
0xd: {  	s9 =	sshll.u32 s9, $0x1;
	s17 =	sadd.s32 $0x8000, s5;
	[dreg:$0x6] =	wrdreg s16  }
0xe: {  	s1 =	sor.u32 s1, s9;
	s18 =	sadd.s32 $0xA000, s5;
	[dreg:$0x7] =	wrdreg s17  }
0xf: {  	s9 =	simm.s32 $0x1600;
	s19 =	sadd.s32 $0xC000, s5;
	[dreg:$0x8] =	wrdreg s18  }
0x10: {  	s15 =	smul.u32 $0x5000, s1;
	s20 =	sadd.s32 $0xE000, s5;
	[dreg:$0x9] =	wrdreg s19  }
0x11: {  	s1 =	smul.u32 $0xA00, s1;
	s21 =	sadd.s32 $0x10000, s5;
	[dreg:$0xa] =	wrdreg s20  }
0x12: {  	s13 =	simm.s32 $0x1680;
	s22 =	sadd.s32 $0x12000, s5;
	[dreg:$0xb] =	wrdreg s21  }
0x13: {  	s8 =	simm.s32 $0x2880;
	s26 =	sadd.s32 $0x187C00, s6;
	[dreg:$0xc] =	wrdreg s22  }
0x14: {  	s6 =	simm.s32 $0x9C00;
	s7 =	sshrl.u32 s15, $0x3;
	[dreg:$0x11] =	wrdreg s26  }
0x15: {  	s21 =	simm.s32 $0x3C00;
	s22 =	simm.s32 $0x9;
	s14 =	simm.s32 $0x4  }
0x16: {  	s15 =	simm.s32 $0x2980;
	s16 =	simm.s32 $0x7;
	s17 =	simm.s32 $0x1700  }
.Ltmp0:
0x17: {  	s7 =	sadd.s32 s0, s7;
	s0 =	sadd.s32 s0, s1;
	(pc) =	sbr.rel .LBB2_1-.Ltmp0, $4  }
0x18: {  	s18 =	simm.s32 $0x8;
	[dreg:$0xd] =	wrdreg s0;
	s23 =	sadd.s32 $0x280, s7  }
0x19: {  	s24 =	sadd.s32 $0x500, s7;
	s25 =	sadd.s32 $0x780, s7;
	[dreg:$0xe] =	wrdreg s23  }
0x1a: {  	s0 =	simm.s32 $0x1580;
	s7 =	simm.s32 $0x2;
	[dreg:$0xf] =	wrdreg s24  }
0x1b: {  	v0 =	vimm.f32 $0.0e+00;
	[dreg:$0x10] =	wrdreg s25;
	s23 =	simm.s32 $0x40;
	s25 =	simm.s32 $0x5C00  }
.LBB2_23:
0x1c: {  	_ =	swait.ge [sflag:s29], $0x2000  }
0x1d: {  	[sflag:s29] =	ssyncset.done $0x0  }
0x1e: {  	[sflag:s29] =	ssyncadd.s32 $0xFFFFE000  }
0x1f: {  	_ =	swait.ge [sflag:s12], $0x2000  }
0x20: {  	[sflag:s12] =	ssyncset.done $0x0  }
0x21: {  	[sflag:s12] =	ssyncadd.s32 $0xFFFFE000  }
0x22: {  	_ =	swait.ge [sflag:s16], $0x2000  }
0x23: {  	[sflag:s16] =	ssyncset.done $0x0  }
0x24: {  	[sflag:s16] =	ssyncadd.s32 $0xFFFFE000  }
0x25: {  	_ =	swait.ge [sflag:s18], $0x2000  }
0x26: {  	[sflag:s18] =	ssyncset.done $0x0  }
0x27: {  	s1 =	stileid.u32;
	[sflag:s18] =	ssyncadd.s32 $0xFFFFE000  }
0x28: {  	s19 =	sshrl.u32 s5, $0x3;
	s1 =	sshll.u32 s1, $0x6;
	[bflag:$0x0] =	sbarrier.arrive $0xFFFF  }
0x29: {  	s26 =	simm.s32 $0xA;
	s1 =	sor.u32 $0x1C0A, s1;
	s20 =	rddreg [dreg:$0x11]  }
0x2a: {  	[hbm:s20], [sflag:s1] =	dma.local [spmem:s19], $0x2800  }
0x2b: {  	_ =	swait.ge [sflag:s26], $0x2800  }
0x2c: {  	s3 =	sadd.s32 $0x1, s3;
	s30 =	rddreg [dreg:$0x12]  }
0x2d: {  	p0 =	sne.s32 s3, s30  }
.Ltmp1:
0x2e: {  	_ = 	snop;
	(pc) =	sbr.rel @!p0 .LBB2_24-.Ltmp1, $3  }
0x2f: {  	_ =	sdelay $0x1  }
0x30: {  	[sflag:s26] =	ssyncset.done $0x0  }
0x31: {  	[sflag:s26] =	ssyncadd.s32 $0xFFFFD800  }
.LBB2_1:
0x32: {  	s19 =	simm.s32 $0x0;
	s20 =	simm.s32 $0x200  }
.LBB2_2:
0x33: {  	p0 =	sne.s32 s20, $0x7E00;
	[tilespmem:s19+$0x3C70] =	vst v0  }
0x34: {  	[tilespmem:s19+$0x3C00] =	vst v0  }
0x35: {  	[tilespmem:s19+$0x3C10] =	vst v0  }
.Ltmp2:
0x36: {  	[tilespmem:s19+$0x3C20] =	vst v0;
	(pc) =	sbr.rel @p0 .LBB2_2-.Ltmp2, $4  }
0x37: {  	[tilespmem:s19+$0x3C30] =	vst v0  }
0x38: {  	[tilespmem:s19+$0x3C40] =	vst v0  }
0x39: {  	[tilespmem:s19+$0x3C50] =	vst v0  }
0x3a: {  	[tilespmem:s19+$0x3C60] =	vst v0;
	s19 =	sshra.s32 s20, $0x2;
	s20 =	sadd.s32 $0x200, s20  }
0x3b: {  	[tilespmem:s19+$0x3C70] =	vst v0  }
0x3c: {  	[tilespmem:s19+$0x3C00] =	vst v0  }
0x3d: {  	[tilespmem:s19+$0x3C10] =	vst v0  }
0x3e: {  	[tilespmem:s19+$0x3C20] =	vst v0  }
0x3f: {  	[tilespmem:s19+$0x3C30] =	vst v0  }
0x40: {  	[tilespmem:s19+$0x3C40] =	vst v0  }
0x41: {  	[tilespmem:s19+$0x3C50] =	vst v0  }
0x42: {  	[tilespmem:s19+$0x3C60] =	vst v0  }
0x43: {  	[spmem:s5] =	stream.linear.scatter [tilespmem:s21], [sflag:$0x5], $0x2000, $0x38;
	[tilespmem:$0x1FC00] =	vst v63  }
0x44: {  	s1 =	rddreg [dreg:$0x4]  }
0x45: {  	[spmem:s1] =	stream.linear.scatter [tilespmem:s21], [sflag:$0x5], $0x2000, $0x38;
	[tilespmem:$0x1FC00] =	vst v63  }
0x46: {  	s19 =	rddreg [dreg:$0x5]  }
0x47: {  	[spmem:s19] =	stream.linear.scatter [tilespmem:s21], [sflag:$0x5], $0x2000, $0x38;
	[tilespmem:$0x1FC00] =	vst v63  }
0x48: {  	s20 =	rddreg [dreg:$0x6]  }
0x49: {  	[spmem:s20] =	stream.linear.scatter [tilespmem:s21], [sflag:$0x5], $0x2000, $0x38;
	[tilespmem:$0x1FC00] =	vst v63  }
0x4a: {  	s24 =	rddreg [dreg:$0x7]  }
0x4b: {  	[spmem:s24] =	stream.linear.scatter [tilespmem:s21], [sflag:$0x5], $0x2000, $0x38;
	[tilespmem:$0x1FC00] =	vst v63  }
0x4c: {  	s26 =	rddreg [dreg:$0x8]  }
0x4d: {  	[spmem:s26] =	stream.linear.scatter [tilespmem:s21], [sflag:$0x5], $0x2000, $0x38;
	[tilespmem:$0x1FC00] =	vst v63  }
0x4e: {  	s30 =	rddreg [dreg:$0x9]  }
0x4f: {  	[spmem:s30] =	stream.linear.scatter [tilespmem:s21], [sflag:$0x5], $0x2000, $0x38;
	[tilespmem:$0x1FC00] =	vst v63  }
0x50: {  	s19 =	rddreg [dreg:$0xa]  }
0x51: {  	[spmem:s19] =	stream.linear.scatter [tilespmem:s21], [sflag:$0x5], $0x2000, $0x38;
	[tilespmem:$0x1FC00] =	vst v63  }
0x52: {  	s20 =	rddreg [dreg:$0xb]  }
0x53: {  	[spmem:s20] =	stream.linear.scatter [tilespmem:s21], [sflag:$0x5], $0x2000, $0x38;
	[tilespmem:$0x1FC00] =	vst v63  }
0x54: {  	s24 =	rddreg [dreg:$0xc]  }
0x55: {  	[spmem:s24] =	stream.linear.scatter [tilespmem:s21], [sflag:$0x5], $0x2000, $0x38;
	[tilespmem:$0x1FC00] =	vst v63  }
0x56: {  	s26 =	simm.s32 $0x0;
	s30 =	rddreg [dreg:$0xd]  }
0x57: {  	[tilespmem:s26], [sflag:$0x9] =	stream.linear.gather [hbm4b:s30+s26], $0x1400, $0x38;
	[tilespmem:$0x1FC00] =	vst v63  }
0x58: {  	_ =	swait.ge [sflag:s22], $0x1400  }
0x59: {  	[sflag:s22] =	ssyncset.done $0x0  }
0x5a: {  	s19 =	simm.s32 $0x0;
	[sflag:s22] =	ssyncadd.s32 $0xFFFFEC00  }
0x5b: {  	v2 =	vld [tilespmem:s19+$0x30]  }
0x5c: {  	v3 =	vld [tilespmem:s19+$0x0]  }
0x5d: {  	v4 =	vld [tilespmem:s19+$0x10]  }
0x5e: {  	v1 =	vld [tilespmem:s19+$0x20];
	_ =	sdelay $0x1  }
0x5f: {  	v5 =	vshrl.u32 v2, $0x11  }
0x60: {  	v2 =	vand.u32 $0x1FFFF, v2;
	v6 =	vand.u32 $0x1FFFF, v3;
	[tilespmem:s19+$0x2830] =	vst v5  }
0x61: {  	s20 =	simm.s32 $0x80;
	s24 =	simm.s32 $0x400;
	v3 =	vshrl.u32 v3, $0x11;
	[tilespmem:s19+$0x1400] =	vst v6;
	v5 =	vand.u32 $0x1FFFF, v4;
	v4 =	vshrl.u32 v4, $0x11  }
.LBB2_4:
0x62: {  	p0 =	sne.s32 s24, $0x4E00;
	v6 =	vld [tilespmem:s20+$0x30];
	[tilespmem:s19+$0x1410] =	vst v5;
	v5 =	vand.u32 $0x1FFFF, v1;
	v7 =	vshrl.u32 v1, $0x11  }
0x63: {  	v8 =	vld [tilespmem:s20+$0x0];
	[tilespmem:s19+$0x1420] =	vst v5  }
0x64: {  	v9 =	vld [tilespmem:s20+$0x10];
	[tilespmem:s19+$0x1430] =	vst v2  }
.Ltmp3:
0x65: {  	v1 =	vld [tilespmem:s20+$0x20];
	[tilespmem:s19+$0x2800] =	vst v3;
	(pc) =	sbr.rel @p0 .LBB2_4-.Ltmp3, $4  }
0x66: {  	[tilespmem:s19+$0x2810] =	vst v4  }
0x67: {  	v2 =	vand.u32 $0x1FFFF, v6;
	v4 =	vshrl.u32 v6, $0x11;
	[tilespmem:s19+$0x2820] =	vst v7;
	s19 =	smov.u32 s20  }
0x68: {  	v5 =	vand.u32 $0x1FFFF, v8;
	v3 =	vshrl.u32 v8, $0x11;
	[tilespmem:s19+$0x2830] =	vst v4  }
0x69: {  	s20 =	sshra.s32 s24, $0x2;
	s24 =	sadd.s32 $0x200, s24;
	[tilespmem:s19+$0x1400] =	vst v5;
	v5 =	vand.u32 $0x1FFFF, v9;
	v4 =	vshrl.u32 v9, $0x11  }
0x6a: {  	v6 =	vld [tilespmem:s20+$0x30];
	[tilespmem:s19+$0x1410] =	vst v5;
	v63 =	vand.u32 $0x1FFFF, v1  }
0x6b: {  	v7 =	vld [tilespmem:s20+$0x0];
	[tilespmem:s19+$0x1420] =	vst v63  }
0x6c: {  	v5 =	vld [tilespmem:s20+$0x10];
	[tilespmem:s19+$0x1430] =	vst v2  }
0x6d: {  	v2 =	vld [tilespmem:s20+$0x20];
	[tilespmem:s19+$0x2800] =	vst v3  }
0x6e: {  	v1 =	vshrl.u32 v1, $0x11;
	[tilespmem:s19+$0x2810] =	vst v4  }
0x6f: {  	[tilespmem:s19+$0x2820] =	vst v1;
	v1 =	vshrl.u32 v6, $0x11  }
0x70: {  	v3 =	vand.u32 $0x1FFFF, v7;
	[tilespmem:s20+$0x2830] =	vst v1  }
0x71: {  	[tilespmem:s20+$0x1400] =	vst v3;
	v1 =	vand.u32 $0x1FFFF, v5  }
0x72: {  	v3 =	vand.u32 $0x1FFFF, v6;
	[tilespmem:s20+$0x1410] =	vst v1  }
0x73: {  	v1 =	vand.u32 $0x1FFFF, v2;
	[tilespmem:s20+$0x1430] =	vst v3  }
0x74: {  	v3 =	vshrl.u32 v5, $0x11;
	[tilespmem:s20+$0x1420] =	vst v1  }
0x75: {  	v1 =	vshrl.u32 v7, $0x11;
	[tilespmem:s20+$0x2810] =	vst v3  }
0x76: {  	[tilespmem:s20+$0x2800] =	vst v1;
	v1 =	vshrl.u32 v2, $0x11  }
0x77: {  	s1 =	simm.s32 $0x1480;
	[tilespmem:s20+$0x2820] =	vst v1  }
0x78: {  	[tilespmem:s25], [sflag:$0x2] =	stream.indirect.gather [hbm4b:s4+s23], $0x80, s1, s23, $0xb8;
	[tilespmem:$0x1FC00] =	vst v63  }
0x79: {  	s24 =	simm.s32 $0x1500  }
0x7a: {  	[tilespmem:s28], [sflag:$0x3] =	stream.indirect.gather [hbm4b:s4+s23], $0x80, s24, s23, $0xb8;
	[tilespmem:$0x1FC00] =	vst v63  }
0x7b: {  	_ =	swait.ge [sflag:s29], $0x2000  }
0x7c: {  	[sflag:s29] =	ssyncset.done $0x0  }
0x7d: {  	[sflag:s29] =	ssyncadd.s32 $0xFFFFE000  }
0x7e: {  	_ =	swait.ge [sflag:s29], $0x2000  }
0x7f: {  	[sflag:s29] =	ssyncset.done $0x0  }
0x80: {  	[sflag:s29] =	ssyncadd.s32 $0xFFFFE000  }
0x81: {  	_ =	swait.ge [sflag:s29], $0x2000  }
0x82: {  	[sflag:s29] =	ssyncset.done $0x0  }
0x83: {  	[sflag:s29] =	ssyncadd.s32 $0xFFFFE000  }
0x84: {  	_ =	swait.ge [sflag:s29], $0x2000  }
0x85: {  	[sflag:s29] =	ssyncset.done $0x0  }
0x86: {  	[sflag:s29] =	ssyncadd.s32 $0xFFFFE000  }
0x87: {  	_ =	swait.ge [sflag:s29], $0x2000  }
0x88: {  	[sflag:s29] =	ssyncset.done $0x0  }
0x89: {  	[sflag:s29] =	ssyncadd.s32 $0xFFFFE000  }
0x8a: {  	_ =	swait.ge [sflag:s29], $0x2000  }
0x8b: {  	[sflag:s29] =	ssyncset.done $0x0  }
0x8c: {  	[sflag:s29] =	ssyncadd.s32 $0xFFFFE000  }
0x8d: {  	_ =	swait.ge [sflag:s29], $0x2000  }
0x8e: {  	[sflag:s29] =	ssyncset.done $0x0  }
0x8f: {  	[sflag:s29] =	ssyncadd.s32 $0xFFFFE000  }
0x90: {  	_ =	swait.ge [sflag:s29], $0x2000  }
0x91: {  	[sflag:s29] =	ssyncset.done $0x0  }
0x92: {  	[sflag:s29] =	ssyncadd.s32 $0xFFFFE000  }
0x93: {  	_ =	swait.ge [sflag:s29], $0x2000  }
0x94: {  	[sflag:s29] =	ssyncset.done $0x0  }
0x95: {  	[sflag:s29] =	ssyncadd.s32 $0xFFFFE000  }
0x96: {  	_ =	swait.ge [sflag:s29], $0x2000  }
0x97: {  	[sflag:s29] =	ssyncset.done $0x0  }
0x98: {  	[sflag:s29] =	ssyncadd.s32 $0xFFFFE000  }
0x99: {  	s26 =	simm.s32 $0x1400;
	[bflag:$0x0] =	sbarrier.arrive $0xFFFF  }
0x9a: {  	[tilespmem:s21], [sflag:$0x1] =	stream.indirect.gather [hbm4b:s4+s23], $0x80, s26, s23, $0xb8;
	[tilespmem:$0x1FC00] =	vst v63  }
0x9b: {  	_ =	swait.ge [sflag:s31], $0x2000  }
0x9c: {  	[sflag:s31] =	ssyncset.done $0x0  }
0x9d: {  	s30 =	simm.s32 $0x2800;
	[sflag:s31] =	ssyncadd.s32 $0xFFFFE000  }
0x9e: {  	[spmem:s2] =	stream.indirect.scatter.add.f32 [tilespmem:s21], [sflag:$0x5], $0x80, s30, s23, $0xb8;
	[tilespmem:$0x1FC00] =	vst v63  }
0x9f: {  	_ = 	snop  }
0xa0: {  	[tilespmem:s6], [sflag:$0x4] =	stream.indirect.gather [hbm4b:s4+s23], $0x80, s0, s23, $0xb8;
	[tilespmem:$0x1FC00] =	vst v63  }
0xa1: {  	_ =	swait.ge [sflag:s7], $0x2000  }
0xa2: {  	[sflag:s7] =	ssyncset.done $0x0  }
0xa3: {  	[sflag:s7] =	ssyncadd.s32 $0xFFFFE000  }
0xa4: {  	[spmem:s2] =	stream.indirect.scatter.add.f32 [tilespmem:s25], [sflag:$0x6], $0x80, s8, s23, $0xb8;
	[tilespmem:$0x1FC00] =	vst v63  }
0xa5: {  	_ =	swait.ge [sflag:s29], $0x2000  }
0xa6: {  	[sflag:s29] =	ssyncset.done $0x0  }
0xa7: {  	[sflag:s29] =	ssyncadd.s32 $0xFFFFE000  }
0xa8: {  	[tilespmem:s21], [sflag:$0x1] =	stream.indirect.gather [hbm4b:s4+s23], $0x80, s9, s23, $0xb8;
	[tilespmem:$0x1FC00] =	vst v63  }
0xa9: {  	_ =	swait.ge [sflag:s10], $0x2000  }
0xaa: {  	[sflag:s10] =	ssyncset.done $0x0  }
0xab: {  	[sflag:s10] =	ssyncadd.s32 $0xFFFFE000  }
0xac: {  	[spmem:s2] =	stream.indirect.scatter.add.f32 [tilespmem:s28], [sflag:$0x7], $0x80, s11, s23, $0xb8;
	[tilespmem:$0x1FC00] =	vst v63  }
0xad: {  	_ =	swait.ge [sflag:s12], $0x2000  }
0xae: {  	[sflag:s12] =	ssyncset.done $0x0  }
0xaf: {  	[sflag:s12] =	ssyncadd.s32 $0xFFFFE000  }
0xb0: {  	[tilespmem:s25], [sflag:$0x2] =	stream.indirect.gather [hbm4b:s4+s23], $0x80, s13, s23, $0xb8;
	[tilespmem:$0x1FC00] =	vst v63  }
0xb1: {  	_ =	swait.ge [sflag:s14], $0x2000  }
0xb2: {  	[sflag:s14] =	ssyncset.done $0x0  }
0xb3: {  	[sflag:s14] =	ssyncadd.s32 $0xFFFFE000  }
0xb4: {  	[spmem:s2] =	stream.indirect.scatter.add.f32 [tilespmem:s6], [sflag:$0x8], $0x80, s15, s23, $0xb8;
	[tilespmem:$0x1FC00] =	vst v63  }
0xb5: {  	_ =	swait.ge [sflag:s16], $0x2000  }
0xb6: {  	[sflag:s16] =	ssyncset.done $0x0  }
0xb7: {  	s20 =	simm.s32 $0x0;
	[sflag:s16] =	ssyncadd.s32 $0xFFFFE000  }
0xb8: {  	[tilespmem:s28], [sflag:$0x3] =	stream.indirect.gather [hbm4b:s4+s23], $0x80, s17, s23, $0xb8;
	[tilespmem:$0x1FC00] =	vst v63  }
.LBB2_6:
0xb9: {  	_ =	swait.ge [sflag:s31], $0x2000  }
0xba: {  	s19 =	sshra.s32 s20, $0x2;
	[sflag:s31] =	ssyncset.done $0x0  }
0xbb: {  	s24 =	sadd.s32 $0x2A00, s19;
	[sflag:s31] =	ssyncadd.s32 $0xFFFFE000  }
0xbc: {  	[spmem:s2] =	stream.indirect.scatter.add.f32 [tilespmem:s21], [sflag:$0x5], $0x80, s24, s23, $0xb8;
	[tilespmem:$0x1FC00] =	vst v63  }
0xbd: {  	_ =	swait.ge [sflag:s18], $0x2000  }
0xbe: {  	[sflag:s18] =	ssyncset.done $0x0  }
0xbf: {  	s1 =	sadd.s32 $0x1780, s19;
	[sflag:s18] =	ssyncadd.s32 $0xFFFFE000  }
0xc0: {  	[tilespmem:s6], [sflag:$0x4] =	stream.indirect.gather [hbm4b:s4+s23], $0x80, s1, s23, $0xb8;
	[tilespmem:$0x1FC00] =	vst v63  }
0xc1: {  	_ =	swait.ge [sflag:s7], $0x2000  }
0xc2: {  	p0 =	seq.s32 s20, $0x4000;
	[sflag:s7] =	ssyncset.done $0x0  }
0xc3: {  	s26 =	sadd.s32 $0x2A80, s19;
	s24 =	simm.s32 @p0 $0x3;
	[sflag:s7] =	ssyncadd.s32 $0xFFFFE000  }
0xc4: {  	[spmem:s2] =	stream.indirect.scatter.add.f32 [tilespmem:s25], [sflag:$0x6], $0x80, s26, s23, $0xb8;
	[tilespmem:$0x1FC00] =	vst v63  }
0xc5: {  	_ =	swait.ge @p0 [sflag:s24], $0x2000  }
0xc6: {  	[sflag:s24] =	ssyncset.done @p0 $0x0  }
0xc7: {  	[sflag:s24] =	ssyncadd.s32 @p0 $0xFFFFE000;
	s24 =	sshra.s32 @p0 s20, $0x2  }
0xc8: {  	s30 =	simm.s32 @p0 $0x7C00;
	s26 =	simm.s32 @p0 $0x40;
	s24 =	sadd.s32 @p0 $0x2B00, s24  }
0xc9: {  	[spmem:s2] =	stream.indirect.scatter.add.f32 @p0 [tilespmem:s30], [sflag:$0x7], $0x80, s24, s26, $0xb8;
	[tilespmem:$0x1FC00] =	vst v63  }
0xca: {  	s24 =	simm.s32 @!p0 $0x5  }
0xcb: {  	_ =	swait.ge @!p0 [sflag:s24], $0x2000  }
0xcc: {  	[sflag:s24] =	ssyncset.done @!p0 $0x0  }
0xcd: {  	[sflag:s24] =	ssyncadd.s32 @!p0 $0xFFFFE000;
	s24 =	sshra.s32 @!p0 s20, $0x2  }
0xce: {  	s1 =	simm.s32 @!p0 $0x3C00;
	s30 =	simm.s32 @!p0 $0x40;
	s26 =	sadd.s32 @!p0 $0x1800, s24  }
0xcf: {  	[tilespmem:s1], [sflag:$0x1] =	stream.indirect.gather @!p0 [hbm4b:s4+s30], $0x80, s26, s30, $0xb8;
	[tilespmem:$0x1FC00] =	vst v63  }
0xd0: {  	s1 =	simm.s32 @!p0 $0x3  }
0xd1: {  	_ =	swait.ge @!p0 [sflag:s1], $0x2000  }
0xd2: {  	[sflag:s1] =	ssyncset.done @!p0 $0x0  }
0xd3: {  	s26 =	simm.s32 @!p0 $0x7C00;
	[sflag:s1] =	ssyncadd.s32 @!p0 $0xFFFFE000;
	s1 =	sadd.s32 @!p0 $0x2B00, s24  }
0xd4: {  	[spmem:s2] =	stream.indirect.scatter.add.f32 @!p0 [tilespmem:s26], [sflag:$0x7], $0x80, s1, s30, $0xb8;
	[tilespmem:$0x1FC00] =	vst v63  }
0xd5: {  	s1 =	simm.s32 @!p0 $0x6  }
0xd6: {  	_ =	swait.ge @!p0 [sflag:s1], $0x2000  }
0xd7: {  	[sflag:s1] =	ssyncset.done @!p0 $0x0  }
0xd8: {  	[sflag:s1] =	ssyncadd.s32 @!p0 $0xFFFFE000;
	s1 =	sadd.s32 @!p0 $0x1880, s24;
	s24 =	simm.s32 @!p0 $0x5C00  }
0xd9: {  	[tilespmem:s24], [sflag:$0x2] =	stream.indirect.gather @!p0 [hbm4b:s4+s30], $0x80, s1, s30, $0xb8;
	[tilespmem:$0x1FC00] =	vst v63  }
.Ltmp4:
0xda: {  	_ = 	snop;
	(pc) =	sbr.rel @p0 .LBB2_8-.Ltmp4, $4  }
0xdb: {  	_ =	swait.ge [sflag:s14], $0x2000  }
0xdc: {  	[sflag:s14] =	ssyncset.done $0x0  }
0xdd: {  	s30 =	sadd.s32 $0x2B80, s19;
	[sflag:s14] =	ssyncadd.s32 $0xFFFFE000  }
0xde: {  	[spmem:s2] =	stream.indirect.scatter.add.f32 [tilespmem:s6], [sflag:$0x8], $0x80, s30, s23, $0xb8;
	[tilespmem:$0x1FC00] =	vst v63  }
.Ltmp5:
0xdf: {  	(pc) =	sbr.rel .LBB2_6-.Ltmp5, $4  }
0xe0: {  	_ =	swait.ge [sflag:s16], $0x2000  }
0xe1: {  	[sflag:s16] =	ssyncset.done $0x0  }
0xe2: {  	s1 =	sadd.s32 $0x1900, s19;
	s20 =	sadd.s32 $0x800, s20;
	[sflag:s16] =	ssyncadd.s32 $0xFFFFE000  }
0xe3: {  	[tilespmem:s28], [sflag:$0x3] =	stream.indirect.gather [hbm4b:s4+s23], $0x80, s1, s23, $0xb8;
	[tilespmem:$0x1FC00] =	vst v63  }
.LBB2_8:
0xe4: {  	s1 =	simm.s32 $0x0;
	s19 =	rddreg [dreg:$0xe]  }
0xe5: {  	[tilespmem:s1], [sflag:$0x9] =	stream.linear.gather [hbm4b:s19+s1], $0x1400, $0x38;
	[tilespmem:$0x1FC00] =	vst v63  }
0xe6: {  	_ =	swait.ge [sflag:s29], $0x2000  }
0xe7: {  	[sflag:s29] =	ssyncset.done $0x0  }
0xe8: {  	[sflag:s29] =	ssyncadd.s32 $0xFFFFE000  }
0xe9: {  	_ =	swait.ge [sflag:s12], $0x2000  }
0xea: {  	[sflag:s12] =	ssyncset.done $0x0  }
0xeb: {  	[sflag:s12] =	ssyncadd.s32 $0xFFFFE000  }
0xec: {  	_ =	swait.ge [sflag:s16], $0x2000  }
0xed: {  	[sflag:s16] =	ssyncset.done $0x0  }
0xee: {  	[sflag:s16] =	ssyncadd.s32 $0xFFFFE000  }
0xef: {  	_ =	swait.ge [sflag:s18], $0x2000  }
0xf0: {  	[sflag:s18] =	ssyncset.done $0x0  }
0xf1: {  	[sflag:s18] =	ssyncadd.s32 $0xFFFFE000  }
0xf2: {  	_ =	swait.ge [sflag:s22], $0x1400  }
0xf3: {  	[sflag:s22] =	ssyncset.done $0x0  }
0xf4: {  	s19 =	simm.s32 $0x0;
	[sflag:s22] =	ssyncadd.s32 $0xFFFFEC00  }
0xf5: {  	v2 =	vld [tilespmem:s19+$0x30]  }
0xf6: {  	v3 =	vld [tilespmem:s19+$0x0]  }
0xf7: {  	v4 =	vld [tilespmem:s19+$0x10]  }
0xf8: {  	v1 =	vld [tilespmem:s19+$0x20];
	_ =	sdelay $0x1  }
0xf9: {  	v5 =	vshrl.u32 v2, $0x11  }
0xfa: {  	v2 =	vand.u32 $0x1FFFF, v2;
	v6 =	vand.u32 $0x1FFFF, v3;
	[tilespmem:s19+$0x2830] =	vst v5  }
0xfb: {  	s20 =	simm.s32 $0x80;
	s24 =	simm.s32 $0x400;
	v3 =	vshrl.u32 v3, $0x11;
	[tilespmem:s19+$0x1400] =	vst v6;
	v5 =	vand.u32 $0x1FFFF, v4;
	v4 =	vshrl.u32 v4, $0x11  }
.LBB2_9:
0xfc: {  	p0 =	sne.s32 s24, $0x4E00;
	v6 =	vld [tilespmem:s20+$0x30];
	[tilespmem:s19+$0x1410] =	vst v5;
	v5 =	vand.u32 $0x1FFFF, v1;
	v7 =	vshrl.u32 v1, $0x11  }
0xfd: {  	v8 =	vld [tilespmem:s20+$0x0];
	[tilespmem:s19+$0x1420] =	vst v5  }
0xfe: {  	v9 =	vld [tilespmem:s20+$0x10];
	[tilespmem:s19+$0x1430] =	vst v2  }
.Ltmp6:
0xff: {  	v1 =	vld [tilespmem:s20+$0x20];
	[tilespmem:s19+$0x2800] =	vst v3;
	(pc) =	sbr.rel @p0 .LBB2_9-.Ltmp6, $4  }
0x100: {  	[tilespmem:s19+$0x2810] =	vst v4  }
0x101: {  	v2 =	vand.u32 $0x1FFFF, v6;
	v4 =	vshrl.u32 v6, $0x11;
	[tilespmem:s19+$0x2820] =	vst v7;
	s19 =	smov.u32 s20  }
0x102: {  	v5 =	vand.u32 $0x1FFFF, v8;
	v3 =	vshrl.u32 v8, $0x11;
	[tilespmem:s19+$0x2830] =	vst v4  }
0x103: {  	s20 =	sshra.s32 s24, $0x2;
	s24 =	sadd.s32 $0x200, s24;
	[tilespmem:s19+$0x1400] =	vst v5;
	v5 =	vand.u32 $0x1FFFF, v9;
	v4 =	vshrl.u32 v9, $0x11  }
0x104: {  	v6 =	vld [tilespmem:s20+$0x30];
	[tilespmem:s19+$0x1410] =	vst v5;
	v63 =	vand.u32 $0x1FFFF, v1  }
0x105: {  	v7 =	vld [tilespmem:s20+$0x0];
	[tilespmem:s19+$0x1420] =	vst v63  }
0x106: {  	v5 =	vld [tilespmem:s20+$0x10];
	[tilespmem:s19+$0x1430] =	vst v2  }
0x107: {  	v2 =	vld [tilespmem:s20+$0x20];
	[tilespmem:s19+$0x2800] =	vst v3  }
0x108: {  	v1 =	vshrl.u32 v1, $0x11;
	[tilespmem:s19+$0x2810] =	vst v4  }
0x109: {  	[tilespmem:s19+$0x2820] =	vst v1;
	v1 =	vshrl.u32 v6, $0x11  }
0x10a: {  	v3 =	vand.u32 $0x1FFFF, v7;
	[tilespmem:s20+$0x2830] =	vst v1  }
0x10b: {  	[tilespmem:s20+$0x1400] =	vst v3;
	v1 =	vand.u32 $0x1FFFF, v5  }
0x10c: {  	v3 =	vand.u32 $0x1FFFF, v6;
	[tilespmem:s20+$0x1410] =	vst v1  }
0x10d: {  	v1 =	vand.u32 $0x1FFFF, v2;
	[tilespmem:s20+$0x1430] =	vst v3  }
0x10e: {  	v3 =	vshrl.u32 v5, $0x11;
	[tilespmem:s20+$0x1420] =	vst v1  }
0x10f: {  	v1 =	vshrl.u32 v7, $0x11;
	[tilespmem:s20+$0x2810] =	vst v3  }
0x110: {  	[tilespmem:s20+$0x2800] =	vst v1;
	v1 =	vshrl.u32 v2, $0x11  }
0x111: {  	s1 =	simm.s32 $0x1400;
	[tilespmem:s20+$0x2820] =	vst v1  }
0x112: {  	[tilespmem:s21], [sflag:$0x1] =	stream.indirect.gather [hbm4b:s4+s23], $0x80, s1, s23, $0xb8;
	[tilespmem:$0x1FC00] =	vst v63  }
0x113: {  	s24 =	simm.s32 $0x1480  }
0x114: {  	[tilespmem:s25], [sflag:$0x2] =	stream.indirect.gather [hbm4b:s4+s23], $0x80, s24, s23, $0xb8;
	[tilespmem:$0x1FC00] =	vst v63  }
0x115: {  	s26 =	simm.s32 $0x1500  }
0x116: {  	[tilespmem:s28], [sflag:$0x3] =	stream.indirect.gather [hbm4b:s4+s23], $0x80, s26, s23, $0xb8;
	[tilespmem:$0x1FC00] =	vst v63  }
0x117: {  	_ =	swait.ge [sflag:s31], $0x2000  }
0x118: {  	[sflag:s31] =	ssyncset.done $0x0  }
0x119: {  	s30 =	simm.s32 $0x2800;
	[sflag:s31] =	ssyncadd.s32 $0xFFFFE000  }
0x11a: {  	[spmem:s2] =	stream.indirect.scatter.add.f32 [tilespmem:s21], [sflag:$0x5], $0x80, s30, s23, $0xb8;
	[tilespmem:$0x1FC00] =	vst v63  }
0x11b: {  	_ = 	snop  }
0x11c: {  	[tilespmem:s6], [sflag:$0x4] =	stream.indirect.gather [hbm4b:s4+s23], $0x80, s0, s23, $0xb8;
	[tilespmem:$0x1FC00] =	vst v63  }
0x11d: {  	_ =	swait.ge [sflag:s7], $0x2000  }
0x11e: {  	[sflag:s7] =	ssyncset.done $0x0  }
0x11f: {  	[sflag:s7] =	ssyncadd.s32 $0xFFFFE000  }
0x120: {  	[spmem:s2] =	stream.indirect.scatter.add.f32 [tilespmem:s25], [sflag:$0x6], $0x80, s8, s23, $0xb8;
	[tilespmem:$0x1FC00] =	vst v63  }
0x121: {  	_ =	swait.ge [sflag:s29], $0x2000  }
0x122: {  	[sflag:s29] =	ssyncset.done $0x0  }
0x123: {  	[sflag:s29] =	ssyncadd.s32 $0xFFFFE000  }
0x124: {  	[tilespmem:s21], [sflag:$0x1] =	stream.indirect.gather [hbm4b:s4+s23], $0x80, s9, s23, $0xb8;
	[tilespmem:$0x1FC00] =	vst v63  }
0x125: {  	_ =	swait.ge [sflag:s10], $0x2000  }
0x126: {  	[sflag:s10] =	ssyncset.done $0x0  }
0x127: {  	[sflag:s10] =	ssyncadd.s32 $0xFFFFE000  }
0x128: {  	[spmem:s2] =	stream.indirect.scatter.add.f32 [tilespmem:s28], [sflag:$0x7], $0x80, s11, s23, $0xb8;
	[tilespmem:$0x1FC00] =	vst v63  }
0x129: {  	_ =	swait.ge [sflag:s12], $0x2000  }
0x12a: {  	[sflag:s12] =	ssyncset.done $0x0  }
0x12b: {  	[sflag:s12] =	ssyncadd.s32 $0xFFFFE000  }
0x12c: {  	[tilespmem:s25], [sflag:$0x2] =	stream.indirect.gather [hbm4b:s4+s23], $0x80, s13, s23, $0xb8;
	[tilespmem:$0x1FC00] =	vst v63  }
0x12d: {  	_ =	swait.ge [sflag:s14], $0x2000  }
0x12e: {  	[sflag:s14] =	ssyncset.done $0x0  }
0x12f: {  	[sflag:s14] =	ssyncadd.s32 $0xFFFFE000  }
0x130: {  	[spmem:s2] =	stream.indirect.scatter.add.f32 [tilespmem:s6], [sflag:$0x8], $0x80, s15, s23, $0xb8;
	[tilespmem:$0x1FC00] =	vst v63  }
0x131: {  	_ =	swait.ge [sflag:s16], $0x2000  }
0x132: {  	[sflag:s16] =	ssyncset.done $0x0  }
0x133: {  	s20 =	simm.s32 $0x0;
	[sflag:s16] =	ssyncadd.s32 $0xFFFFE000  }
0x134: {  	[tilespmem:s28], [sflag:$0x3] =	stream.indirect.gather [hbm4b:s4+s23], $0x80, s17, s23, $0xb8;
	[tilespmem:$0x1FC00] =	vst v63  }
.LBB2_11:
0x135: {  	_ =	swait.ge [sflag:s31], $0x2000  }
0x136: {  	s19 =	sshra.s32 s20, $0x2;
	[sflag:s31] =	ssyncset.done $0x0  }
0x137: {  	s1 =	sadd.s32 $0x2A00, s19;
	[sflag:s31] =	ssyncadd.s32 $0xFFFFE000  }
0x138: {  	[spmem:s2] =	stream.indirect.scatter.add.f32 [tilespmem:s21], [sflag:$0x5], $0x80, s1, s23, $0xb8;
	[tilespmem:$0x1FC00] =	vst v63  }
0x139: {  	_ =	swait.ge [sflag:s18], $0x2000  }
0x13a: {  	[sflag:s18] =	ssyncset.done $0x0  }
0x13b: {  	s24 =	sadd.s32 $0x1780, s19;
	[sflag:s18] =	ssyncadd.s32 $0xFFFFE000  }
0x13c: {  	[tilespmem:s6], [sflag:$0x4] =	stream.indirect.gather [hbm4b:s4+s23], $0x80, s24, s23, $0xb8;
	[tilespmem:$0x1FC00] =	vst v63  }
0x13d: {  	_ =	swait.ge [sflag:s7], $0x2000  }
0x13e: {  	p0 =	seq.s32 s20, $0x4000;
	[sflag:s7] =	ssyncset.done $0x0  }
0x13f: {  	s26 =	sadd.s32 $0x2A80, s19;
	s1 =	simm.s32 @p0 $0x3;
	[sflag:s7] =	ssyncadd.s32 $0xFFFFE000  }
0x140: {  	[spmem:s2] =	stream.indirect.scatter.add.f32 [tilespmem:s25], [sflag:$0x6], $0x80, s26, s23, $0xb8;
	[tilespmem:$0x1FC00] =	vst v63  }
0x141: {  	_ =	swait.ge @p0 [sflag:s1], $0x2000  }
0x142: {  	[sflag:s1] =	ssyncset.done @p0 $0x0  }
0x143: {  	[sflag:s1] =	ssyncadd.s32 @p0 $0xFFFFE000;
	s1 =	sshra.s32 @p0 s20, $0x2  }
0x144: {  	s24 =	simm.s32 @p0 $0x40;
	s26 =	simm.s32 @p0 $0x7C00;
	s1 =	sadd.s32 @p0 $0x2B00, s1  }
0x145: {  	[spmem:s2] =	stream.indirect.scatter.add.f32 @p0 [tilespmem:s26], [sflag:$0x7], $0x80, s1, s24, $0xb8;
	[tilespmem:$0x1FC00] =	vst v63  }
0x146: {  	s1 =	simm.s32 @!p0 $0x5  }
0x147: {  	_ =	swait.ge @!p0 [sflag:s1], $0x2000  }
0x148: {  	[sflag:s1] =	ssyncset.done @!p0 $0x0  }
0x149: {  	[sflag:s1] =	ssyncadd.s32 @!p0 $0xFFFFE000;
	s1 =	sshra.s32 @!p0 s20, $0x2  }
0x14a: {  	s30 =	simm.s32 @!p0 $0x3C00;
	s26 =	simm.s32 @!p0 $0x40;
	s24 =	sadd.s32 @!p0 $0x1800, s1  }
0x14b: {  	[tilespmem:s30], [sflag:$0x1] =	stream.indirect.gather @!p0 [hbm4b:s4+s26], $0x80, s24, s26, $0xb8;
	[tilespmem:$0x1FC00] =	vst v63  }
0x14c: {  	s24 =	simm.s32 @!p0 $0x3  }
0x14d: {  	_ =	swait.ge @!p0 [sflag:s24], $0x2000  }
0x14e: {  	[sflag:s24] =	ssyncset.done @!p0 $0x0  }
0x14f: {  	s30 =	simm.s32 @!p0 $0x7C00;
	[sflag:s24] =	ssyncadd.s32 @!p0 $0xFFFFE000;
	s24 =	sadd.s32 @!p0 $0x2B00, s1  }
0x150: {  	[spmem:s2] =	stream.indirect.scatter.add.f32 @!p0 [tilespmem:s30], [sflag:$0x7], $0x80, s24, s26, $0xb8;
	[tilespmem:$0x1FC00] =	vst v63  }
0x151: {  	s24 =	simm.s32 @!p0 $0x6  }
0x152: {  	_ =	swait.ge @!p0 [sflag:s24], $0x2000  }
0x153: {  	[sflag:s24] =	ssyncset.done @!p0 $0x0  }
0x154: {  	s1 =	sadd.s32 @!p0 $0x1880, s1;
	[sflag:s24] =	ssyncadd.s32 @!p0 $0xFFFFE000;
	s24 =	simm.s32 @!p0 $0x5C00  }
0x155: {  	[tilespmem:s24], [sflag:$0x2] =	stream.indirect.gather @!p0 [hbm4b:s4+s26], $0x80, s1, s26, $0xb8;
	[tilespmem:$0x1FC00] =	vst v63  }
.Ltmp7:
0x156: {  	_ = 	snop;
	(pc) =	sbr.rel @p0 .LBB2_13-.Ltmp7, $4  }
0x157: {  	_ =	swait.ge [sflag:s14], $0x2000  }
0x158: {  	[sflag:s14] =	ssyncset.done $0x0  }
0x159: {  	s30 =	sadd.s32 $0x2B80, s19;
	[sflag:s14] =	ssyncadd.s32 $0xFFFFE000  }
0x15a: {  	[spmem:s2] =	stream.indirect.scatter.add.f32 [tilespmem:s6], [sflag:$0x8], $0x80, s30, s23, $0xb8;
	[tilespmem:$0x1FC00] =	vst v63  }
.Ltmp8:
0x15b: {  	(pc) =	sbr.rel .LBB2_11-.Ltmp8, $4  }
0x15c: {  	_ =	swait.ge [sflag:s16], $0x2000  }
0x15d: {  	[sflag:s16] =	ssyncset.done $0x0  }
0x15e: {  	s1 =	sadd.s32 $0x1900, s19;
	s20 =	sadd.s32 $0x800, s20;
	[sflag:s16] =	ssyncadd.s32 $0xFFFFE000  }
0x15f: {  	[tilespmem:s28], [sflag:$0x3] =	stream.indirect.gather [hbm4b:s4+s23], $0x80, s1, s23, $0xb8;
	[tilespmem:$0x1FC00] =	vst v63  }
.LBB2_13:
0x160: {  	s1 =	simm.s32 $0x0;
	s19 =	rddreg [dreg:$0xf]  }
0x161: {  	[tilespmem:s1], [sflag:$0x9] =	stream.linear.gather [hbm4b:s19+s1], $0x1400, $0x38;
	[tilespmem:$0x1FC00] =	vst v63  }
0x162: {  	_ =	swait.ge [sflag:s29], $0x2000  }
0x163: {  	[sflag:s29] =	ssyncset.done $0x0  }
0x164: {  	[sflag:s29] =	ssyncadd.s32 $0xFFFFE000  }
0x165: {  	_ =	swait.ge [sflag:s12], $0x2000  }
0x166: {  	[sflag:s12] =	ssyncset.done $0x0  }
0x167: {  	[sflag:s12] =	ssyncadd.s32 $0xFFFFE000  }
0x168: {  	_ =	swait.ge [sflag:s16], $0x2000  }
0x169: {  	[sflag:s16] =	ssyncset.done $0x0  }
0x16a: {  	[sflag:s16] =	ssyncadd.s32 $0xFFFFE000  }
0x16b: {  	_ =	swait.ge [sflag:s18], $0x2000  }
0x16c: {  	[sflag:s18] =	ssyncset.done $0x0  }
0x16d: {  	[sflag:s18] =	ssyncadd.s32 $0xFFFFE000  }
0x16e: {  	_ =	swait.ge [sflag:s22], $0x1400  }
0x16f: {  	[sflag:s22] =	ssyncset.done $0x0  }
0x170: {  	s19 =	simm.s32 $0x0;
	[sflag:s22] =	ssyncadd.s32 $0xFFFFEC00  }
0x171: {  	v2 =	vld [tilespmem:s19+$0x30]  }
0x172: {  	v3 =	vld [tilespmem:s19+$0x0]  }
0x173: {  	v4 =	vld [tilespmem:s19+$0x10]  }
0x174: {  	v1 =	vld [tilespmem:s19+$0x20];
	_ =	sdelay $0x1  }
0x175: {  	v5 =	vshrl.u32 v2, $0x11  }
0x176: {  	v2 =	vand.u32 $0x1FFFF, v2;
	v6 =	vand.u32 $0x1FFFF, v3;
	[tilespmem:s19+$0x2830] =	vst v5  }
0x177: {  	s20 =	simm.s32 $0x80;
	s24 =	simm.s32 $0x400;
	v3 =	vshrl.u32 v3, $0x11;
	[tilespmem:s19+$0x1400] =	vst v6;
	v5 =	vand.u32 $0x1FFFF, v4;
	v4 =	vshrl.u32 v4, $0x11  }
.LBB2_14:
0x178: {  	p0 =	sne.s32 s24, $0x4E00;
	v6 =	vld [tilespmem:s20+$0x30];
	[tilespmem:s19+$0x1410] =	vst v5;
	v5 =	vand.u32 $0x1FFFF, v1;
	v7 =	vshrl.u32 v1, $0x11  }
0x179: {  	v8 =	vld [tilespmem:s20+$0x0];
	[tilespmem:s19+$0x1420] =	vst v5  }
0x17a: {  	v9 =	vld [tilespmem:s20+$0x10];
	[tilespmem:s19+$0x1430] =	vst v2  }
.Ltmp9:
0x17b: {  	v1 =	vld [tilespmem:s20+$0x20];
	[tilespmem:s19+$0x2800] =	vst v3;
	(pc) =	sbr.rel @p0 .LBB2_14-.Ltmp9, $4  }
0x17c: {  	[tilespmem:s19+$0x2810] =	vst v4  }
0x17d: {  	v2 =	vand.u32 $0x1FFFF, v6;
	v4 =	vshrl.u32 v6, $0x11;
	[tilespmem:s19+$0x2820] =	vst v7;
	s19 =	smov.u32 s20  }
0x17e: {  	v5 =	vand.u32 $0x1FFFF, v8;
	v3 =	vshrl.u32 v8, $0x11;
	[tilespmem:s19+$0x2830] =	vst v4  }
0x17f: {  	s20 =	sshra.s32 s24, $0x2;
	s24 =	sadd.s32 $0x200, s24;
	[tilespmem:s19+$0x1400] =	vst v5;
	v5 =	vand.u32 $0x1FFFF, v9;
	v4 =	vshrl.u32 v9, $0x11  }
0x180: {  	v6 =	vld [tilespmem:s20+$0x30];
	[tilespmem:s19+$0x1410] =	vst v5;
	v63 =	vand.u32 $0x1FFFF, v1  }
0x181: {  	v7 =	vld [tilespmem:s20+$0x0];
	[tilespmem:s19+$0x1420] =	vst v63  }
0x182: {  	v5 =	vld [tilespmem:s20+$0x10];
	[tilespmem:s19+$0x1430] =	vst v2  }
0x183: {  	v2 =	vld [tilespmem:s20+$0x20];
	[tilespmem:s19+$0x2800] =	vst v3  }
0x184: {  	v1 =	vshrl.u32 v1, $0x11;
	[tilespmem:s19+$0x2810] =	vst v4  }
0x185: {  	[tilespmem:s19+$0x2820] =	vst v1;
	v1 =	vshrl.u32 v6, $0x11  }
0x186: {  	v3 =	vand.u32 $0x1FFFF, v7;
	[tilespmem:s20+$0x2830] =	vst v1  }
0x187: {  	[tilespmem:s20+$0x1400] =	vst v3;
	v1 =	vand.u32 $0x1FFFF, v5  }
0x188: {  	v3 =	vand.u32 $0x1FFFF, v6;
	[tilespmem:s20+$0x1410] =	vst v1  }
0x189: {  	v1 =	vand.u32 $0x1FFFF, v2;
	[tilespmem:s20+$0x1430] =	vst v3  }
0x18a: {  	v3 =	vshrl.u32 v5, $0x11;
	[tilespmem:s20+$0x1420] =	vst v1  }
0x18b: {  	v1 =	vshrl.u32 v7, $0x11;
	[tilespmem:s20+$0x2810] =	vst v3  }
0x18c: {  	[tilespmem:s20+$0x2800] =	vst v1;
	v1 =	vshrl.u32 v2, $0x11  }
0x18d: {  	s1 =	simm.s32 $0x1400;
	[tilespmem:s20+$0x2820] =	vst v1  }
0x18e: {  	[tilespmem:s21], [sflag:$0x1] =	stream.indirect.gather [hbm4b:s4+s23], $0x80, s1, s23, $0xb8;
	[tilespmem:$0x1FC00] =	vst v63  }
0x18f: {  	s24 =	simm.s32 $0x1480  }
0x190: {  	[tilespmem:s25], [sflag:$0x2] =	stream.indirect.gather [hbm4b:s4+s23], $0x80, s24, s23, $0xb8;
	[tilespmem:$0x1FC00] =	vst v63  }
0x191: {  	s26 =	simm.s32 $0x1500  }
0x192: {  	[tilespmem:s28], [sflag:$0x3] =	stream.indirect.gather [hbm4b:s4+s23], $0x80, s26, s23, $0xb8;
	[tilespmem:$0x1FC00] =	vst v63  }
0x193: {  	_ =	swait.ge [sflag:s31], $0x2000  }
0x194: {  	[sflag:s31] =	ssyncset.done $0x0  }
0x195: {  	s30 =	simm.s32 $0x2800;
	[sflag:s31] =	ssyncadd.s32 $0xFFFFE000  }
0x196: {  	[spmem:s2] =	stream.indirect.scatter.add.f32 [tilespmem:s21], [sflag:$0x5], $0x80, s30, s23, $0xb8;
	[tilespmem:$0x1FC00] =	vst v63  }
0x197: {  	_ = 	snop  }
0x198: {  	[tilespmem:s6], [sflag:$0x4] =	stream.indirect.gather [hbm4b:s4+s23], $0x80, s0, s23, $0xb8;
	[tilespmem:$0x1FC00] =	vst v63  }
0x199: {  	_ =	swait.ge [sflag:s7], $0x2000  }
0x19a: {  	[sflag:s7] =	ssyncset.done $0x0  }
0x19b: {  	[sflag:s7] =	ssyncadd.s32 $0xFFFFE000  }
0x19c: {  	[spmem:s2] =	stream.indirect.scatter.add.f32 [tilespmem:s25], [sflag:$0x6], $0x80, s8, s23, $0xb8;
	[tilespmem:$0x1FC00] =	vst v63  }
0x19d: {  	_ =	swait.ge [sflag:s29], $0x2000  }
0x19e: {  	[sflag:s29] =	ssyncset.done $0x0  }
0x19f: {  	[sflag:s29] =	ssyncadd.s32 $0xFFFFE000  }
0x1a0: {  	[tilespmem:s21], [sflag:$0x1] =	stream.indirect.gather [hbm4b:s4+s23], $0x80, s9, s23, $0xb8;
	[tilespmem:$0x1FC00] =	vst v63  }
0x1a1: {  	_ =	swait.ge [sflag:s10], $0x2000  }
0x1a2: {  	[sflag:s10] =	ssyncset.done $0x0  }
0x1a3: {  	[sflag:s10] =	ssyncadd.s32 $0xFFFFE000  }
0x1a4: {  	[spmem:s2] =	stream.indirect.scatter.add.f32 [tilespmem:s28], [sflag:$0x7], $0x80, s11, s23, $0xb8;
	[tilespmem:$0x1FC00] =	vst v63  }
0x1a5: {  	_ =	swait.ge [sflag:s12], $0x2000  }
0x1a6: {  	[sflag:s12] =	ssyncset.done $0x0  }
0x1a7: {  	[sflag:s12] =	ssyncadd.s32 $0xFFFFE000  }
0x1a8: {  	[tilespmem:s25], [sflag:$0x2] =	stream.indirect.gather [hbm4b:s4+s23], $0x80, s13, s23, $0xb8;
	[tilespmem:$0x1FC00] =	vst v63  }
0x1a9: {  	_ =	swait.ge [sflag:s14], $0x2000  }
0x1aa: {  	[sflag:s14] =	ssyncset.done $0x0  }
0x1ab: {  	[sflag:s14] =	ssyncadd.s32 $0xFFFFE000  }
0x1ac: {  	[spmem:s2] =	stream.indirect.scatter.add.f32 [tilespmem:s6], [sflag:$0x8], $0x80, s15, s23, $0xb8;
	[tilespmem:$0x1FC00] =	vst v63  }
0x1ad: {  	_ =	swait.ge [sflag:s16], $0x2000  }
0x1ae: {  	[sflag:s16] =	ssyncset.done $0x0  }
0x1af: {  	s20 =	simm.s32 $0x0;
	[sflag:s16] =	ssyncadd.s32 $0xFFFFE000  }
0x1b0: {  	[tilespmem:s28], [sflag:$0x3] =	stream.indirect.gather [hbm4b:s4+s23], $0x80, s17, s23, $0xb8;
	[tilespmem:$0x1FC00] =	vst v63  }
.LBB2_16:
0x1b1: {  	_ =	swait.ge [sflag:s31], $0x2000  }
0x1b2: {  	s19 =	sshra.s32 s20, $0x2;
	[sflag:s31] =	ssyncset.done $0x0  }
0x1b3: {  	s1 =	sadd.s32 $0x2A00, s19;
	[sflag:s31] =	ssyncadd.s32 $0xFFFFE000  }
0x1b4: {  	[spmem:s2] =	stream.indirect.scatter.add.f32 [tilespmem:s21], [sflag:$0x5], $0x80, s1, s23, $0xb8;
	[tilespmem:$0x1FC00] =	vst v63  }
0x1b5: {  	_ =	swait.ge [sflag:s18], $0x2000  }
0x1b6: {  	[sflag:s18] =	ssyncset.done $0x0  }
0x1b7: {  	s24 =	sadd.s32 $0x1780, s19;
	[sflag:s18] =	ssyncadd.s32 $0xFFFFE000  }
0x1b8: {  	[tilespmem:s6], [sflag:$0x4] =	stream.indirect.gather [hbm4b:s4+s23], $0x80, s24, s23, $0xb8;
	[tilespmem:$0x1FC00] =	vst v63  }
0x1b9: {  	_ =	swait.ge [sflag:s7], $0x2000  }
0x1ba: {  	p0 =	seq.s32 s20, $0x4000;
	[sflag:s7] =	ssyncset.done $0x0  }
0x1bb: {  	s26 =	sadd.s32 $0x2A80, s19;
	s1 =	simm.s32 @p0 $0x3;
	[sflag:s7] =	ssyncadd.s32 $0xFFFFE000  }
0x1bc: {  	[spmem:s2] =	stream.indirect.scatter.add.f32 [tilespmem:s25], [sflag:$0x6], $0x80, s26, s23, $0xb8;
	[tilespmem:$0x1FC00] =	vst v63  }
0x1bd: {  	_ =	swait.ge @p0 [sflag:s1], $0x2000  }
0x1be: {  	[sflag:s1] =	ssyncset.done @p0 $0x0  }
0x1bf: {  	[sflag:s1] =	ssyncadd.s32 @p0 $0xFFFFE000;
	s1 =	sshra.s32 @p0 s20, $0x2  }
0x1c0: {  	s24 =	simm.s32 @p0 $0x40;
	s26 =	simm.s32 @p0 $0x7C00;
	s1 =	sadd.s32 @p0 $0x2B00, s1  }
0x1c1: {  	[spmem:s2] =	stream.indirect.scatter.add.f32 @p0 [tilespmem:s26], [sflag:$0x7], $0x80, s1, s24, $0xb8;
	[tilespmem:$0x1FC00] =	vst v63  }
0x1c2: {  	s1 =	simm.s32 @!p0 $0x5  }
0x1c3: {  	_ =	swait.ge @!p0 [sflag:s1], $0x2000  }
0x1c4: {  	[sflag:s1] =	ssyncset.done @!p0 $0x0  }
0x1c5: {  	[sflag:s1] =	ssyncadd.s32 @!p0 $0xFFFFE000;
	s1 =	sshra.s32 @!p0 s20, $0x2  }
0x1c6: {  	s30 =	simm.s32 @!p0 $0x3C00;
	s26 =	simm.s32 @!p0 $0x40;
	s24 =	sadd.s32 @!p0 $0x1800, s1  }
0x1c7: {  	[tilespmem:s30], [sflag:$0x1] =	stream.indirect.gather @!p0 [hbm4b:s4+s26], $0x80, s24, s26, $0xb8;
	[tilespmem:$0x1FC00] =	vst v63  }
0x1c8: {  	s24 =	simm.s32 @!p0 $0x3  }
0x1c9: {  	_ =	swait.ge @!p0 [sflag:s24], $0x2000  }
0x1ca: {  	[sflag:s24] =	ssyncset.done @!p0 $0x0  }
0x1cb: {  	s30 =	simm.s32 @!p0 $0x7C00;
	[sflag:s24] =	ssyncadd.s32 @!p0 $0xFFFFE000;
	s24 =	sadd.s32 @!p0 $0x2B00, s1  }
0x1cc: {  	[spmem:s2] =	stream.indirect.scatter.add.f32 @!p0 [tilespmem:s30], [sflag:$0x7], $0x80, s24, s26, $0xb8;
	[tilespmem:$0x1FC00] =	vst v63  }
0x1cd: {  	s24 =	simm.s32 @!p0 $0x6  }
0x1ce: {  	_ =	swait.ge @!p0 [sflag:s24], $0x2000  }
0x1cf: {  	[sflag:s24] =	ssyncset.done @!p0 $0x0  }
0x1d0: {  	s1 =	sadd.s32 @!p0 $0x1880, s1;
	[sflag:s24] =	ssyncadd.s32 @!p0 $0xFFFFE000;
	s24 =	simm.s32 @!p0 $0x5C00  }
0x1d1: {  	[tilespmem:s24], [sflag:$0x2] =	stream.indirect.gather @!p0 [hbm4b:s4+s26], $0x80, s1, s26, $0xb8;
	[tilespmem:$0x1FC00] =	vst v63  }
.Ltmp10:
0x1d2: {  	_ = 	snop;
	(pc) =	sbr.rel @p0 .LBB2_18-.Ltmp10, $4  }
0x1d3: {  	_ =	swait.ge [sflag:s14], $0x2000  }
0x1d4: {  	[sflag:s14] =	ssyncset.done $0x0  }
0x1d5: {  	s30 =	sadd.s32 $0x2B80, s19;
	[sflag:s14] =	ssyncadd.s32 $0xFFFFE000  }
0x1d6: {  	[spmem:s2] =	stream.indirect.scatter.add.f32 [tilespmem:s6], [sflag:$0x8], $0x80, s30, s23, $0xb8;
	[tilespmem:$0x1FC00] =	vst v63  }
.Ltmp11:
0x1d7: {  	(pc) =	sbr.rel .LBB2_16-.Ltmp11, $4  }
0x1d8: {  	_ =	swait.ge [sflag:s16], $0x2000  }
0x1d9: {  	[sflag:s16] =	ssyncset.done $0x0  }
0x1da: {  	s1 =	sadd.s32 $0x1900, s19;
	s20 =	sadd.s32 $0x800, s20;
	[sflag:s16] =	ssyncadd.s32 $0xFFFFE000  }
0x1db: {  	[tilespmem:s28], [sflag:$0x3] =	stream.indirect.gather [hbm4b:s4+s23], $0x80, s1, s23, $0xb8;
	[tilespmem:$0x1FC00] =	vst v63  }
.LBB2_18:
0x1dc: {  	s1 =	simm.s32 $0x0;
	s19 =	rddreg [dreg:$0x10]  }
0x1dd: {  	[tilespmem:s1], [sflag:$0x9] =	stream.linear.gather [hbm4b:s19+s1], $0x1400, $0x38;
	[tilespmem:$0x1FC00] =	vst v63  }
0x1de: {  	_ =	swait.ge [sflag:s29], $0x2000  }
0x1df: {  	[sflag:s29] =	ssyncset.done $0x0  }
0x1e0: {  	[sflag:s29] =	ssyncadd.s32 $0xFFFFE000  }
0x1e1: {  	_ =	swait.ge [sflag:s12], $0x2000  }
0x1e2: {  	[sflag:s12] =	ssyncset.done $0x0  }
0x1e3: {  	[sflag:s12] =	ssyncadd.s32 $0xFFFFE000  }
0x1e4: {  	_ =	swait.ge [sflag:s16], $0x2000  }
0x1e5: {  	[sflag:s16] =	ssyncset.done $0x0  }
0x1e6: {  	[sflag:s16] =	ssyncadd.s32 $0xFFFFE000  }
0x1e7: {  	_ =	swait.ge [sflag:s18], $0x2000  }
0x1e8: {  	[sflag:s18] =	ssyncset.done $0x0  }
0x1e9: {  	[sflag:s18] =	ssyncadd.s32 $0xFFFFE000  }
0x1ea: {  	_ =	swait.ge [sflag:s22], $0x1400  }
0x1eb: {  	[sflag:s22] =	ssyncset.done $0x0  }
0x1ec: {  	s19 =	simm.s32 $0x0;
	[sflag:s22] =	ssyncadd.s32 $0xFFFFEC00  }
0x1ed: {  	v2 =	vld [tilespmem:s19+$0x30]  }
0x1ee: {  	v3 =	vld [tilespmem:s19+$0x0]  }
0x1ef: {  	v4 =	vld [tilespmem:s19+$0x10]  }
0x1f0: {  	v1 =	vld [tilespmem:s19+$0x20];
	_ =	sdelay $0x1  }
0x1f1: {  	v5 =	vshrl.u32 v2, $0x11  }
0x1f2: {  	v2 =	vand.u32 $0x1FFFF, v2;
	v6 =	vand.u32 $0x1FFFF, v3;
	[tilespmem:s19+$0x2830] =	vst v5  }
0x1f3: {  	s20 =	simm.s32 $0x80;
	s24 =	simm.s32 $0x400;
	v3 =	vshrl.u32 v3, $0x11;
	[tilespmem:s19+$0x1400] =	vst v6;
	v5 =	vand.u32 $0x1FFFF, v4;
	v4 =	vshrl.u32 v4, $0x11  }
.LBB2_19:
0x1f4: {  	p0 =	sne.s32 s24, $0x4E00;
	v6 =	vld [tilespmem:s20+$0x30];
	[tilespmem:s19+$0x1410] =	vst v5;
	v5 =	vand.u32 $0x1FFFF, v1;
	v7 =	vshrl.u32 v1, $0x11  }
0x1f5: {  	v8 =	vld [tilespmem:s20+$0x0];
	[tilespmem:s19+$0x1420] =	vst v5  }
0x1f6: {  	v9 =	vld [tilespmem:s20+$0x10];
	[tilespmem:s19+$0x1430] =	vst v2  }
.Ltmp12:
0x1f7: {  	v1 =	vld [tilespmem:s20+$0x20];
	[tilespmem:s19+$0x2800] =	vst v3;
	(pc) =	sbr.rel @p0 .LBB2_19-.Ltmp12, $4  }
0x1f8: {  	[tilespmem:s19+$0x2810] =	vst v4  }
0x1f9: {  	v2 =	vand.u32 $0x1FFFF, v6;
	v4 =	vshrl.u32 v6, $0x11;
	[tilespmem:s19+$0x2820] =	vst v7;
	s19 =	smov.u32 s20  }
0x1fa: {  	v5 =	vand.u32 $0x1FFFF, v8;
	v3 =	vshrl.u32 v8, $0x11;
	[tilespmem:s19+$0x2830] =	vst v4  }
0x1fb: {  	s20 =	sshra.s32 s24, $0x2;
	s24 =	sadd.s32 $0x200, s24;
	[tilespmem:s19+$0x1400] =	vst v5;
	v5 =	vand.u32 $0x1FFFF, v9;
	v4 =	vshrl.u32 v9, $0x11  }
0x1fc: {  	v6 =	vld [tilespmem:s20+$0x30];
	[tilespmem:s19+$0x1410] =	vst v5;
	v63 =	vand.u32 $0x1FFFF, v1  }
0x1fd: {  	v7 =	vld [tilespmem:s20+$0x0];
	[tilespmem:s19+$0x1420] =	vst v63  }
0x1fe: {  	v5 =	vld [tilespmem:s20+$0x10];
	[tilespmem:s19+$0x1430] =	vst v2  }
0x1ff: {  	v2 =	vld [tilespmem:s20+$0x20];
	[tilespmem:s19+$0x2800] =	vst v3  }
0x200: {  	v1 =	vshrl.u32 v1, $0x11;
	[tilespmem:s19+$0x2810] =	vst v4  }
0x201: {  	[tilespmem:s19+$0x2820] =	vst v1;
	v1 =	vshrl.u32 v6, $0x11  }
0x202: {  	v3 =	vand.u32 $0x1FFFF, v7;
	[tilespmem:s20+$0x2830] =	vst v1  }
0x203: {  	[tilespmem:s20+$0x1400] =	vst v3;
	v1 =	vand.u32 $0x1FFFF, v5  }
0x204: {  	v3 =	vand.u32 $0x1FFFF, v6;
	[tilespmem:s20+$0x1410] =	vst v1  }
0x205: {  	v1 =	vand.u32 $0x1FFFF, v2;
	[tilespmem:s20+$0x1430] =	vst v3  }
0x206: {  	v3 =	vshrl.u32 v5, $0x11;
	[tilespmem:s20+$0x1420] =	vst v1  }
0x207: {  	v1 =	vshrl.u32 v7, $0x11;
	[tilespmem:s20+$0x2810] =	vst v3  }
0x208: {  	[tilespmem:s20+$0x2800] =	vst v1;
	v1 =	vshrl.u32 v2, $0x11  }
0x209: {  	s1 =	simm.s32 $0x1400;
	[tilespmem:s20+$0x2820] =	vst v1  }
0x20a: {  	[tilespmem:s21], [sflag:$0x1] =	stream.indirect.gather [hbm4b:s4+s23], $0x80, s1, s23, $0xb8;
	[tilespmem:$0x1FC00] =	vst v63  }
0x20b: {  	s24 =	simm.s32 $0x1480  }
0x20c: {  	[tilespmem:s25], [sflag:$0x2] =	stream.indirect.gather [hbm4b:s4+s23], $0x80, s24, s23, $0xb8;
	[tilespmem:$0x1FC00] =	vst v63  }
0x20d: {  	s26 =	simm.s32 $0x1500  }
0x20e: {  	[tilespmem:s28], [sflag:$0x3] =	stream.indirect.gather [hbm4b:s4+s23], $0x80, s26, s23, $0xb8;
	[tilespmem:$0x1FC00] =	vst v63  }
0x20f: {  	_ =	swait.ge [sflag:s31], $0x2000  }
0x210: {  	[sflag:s31] =	ssyncset.done $0x0  }
0x211: {  	s30 =	simm.s32 $0x2800;
	[sflag:s31] =	ssyncadd.s32 $0xFFFFE000  }
0x212: {  	[spmem:s2] =	stream.indirect.scatter.add.f32 [tilespmem:s21], [sflag:$0x5], $0x80, s30, s23, $0xb8;
	[tilespmem:$0x1FC00] =	vst v63  }
0x213: {  	_ = 	snop  }
0x214: {  	[tilespmem:s6], [sflag:$0x4] =	stream.indirect.gather [hbm4b:s4+s23], $0x80, s0, s23, $0xb8;
	[tilespmem:$0x1FC00] =	vst v63  }
0x215: {  	_ =	swait.ge [sflag:s7], $0x2000  }
0x216: {  	[sflag:s7] =	ssyncset.done $0x0  }
0x217: {  	[sflag:s7] =	ssyncadd.s32 $0xFFFFE000  }
0x218: {  	[spmem:s2] =	stream.indirect.scatter.add.f32 [tilespmem:s25], [sflag:$0x6], $0x80, s8, s23, $0xb8;
	[tilespmem:$0x1FC00] =	vst v63  }
0x219: {  	_ =	swait.ge [sflag:s29], $0x2000  }
0x21a: {  	[sflag:s29] =	ssyncset.done $0x0  }
0x21b: {  	[sflag:s29] =	ssyncadd.s32 $0xFFFFE000  }
0x21c: {  	[tilespmem:s21], [sflag:$0x1] =	stream.indirect.gather [hbm4b:s4+s23], $0x80, s9, s23, $0xb8;
	[tilespmem:$0x1FC00] =	vst v63  }
0x21d: {  	_ =	swait.ge [sflag:s10], $0x2000  }
0x21e: {  	[sflag:s10] =	ssyncset.done $0x0  }
0x21f: {  	[sflag:s10] =	ssyncadd.s32 $0xFFFFE000  }
0x220: {  	[spmem:s2] =	stream.indirect.scatter.add.f32 [tilespmem:s28], [sflag:$0x7], $0x80, s11, s23, $0xb8;
	[tilespmem:$0x1FC00] =	vst v63  }
0x221: {  	_ =	swait.ge [sflag:s12], $0x2000  }
0x222: {  	[sflag:s12] =	ssyncset.done $0x0  }
0x223: {  	[sflag:s12] =	ssyncadd.s32 $0xFFFFE000  }
0x224: {  	[tilespmem:s25], [sflag:$0x2] =	stream.indirect.gather [hbm4b:s4+s23], $0x80, s13, s23, $0xb8;
	[tilespmem:$0x1FC00] =	vst v63  }
0x225: {  	_ =	swait.ge [sflag:s14], $0x2000  }
0x226: {  	[sflag:s14] =	ssyncset.done $0x0  }
0x227: {  	[sflag:s14] =	ssyncadd.s32 $0xFFFFE000  }
0x228: {  	[spmem:s2] =	stream.indirect.scatter.add.f32 [tilespmem:s6], [sflag:$0x8], $0x80, s15, s23, $0xb8;
	[tilespmem:$0x1FC00] =	vst v63  }
0x229: {  	_ =	swait.ge [sflag:s16], $0x2000  }
0x22a: {  	[sflag:s16] =	ssyncset.done $0x0  }
0x22b: {  	s20 =	simm.s32 $0x0;
	[sflag:s16] =	ssyncadd.s32 $0xFFFFE000  }
0x22c: {  	[tilespmem:s28], [sflag:$0x3] =	stream.indirect.gather [hbm4b:s4+s23], $0x80, s17, s23, $0xb8;
	[tilespmem:$0x1FC00] =	vst v63  }
.LBB2_21:
0x22d: {  	_ =	swait.ge [sflag:s31], $0x2000  }
0x22e: {  	s19 =	sshra.s32 s20, $0x2;
	[sflag:s31] =	ssyncset.done $0x0  }
0x22f: {  	s1 =	sadd.s32 $0x2A00, s19;
	[sflag:s31] =	ssyncadd.s32 $0xFFFFE000  }
0x230: {  	[spmem:s2] =	stream.indirect.scatter.add.f32 [tilespmem:s21], [sflag:$0x5], $0x80, s1, s23, $0xb8;
	[tilespmem:$0x1FC00] =	vst v63  }
0x231: {  	_ =	swait.ge [sflag:s18], $0x2000  }
0x232: {  	[sflag:s18] =	ssyncset.done $0x0  }
0x233: {  	s24 =	sadd.s32 $0x1780, s19;
	[sflag:s18] =	ssyncadd.s32 $0xFFFFE000  }
0x234: {  	[tilespmem:s6], [sflag:$0x4] =	stream.indirect.gather [hbm4b:s4+s23], $0x80, s24, s23, $0xb8;
	[tilespmem:$0x1FC00] =	vst v63  }
0x235: {  	_ =	swait.ge [sflag:s7], $0x2000  }
0x236: {  	p0 =	seq.s32 s20, $0x4000;
	[sflag:s7] =	ssyncset.done $0x0  }
0x237: {  	s26 =	sadd.s32 $0x2A80, s19;
	s1 =	simm.s32 @p0 $0x3;
	[sflag:s7] =	ssyncadd.s32 $0xFFFFE000  }
0x238: {  	[spmem:s2] =	stream.indirect.scatter.add.f32 [tilespmem:s25], [sflag:$0x6], $0x80, s26, s23, $0xb8;
	[tilespmem:$0x1FC00] =	vst v63  }
0x239: {  	_ =	swait.ge @p0 [sflag:s1], $0x2000  }
0x23a: {  	[sflag:s1] =	ssyncset.done @p0 $0x0  }
0x23b: {  	[sflag:s1] =	ssyncadd.s32 @p0 $0xFFFFE000;
	s1 =	sshra.s32 @p0 s20, $0x2  }
0x23c: {  	s24 =	simm.s32 @p0 $0x40;
	s26 =	simm.s32 @p0 $0x7C00;
	s1 =	sadd.s32 @p0 $0x2B00, s1  }
0x23d: {  	[spmem:s2] =	stream.indirect.scatter.add.f32 @p0 [tilespmem:s26], [sflag:$0x7], $0x80, s1, s24, $0xb8;
	[tilespmem:$0x1FC00] =	vst v63  }
0x23e: {  	s1 =	simm.s32 @!p0 $0x5  }
0x23f: {  	_ =	swait.ge @!p0 [sflag:s1], $0x2000  }
0x240: {  	[sflag:s1] =	ssyncset.done @!p0 $0x0  }
0x241: {  	[sflag:s1] =	ssyncadd.s32 @!p0 $0xFFFFE000;
	s1 =	sshra.s32 @!p0 s20, $0x2  }
0x242: {  	s30 =	simm.s32 @!p0 $0x3C00;
	s26 =	simm.s32 @!p0 $0x40;
	s24 =	sadd.s32 @!p0 $0x1800, s1  }
0x243: {  	[tilespmem:s30], [sflag:$0x1] =	stream.indirect.gather @!p0 [hbm4b:s4+s26], $0x80, s24, s26, $0xb8;
	[tilespmem:$0x1FC00] =	vst v63  }
0x244: {  	s24 =	simm.s32 @!p0 $0x3  }
0x245: {  	_ =	swait.ge @!p0 [sflag:s24], $0x2000  }
0x246: {  	[sflag:s24] =	ssyncset.done @!p0 $0x0  }
0x247: {  	s30 =	simm.s32 @!p0 $0x7C00;
	[sflag:s24] =	ssyncadd.s32 @!p0 $0xFFFFE000;
	s24 =	sadd.s32 @!p0 $0x2B00, s1  }
0x248: {  	[spmem:s2] =	stream.indirect.scatter.add.f32 @!p0 [tilespmem:s30], [sflag:$0x7], $0x80, s24, s26, $0xb8;
	[tilespmem:$0x1FC00] =	vst v63  }
0x249: {  	s24 =	simm.s32 @!p0 $0x6  }
0x24a: {  	_ =	swait.ge @!p0 [sflag:s24], $0x2000  }
0x24b: {  	[sflag:s24] =	ssyncset.done @!p0 $0x0  }
0x24c: {  	s1 =	sadd.s32 @!p0 $0x1880, s1;
	[sflag:s24] =	ssyncadd.s32 @!p0 $0xFFFFE000;
	s24 =	simm.s32 @!p0 $0x5C00  }
0x24d: {  	[tilespmem:s24], [sflag:$0x2] =	stream.indirect.gather @!p0 [hbm4b:s4+s26], $0x80, s1, s26, $0xb8;
	[tilespmem:$0x1FC00] =	vst v63  }
.Ltmp13:
0x24e: {  	_ = 	snop;
	(pc) =	sbr.rel @p0 .LBB2_23-.Ltmp13, $4  }
0x24f: {  	_ =	swait.ge [sflag:s14], $0x2000  }
0x250: {  	[sflag:s14] =	ssyncset.done $0x0  }
0x251: {  	s30 =	sadd.s32 $0x2B80, s19;
	[sflag:s14] =	ssyncadd.s32 $0xFFFFE000  }
0x252: {  	[spmem:s2] =	stream.indirect.scatter.add.f32 [tilespmem:s6], [sflag:$0x8], $0x80, s30, s23, $0xb8;
	[tilespmem:$0x1FC00] =	vst v63  }
.Ltmp14:
0x253: {  	(pc) =	sbr.rel .LBB2_21-.Ltmp14, $4  }
0x254: {  	_ =	swait.ge [sflag:s16], $0x2000  }
0x255: {  	[sflag:s16] =	ssyncset.done $0x0  }
0x256: {  	s1 =	sadd.s32 $0x1900, s19;
	s20 =	sadd.s32 $0x800, s20;
	[sflag:s16] =	ssyncadd.s32 $0xFFFFE000  }
0x257: {  	[tilespmem:s28], [sflag:$0x3] =	stream.indirect.gather [hbm4b:s4+s23], $0x80, s1, s23, $0xb8;
	[tilespmem:$0x1FC00] =	vst v63  }
.LBB2_24:
0x258: {  	_ =	sfence.sel $0x180000  }
0x259: {  	[bflag:$0x0] =	sbarrier.arrive $0xFFFF  }
0x25a: {  	_ =	strace $0x90000047  }
0x25b: {  	s0 =	stileid.u32;
	[bflag:$0x2] =	sbarrier.arrive $0xFFFF  }
0x25c: {  	p0 =	sne.s32 s0, $0x0;
	s0 =	rddreg [dreg:$0x3]  }
0x25d: {  	s0 =	sadd.s32 @!p0 $0x100000, s0  }
0x25e: {  	[sflag:s0] =	ssyncadd.tile.s32 @!p0 $0x1;
	_ =	shalt  }
.Lfunc_end2:
_tile_overlayer_lowered:
.L_overlay_start_2:
0x25f: {  	(tag) =	ssettag $0x2  }
0x260: {  	s0 =	rddreg [dreg:$0x0];
	s2 =	stileid.u32  }
0x261: {  	s1 =	rddreg [dreg:$0x1];
	p0 =	sne.s32 s2, $0x0  }
0x262: {  	s3 =	rddreg [dreg:$0x2];
	[bflag:$0x3] =	sbarrier.arrive $0xFFFF;
	s2 =	simm.s32 @!p0 $0x1C0A  }
0x263: {  	[timem:s3], [sflag:s2] =	dma.local @!p0 [hbm:s0], s1  }
0x264: {  	s0 =	simm.s32 @!p0 $0xA  }
0x265: {  	_ =	swait.ge @!p0 [sflag:s0], s1  }
0x266: {  	s1 =	ssub.s32 @!p0 $0x0, s1;
	[sflag:s0] =	ssyncset.done @!p0 $0x0  }
0x267: {  	[sflag:s0] =	ssyncadd.s32 @!p0 s1  }
0x268: {  	[bflag:$0x3] =	sbarrier.arrive $0xFFFF  }
0x269: {  	_ =	shalt  }

</sc_bundles>
